<compile_context>
chip_gen: v7x
topology: tpu7x:2x2x1
jax: 0.10.2.dev20260603
libtpu: 0.0.44.dev20260713+nightly
codegen_flags: <defaults>
</compile_context>

<pallas_src>
import functools

import jax
import jax.numpy as jnp
from jax import lax
from jax.experimental import pallas as pl
from jax.experimental.pallas import tpu as pltpu
from jax.experimental.pallas import tpu_sc as plsc

B = 8
CIN = 1728
H = 18
W = 80
CEV = 864
COD = 1728
JC = 16
NJ = W // JC
ROWS = 25920
NT = 32
N_EV = B * 9 * NJ
CH = 288


def _sc_transpose_flatten(x):
    mesh = plsc.VectorSubcoreMesh(core_axis_name="c", subcore_axis_name="s")

    @functools.partial(
        pl.kernel,
        mesh=mesh,
        out_type=jax.ShapeDtypeStruct((B, ROWS, 72), jnp.float32),
        scratch_types=[
            pltpu.VMEM((CH, W), jnp.float32),
            pltpu.VMEM((CH, W), jnp.float32),
            pltpu.VMEM((JC * 24, 72), jnp.float32),
            pltpu.SemaphoreType.DMA,
            pltpu.SemaphoreType.DMA,
        ],
        compiler_params=pltpu.CompilerParams(
            needs_layout_passes=False, use_tc_tiling_on_sc=True
        ),
    )
    def body(x_hbm, out_hbm, in_v0, in_v1, t_v, sem0, sem1):
        tid = lax.axis_index("s") * 2 + lax.axis_index("c")
        iota = lax.iota(jnp.int32, 16)
        bufs = (in_v0, in_v1)
        sems = (sem0, sem1)

        def unit(u, parity, cc, ad):
            b = u // 45
            r = u % 45
            m = r // 5
            jc = r % 5
            i = 2 * m + parity
            j0 = jc * JC
            row0 = 2880 * m + 960 * parity + jc * JC * ad
            nch = cc // CH

            def load(ci):
                return pltpu.async_copy(
                    x_hbm.at[b, pl.ds(ci * CH, CH), i, :],
                    bufs[ci % 2].at[:, :],
                    sems[ci % 2],
                )

            def scatter_chunk(ci):
                buf = bufs[ci % 2]

                def outer(kk, carry1):
                    rows = iota * ad + (ci * (CH // 72) + kk)

                    def inner(c72, cols):
                        v = buf[kk * 72 + c72, pl.ds(j0, JC)]
                        plsc.store_scatter(t_v, [rows, cols], v)
                        return cols + 1

                    lax.fori_loop(
                        0, 72, inner, jnp.zeros((16,), jnp.int32), unroll=12
                    )
                    return carry1

                lax.fori_loop(0, CH // 72, outer, 0)

            h = load(0)
            for ci in range(nch):
                nxt = load(ci + 1) if ci + 1 < nch else None
                h.wait()
                scatter_chunk(ci)
                h = nxt
            pltpu.sync_copy(
                t_v.at[pl.ds(0, JC * ad), :],
                out_hbm.at[b, pl.ds(row0, JC * ad), :],
            )

        def ev_step(s, carry):
            u = tid + s * NT

            @pl.when(u < N_EV)
            def _():
                unit(u, 0, CEV, 12)

            return carry

        def od_step(s, carry):
            u = tid + s * NT

            @pl.when(u < N_EV)
            def _():
                unit(u, 1, COD, 24)

            return carry

        n_steps = (N_EV + NT - 1) // NT
        lax.fori_loop(0, n_steps, ev_step, 0)
        lax.fori_loop(0, n_steps, od_step, 0)

    return body(x)


def kernel(x):
    return _sc_transpose_flatten(x)

# --- scband reference (transcript-rebuilt; emitter-appended) ---
"""Pipeline reference for scband-be-vanchor-flatten-13254269075983 (READ-ONLY COPY).

The authoritative reference and input builder live on the scoring server;
editing this copy changes nothing except your own understanding.
"""

import jax, jax.numpy as jnp
import numpy as np

# anchor_distribution: 18x80, rows alternate 12 (even i) and 24 (odd i)
_AD = np.broadcast_to(np.where((np.arange(18) % 2 == 0)[:, None], 12, 24), (18, 80))
_MAX = int(_AD.max())  # 24
_mask = np.zeros(18 * 80 * _MAX, dtype=bool)
for _i in range(18):
    for _j in range(80):
        _s = (_i * 80 + _j) * _MAX
        _mask[_s:_s + int(_AD[_i, _j])] = True
_IDX = np.nonzero(_mask)[0]  # 25920 selected anchor slots (numpy: avoids device op at import; semantics identical)


def setup_inputs(seed: int = 0) -> dict:
    key = jax.random.key(seed)
    x = jax.random.normal(key, (8, 1728, 18, 80), dtype=jnp.float32)
    return {"x": x}


def reference(x):
    B = x.shape[0]
    y = jnp.transpose(x, (0, 2, 3, 1))  # [B, 18, 80, 1728]
    y = y.reshape(B, 1440 * _MAX, -1)   # [B, 34560, 72]
    y = jnp.take(y, _IDX, axis=1)       # boolean-map gather -> [B, 25920, 72]
    return y

if __name__ == "__main__":
    import jax
    _d = setup_inputs()
    print(jax.jit(kernel)(*tuple(_d.values())))

</pallas_src>

<mosaic_0001>
#map = affine_map<(d0, d1) -> (0, 0, 0, 0)>
#map1 = affine_map<(d0, d1) -> (0, 0, 0)>
module attributes {stable_mosaic.version = 14 : i64} {
  func.func @body(%arg0: i32, %arg1: i32, %arg2: memref<8x1728x18x80xf32, #tpu.memory_space<hbm>>, %arg3: memref<8x25920x72xf32, #tpu.memory_space<hbm>>, %arg4: memref<288x80xf32, #tpu.memory_space<vmem>>, %arg5: memref<288x80xf32, #tpu.memory_space<vmem>>, %arg6: memref<384x72xf32, #tpu.memory_space<vmem>>, %arg7: memref<!tpu.dma_semaphore, #tpu.memory_space<semaphore_mem>>, %arg8: memref<!tpu.dma_semaphore, #tpu.memory_space<semaphore_mem>>) attributes {dimension_semantics = [#tpu.dimension_semantics<core_parallel>, #tpu.dimension_semantics<subcore_parallel>], iteration_bounds = array<i64: 2, 16>, scalar_prefetch = 0 : i64, scratch_operands = 5 : i64, tpu.core_type = #tpu.core_type<sc_vector_subcore>, window_params = [{transform_indices = #map}, {transform_indices = #map1}]} {
    %mul3A = arith.constant 2 : i32
    %mul3A_0 = arith.muli %arg1, %mul3A : i32
    %add3A = arith.addi %mul3A_0, %arg0 : i32
    %iota3A = tpu.iota {dimensions = array<i32: 0>} : vector<16xi32>
    %scan3A = arith.constant 0 : i32
    %scan3A_1 = arith.constant 0 : i32
    %scan3A_2 = arith.constant 12 : i32
    %scan3A_3 = arith.addi %scan3A_1, %scan3A_2 : i32
    %scan3A_4 = arith.constant 1 : i32
    scf.for %scan3A_12 = %scan3A_1 to %scan3A_3 step %scan3A_4  : i32 {
      %mul3A_13 = arith.constant 32 : i32
      %mul3A_14 = arith.muli %scan3A_12, %mul3A_13 : i32
      %add3A_15 = arith.addi %add3A, %mul3A_14 : i32
      %lt3A = arith.constant 360 : i32
      %lt3A_16 = arith.cmpi slt, %add3A_15, %lt3A : i32
      %convert_element_type3A = arith.extui %lt3A_16 : i1 to i32
      %cond3A = arith.constant 0 : i32
      %cond3A_17 = arith.cmpi ne, %convert_element_type3A, %cond3A : i32
      scf.if %cond3A_17 {
        %jit3A = arith.constant 45 : i32
        %div3A = arith.divsi %add3A_15, %jit3A : i32
        %sign3A = arith.constant 0 : i32
        %sign3A_18 = arith.cmpi sgt, %add3A_15, %sign3A : i32
        %sign3A_19 = arith.extui %sign3A_18 : i1 to i32
        %sign3A_20 = arith.constant 0 : i32
        %sign3A_21 = arith.cmpi slt, %add3A_15, %sign3A_20 : i32
        %sign3A_22 = arith.extui %sign3A_21 : i1 to i32
        %sign3A_23 = arith.subi %sign3A_19, %sign3A_22 : i32
        %sign3A_24 = arith.constant 0 : i32
        %sign3A_25 = arith.cmpi sgt, %jit3A, %sign3A_24 : i32
        %sign3A_26 = arith.extui %sign3A_25 : i1 to i32
        %sign3A_27 = arith.constant 0 : i32
        %sign3A_28 = arith.cmpi slt, %jit3A, %sign3A_27 : i32
        %sign3A_29 = arith.extui %sign3A_28 : i1 to i32
        %sign3A_30 = arith.subi %sign3A_26, %sign3A_29 : i32
        %ne3A = arith.cmpi ne, %sign3A_23, %sign3A_30 : i32
        %rem3A = arith.remsi %add3A_15, %jit3A : i32
        %ne3A_31 = arith.constant 0 : i32
        %ne3A_32 = arith.cmpi ne, %rem3A, %ne3A_31 : i32
        %and3A = arith.andi %ne3A, %ne3A_32 : i1
        %sub3A = arith.constant 1 : i32
        %sub3A_33 = arith.subi %div3A, %sub3A : i32
        %select_n3A = arith.select %and3A, %sub3A_33, %div3A : i32
        %jit3A_34 = arith.constant 45 : i32
        %eq3A = arith.constant 0 : i32
        %eq3A_35 = arith.cmpi eq, %jit3A_34, %eq3A : i32
        %jit3A_36 = arith.constant 1 : i32
        %select_n3A_37 = arith.select %eq3A_35, %jit3A_36, %jit3A_34 : i32
        %rem3A_38 = arith.remsi %add3A_15, %select_n3A_37 : i32
        %ne3A_39 = arith.constant 0 : i32
        %ne3A_40 = arith.cmpi ne, %rem3A_38, %ne3A_39 : i32
        %lt3A_41 = arith.constant 0 : i32
        %lt3A_42 = arith.cmpi slt, %rem3A_38, %lt3A_41 : i32
        %lt3A_43 = arith.constant 0 : i32
        %lt3A_44 = arith.cmpi slt, %select_n3A_37, %lt3A_43 : i32
        %ne3A_45 = arith.xori %lt3A_42, %lt3A_44 : i1
        %and3A_46 = arith.andi %ne3A_45, %ne3A_40 : i1
        %add3A_47 = arith.addi %rem3A_38, %select_n3A_37 : i32
        %select_n3A_48 = arith.select %and3A_46, %add3A_47, %rem3A_38 : i32
        %jit3A_49 = arith.constant 5 : i32
        %div3A_50 = arith.divsi %select_n3A_48, %jit3A_49 : i32
        %sign3A_51 = arith.constant 0 : i32
        %sign3A_52 = arith.cmpi sgt, %select_n3A_48, %sign3A_51 : i32
        %sign3A_53 = arith.extui %sign3A_52 : i1 to i32
        %sign3A_54 = arith.constant 0 : i32
        %sign3A_55 = arith.cmpi slt, %select_n3A_48, %sign3A_54 : i32
        %sign3A_56 = arith.extui %sign3A_55 : i1 to i32
        %sign3A_57 = arith.subi %sign3A_53, %sign3A_56 : i32
        %sign3A_58 = arith.constant 0 : i32
        %sign3A_59 = arith.cmpi sgt, %jit3A_49, %sign3A_58 : i32
        %sign3A_60 = arith.extui %sign3A_59 : i1 to i32
        %sign3A_61 = arith.constant 0 : i32
        %sign3A_62 = arith.cmpi slt, %jit3A_49, %sign3A_61 : i32
        %sign3A_63 = arith.extui %sign3A_62 : i1 to i32
        %sign3A_64 = arith.subi %sign3A_60, %sign3A_63 : i32
        %ne3A_65 = arith.cmpi ne, %sign3A_57, %sign3A_64 : i32
        %rem3A_66 = arith.remsi %select_n3A_48, %jit3A_49 : i32
        %ne3A_67 = arith.constant 0 : i32
        %ne3A_68 = arith.cmpi ne, %rem3A_66, %ne3A_67 : i32
        %and3A_69 = arith.andi %ne3A_65, %ne3A_68 : i1
        %sub3A_70 = arith.constant 1 : i32
        %sub3A_71 = arith.subi %div3A_50, %sub3A_70 : i32
        %select_n3A_72 = arith.select %and3A_69, %sub3A_71, %div3A_50 : i32
        %jit3A_73 = arith.constant 5 : i32
        %eq3A_74 = arith.constant 0 : i32
        %eq3A_75 = arith.cmpi eq, %jit3A_73, %eq3A_74 : i32
        %jit3A_76 = arith.constant 1 : i32
        %select_n3A_77 = arith.select %eq3A_75, %jit3A_76, %jit3A_73 : i32
        %rem3A_78 = arith.remsi %select_n3A_48, %select_n3A_77 : i32
        %ne3A_79 = arith.constant 0 : i32
        %ne3A_80 = arith.cmpi ne, %rem3A_78, %ne3A_79 : i32
        %lt3A_81 = arith.constant 0 : i32
        %lt3A_82 = arith.cmpi slt, %rem3A_78, %lt3A_81 : i32
        %lt3A_83 = arith.constant 0 : i32
        %lt3A_84 = arith.cmpi slt, %select_n3A_77, %lt3A_83 : i32
        %ne3A_85 = arith.xori %lt3A_82, %lt3A_84 : i1
        %and3A_86 = arith.andi %ne3A_85, %ne3A_80 : i1
        %add3A_87 = arith.addi %rem3A_78, %select_n3A_77 : i32
        %select_n3A_88 = arith.select %and3A_86, %add3A_87, %rem3A_78 : i32
        %mul3A_89 = arith.constant 2 : i32
        %mul3A_90 = arith.muli %mul3A_89, %select_n3A_72 : i32
        %add3A_91 = arith.constant 0 : i32
        %add3A_92 = arith.addi %mul3A_90, %add3A_91 : i32
        %mul3A_93 = arith.constant 16 : i32
        %mul3A_94 = arith.muli %select_n3A_88, %mul3A_93 : i32
        %mul3A_95 = arith.constant 2880 : i32
        %mul3A_96 = arith.muli %mul3A_95, %select_n3A_72 : i32
        %add3A_97 = arith.constant 0 : i32
        %add3A_98 = arith.addi %mul3A_96, %add3A_97 : i32
        %mul3A_99 = arith.constant 16 : i32
        %mul3A_100 = arith.muli %select_n3A_88, %mul3A_99 : i32
        %mul3A_101 = arith.constant 12 : i32
        %mul3A_102 = arith.muli %mul3A_100, %mul3A_101 : i32
        %add3A_103 = arith.addi %add3A_98, %mul3A_102 : i32
        %dma_start3A = arith.constant 0 : i32
        %dma_start3A_104 = arith.constant 0 : i32
        %dma_start3A_105 = tpu.memref_slice %arg4[%dma_start3A, %dma_start3A_104] : memref<288x80xf32, #tpu.memory_space<vmem>> -> memref<288x80xf32, #tpu.memory_space<vmem>>
        %dma_start3A_106 = arith.constant 0 : i32
        %dma_start3A_107 = arith.constant 0 : i32
        %dma_start3A_108 = tpu.memref_slice %arg2[%select_n3A, %dma_start3A_106, %add3A_92, %dma_start3A_107] : memref<8x1728x18x80xf32, #tpu.memory_space<hbm>> -> memref<1x288x1x80xf32, #tpu.memory_space<hbm>>
        %dma_start3A_109 = tpu.memref_squeeze %dma_start3A_108 : memref<1x288x1x80xf32, #tpu.memory_space<hbm>> -> memref<288x80xf32, #tpu.memory_space<hbm>>
        %dma_start3A_110 = arith.constant 0 : i32
        %dma_start3A_111 = arith.constant 0 : i32
        %dma_start3A_112 = tpu.memref_slice %arg4[%dma_start3A_110, %dma_start3A_111] : memref<288x80xf32, #tpu.memory_space<vmem>> -> memref<288x80xf32, #tpu.memory_space<vmem>>
        %dma_start3A_113 = arith.constant 0 : i32
        %dma_start3A_114 = arith.constant 0 : i32
        %dma_start3A_115 = tpu.memref_slice %arg2[%select_n3A, %dma_start3A_113, %add3A_92, %dma_start3A_114] : memref<8x1728x18x80xf32, #tpu.memory_space<hbm>> -> memref<1x288x1x80xf32, #tpu.memory_space<hbm>>
        %dma_start3A_116 = tpu.memref_squeeze %dma_start3A_115 : memref<1x288x1x80xf32, #tpu.memory_space<hbm>> -> memref<288x80xf32, #tpu.memory_space<hbm>>
        tpu.enqueue_dma source(%dma_start3A_116 : memref<288x80xf32, #tpu.memory_space<hbm>>) target(%dma_start3A_112 : memref<288x80xf32, #tpu.memory_space<vmem>>) target_semaphore(%arg7 : memref<!tpu.dma_semaphore, #tpu.memory_space<semaphore_mem>>)
        %dma_start3A_117 = arith.constant 0 : i32
        %dma_start3A_118 = arith.constant 0 : i32
        %dma_start3A_119 = tpu.memref_slice %arg5[%dma_start3A_117, %dma_start3A_118] : memref<288x80xf32, #tpu.memory_space<vmem>> -> memref<288x80xf32, #tpu.memory_space<vmem>>
        %dma_start3A_120 = arith.constant 288 : i32
        %dma_start3A_121 = arith.constant 0 : i32
        %dma_start3A_122 = tpu.memref_slice %arg2[%select_n3A, %dma_start3A_120, %add3A_92, %dma_start3A_121] : memref<8x1728x18x80xf32, #tpu.memory_space<hbm>> -> memref<1x288x1x80xf32, #tpu.memory_space<hbm>>
        %dma_start3A_123 = tpu.memref_squeeze %dma_start3A_122 : memref<1x288x1x80xf32, #tpu.memory_space<hbm>> -> memref<288x80xf32, #tpu.memory_space<hbm>>
        %dma_start3A_124 = arith.constant 0 : i32
        %dma_start3A_125 = arith.constant 0 : i32
        %dma_start3A_126 = tpu.memref_slice %arg5[%dma_start3A_124, %dma_start3A_125] : memref<288x80xf32, #tpu.memory_space<vmem>> -> memref<288x80xf32, #tpu.memory_space<vmem>>
        %dma_start3A_127 = arith.constant 288 : i32
        %dma_start3A_128 = arith.constant 0 : i32
        %dma_start3A_129 = tpu.memref_slice %arg2[%select_n3A, %dma_start3A_127, %add3A_92, %dma_start3A_128] : memref<8x1728x18x80xf32, #tpu.memory_space<hbm>> -> memref<1x288x1x80xf32, #tpu.memory_space<hbm>>
        %dma_start3A_130 = tpu.memref_squeeze %dma_start3A_129 : memref<1x288x1x80xf32, #tpu.memory_space<hbm>> -> memref<288x80xf32, #tpu.memory_space<hbm>>
        tpu.enqueue_dma source(%dma_start3A_130 : memref<288x80xf32, #tpu.memory_space<hbm>>) target(%dma_start3A_126 : memref<288x80xf32, #tpu.memory_space<vmem>>) target_semaphore(%arg8 : memref<!tpu.dma_semaphore, #tpu.memory_space<semaphore_mem>>)
        %dma_wait3A = arith.constant 0 : i32
        %dma_wait3A_131 = arith.constant 0 : i32
        %dma_wait3A_132 = tpu.memref_slice %arg4[%dma_wait3A, %dma_wait3A_131] : memref<288x80xf32, #tpu.memory_space<vmem>> -> memref<288x80xf32, #tpu.memory_space<vmem>>
        %dma_wait3A_133 = arith.constant 0 : i32
        %dma_wait3A_134 = arith.constant 0 : i32
        %dma_wait3A_135 = tpu.memref_slice %arg2[%select_n3A, %dma_wait3A_133, %add3A_92, %dma_wait3A_134] : memref<8x1728x18x80xf32, #tpu.memory_space<hbm>> -> memref<1x288x1x80xf32, #tpu.memory_space<hbm>>
        %dma_wait3A_136 = tpu.memref_squeeze %dma_wait3A_135 : memref<1x288x1x80xf32, #tpu.memory_space<hbm>> -> memref<288x80xf32, #tpu.memory_space<hbm>>
        %dma_wait3A_137 = arith.constant 0 : i32
        %dma_wait3A_138 = arith.constant 0 : i32
        %dma_wait3A_139 = tpu.memref_slice %arg4[%dma_wait3A_137, %dma_wait3A_138] : memref<288x80xf32, #tpu.memory_space<vmem>> -> memref<288x80xf32, #tpu.memory_space<vmem>>
        %dma_wait3A_140 = arith.constant 0 : i32
        %dma_wait3A_141 = arith.constant 0 : i32
        %dma_wait3A_142 = tpu.memref_slice %arg2[%select_n3A, %dma_wait3A_140, %add3A_92, %dma_wait3A_141] : memref<8x1728x18x80xf32, #tpu.memory_space<hbm>> -> memref<1x288x1x80xf32, #tpu.memory_space<hbm>>
        %dma_wait3A_143 = tpu.memref_squeeze %dma_wait3A_142 : memref<1x288x1x80xf32, #tpu.memory_space<hbm>> -> memref<288x80xf32, #tpu.memory_space<hbm>>
        tpu.wait_dma2 semaphore(%arg7 : memref<!tpu.dma_semaphore, #tpu.memory_space<semaphore_mem>>) src(%dma_wait3A_143 : memref<288x80xf32, #tpu.memory_space<hbm>>) dst(%dma_wait3A_139 : memref<288x80xf32, #tpu.memory_space<vmem>>)
        %scan3A_144 = arith.constant 0 : i32
        %scan3A_145 = arith.constant 0 : i32
        %scan3A_146 = arith.constant 4 : i32
        %scan3A_147 = arith.addi %scan3A_145, %scan3A_146 : i32
        %scan3A_148 = arith.constant 1 : i32
        scf.for %scan3A_204 = %scan3A_145 to %scan3A_147 step %scan3A_148  : i32 {
          %mul3A_205 = arith.constant 12 : i32
          %mul3A_206 = vector.broadcast %mul3A_205 : i32 to vector<16xi32>
          %mul3A_207 = arith.muli %iota3A, %mul3A_206 : vector<16xi32>
          %add3A_208 = arith.constant 0 : i32
          %add3A_209 = arith.addi %add3A_208, %scan3A_204 : i32
          %add3A_210 = vector.broadcast %add3A_209 : i32 to vector<16xi32>
          %add3A_211 = arith.addi %mul3A_207, %add3A_210 : vector<16xi32>
          %broadcast_in_dim3A = arith.constant 0 : i32
          %broadcast_in_dim3A_212 = vector.broadcast %broadcast_in_dim3A : i32 to vector<16xi32>
          %scan3A_213 = arith.constant 0 : i32
          %scan3A_214 = arith.constant 72 : i32
          %scan3A_215 = arith.addi %scan3A_213, %scan3A_214 : i32
          %scan3A_216 = arith.constant 12 : i32
          %scan3A_217 = scf.for %scan3A_219 = %scan3A_213 to %scan3A_215 step %scan3A_216 iter_args(%scan3A_220 = %broadcast_in_dim3A_212) -> (vector<16xi32>)  : i32 {
            %mul3A_221 = arith.constant 72 : i32
            %mul3A_222 = arith.muli %scan3A_204, %mul3A_221 : i32
            %add3A_223 = arith.addi %mul3A_222, %scan3A_219 : i32
            %get3A = arith.index_cast %add3A_223 : i32 to index
            %get3A_224 = arith.index_cast %mul3A_94 : i32 to index
            %get3A_225 = tpu.vector_load %arg4[%get3A, %get3A_224] {strides = array<i32>} : memref<288x80xf32, #tpu.memory_space<vmem>>, vector<16xf32>,
            tpu.vector_store_idx %arg6[%add3A_211, %scan3A_220], %get3A_225 : memref<384x72xf32, #tpu.memory_space<vmem>>[vector<16xi32>, vector<16xi32>], vector<16xf32>,
            %add3A_226 = arith.constant 1 : i32
            %add3A_227 = vector.broadcast %add3A_226 : i32 to vector<16xi32>
            %add3A_228 = arith.addi %scan3A_220, %add3A_227 : vector<16xi32>
            %scan3A_229 = arith.constant 1 : i32
            %scan3A_230 = arith.addi %scan3A_219, %scan3A_229 : i32
            %mul3A_231 = arith.constant 72 : i32
            %mul3A_232 = arith.muli %scan3A_204, %mul3A_231 : i32
            %add3A_233 = arith.addi %mul3A_232, %scan3A_230 : i32
            %get3A_234 = arith.index_cast %add3A_233 : i32 to index
            %get3A_235 = arith.index_cast %mul3A_94 : i32 to index
            %get3A_236 = tpu.vector_load %arg4[%get3A_234, %get3A_235] {strides = array<i32>} : memref<288x80xf32, #tpu.memory_space<vmem>>, vector<16xf32>,
            tpu.vector_store_idx %arg6[%add3A_211, %add3A_228], %get3A_236 : memref<384x72xf32, #tpu.memory_space<vmem>>[vector<16xi32>, vector<16xi32>], vector<16xf32>,
            %add3A_237 = arith.constant 1 : i32
            %add3A_238 = vector.broadcast %add3A_237 : i32 to vector<16xi32>
            %add3A_239 = arith.addi %add3A_228, %add3A_238 : vector<16xi32>
            %scan3A_240 = arith.constant 2 : i32
            %scan3A_241 = arith.addi %scan3A_219, %scan3A_240 : i32
            %mul3A_242 = arith.constant 72 : i32
            %mul3A_243 = arith.muli %scan3A_204, %mul3A_242 : i32
            %add3A_244 = arith.addi %mul3A_243, %scan3A_241 : i32
            %get3A_245 = arith.index_cast %add3A_244 : i32 to index
            %get3A_246 = arith.index_cast %mul3A_94 : i32 to index
            %get3A_247 = tpu.vector_load %arg4[%get3A_245, %get3A_246] {strides = array<i32>} : memref<288x80xf32, #tpu.memory_space<vmem>>, vector<16xf32>,
            tpu.vector_store_idx %arg6[%add3A_211, %add3A_239], %get3A_247 : memref<384x72xf32, #tpu.memory_space<vmem>>[vector<16xi32>, vector<16xi32>], vector<16xf32>,
            %add3A_248 = arith.constant 1 : i32
            %add3A_249 = vector.broadcast %add3A_248 : i32 to vector<16xi32>
            %add3A_250 = arith.addi %add3A_239, %add3A_249 : vector<16xi32>
            %scan3A_251 = arith.constant 3 : i32
            %scan3A_252 = arith.addi %scan3A_219, %scan3A_251 : i32
            %mul3A_253 = arith.constant 72 : i32
            %mul3A_254 = arith.muli %scan3A_204, %mul3A_253 : i32
            %add3A_255 = arith.addi %mul3A_254, %scan3A_252 : i32
            %get3A_256 = arith.index_cast %add3A_255 : i32 to index
            %get3A_257 = arith.index_cast %mul3A_94 : i32 to index
            %get3A_258 = tpu.vector_load %arg4[%get3A_256, %get3A_257] {strides = array<i32>} : memref<288x80xf32, #tpu.memory_space<vmem>>, vector<16xf32>,
            tpu.vector_store_idx %arg6[%add3A_211, %add3A_250], %get3A_258 : memref<384x72xf32, #tpu.memory_space<vmem>>[vector<16xi32>, vector<16xi32>], vector<16xf32>,
            %add3A_259 = arith.constant 1 : i32
            %add3A_260 = vector.broadcast %add3A_259 : i32 to vector<16xi32>
            %add3A_261 = arith.addi %add3A_250, %add3A_260 : vector<16xi32>
            %scan3A_262 = arith.constant 4 : i32
            %scan3A_263 = arith.addi %scan3A_219, %scan3A_262 : i32
            %mul3A_264 = arith.constant 72 : i32
            %mul3A_265 = arith.muli %scan3A_204, %mul3A_264 : i32
            %add3A_266 = arith.addi %mul3A_265, %scan3A_263 : i32
            %get3A_267 = arith.index_cast %add3A_266 : i32 to index
            %get3A_268 = arith.index_cast %mul3A_94 : i32 to index
            %get3A_269 = tpu.vector_load %arg4[%get3A_267, %get3A_268] {strides = array<i32>} : memref<288x80xf32, #tpu.memory_space<vmem>>, vector<16xf32>,
            tpu.vector_store_idx %arg6[%add3A_211, %add3A_261], %get3A_269 : memref<384x72xf32, #tpu.memory_space<vmem>>[vector<16xi32>, vector<16xi32>], vector<16xf32>,
            %add3A_270 = arith.constant 1 : i32
            %add3A_271 = vector.broadcast %add3A_270 : i32 to vector<16xi32>
            %add3A_272 = arith.addi %add3A_261, %add3A_271 : vector<16xi32>
            %scan3A_273 = arith.constant 5 : i32
            %scan3A_274 = arith.addi %scan3A_219, %scan3A_273 : i32
            %mul3A_275 = arith.constant 72 : i32
            %mul3A_276 = arith.muli %scan3A_204, %mul3A_275 : i32
            %add3A_277 = arith.addi %mul3A_276, %scan3A_274 : i32
            %get3A_278 = arith.index_cast %add3A_277 : i32 to index
            %get3A_279 = arith.index_cast %mul3A_94 : i32 to index
            %get3A_280 = tpu.vector_load %arg4[%get3A_278, %get3A_279] {strides = array<i32>} : memref<288x80xf32, #tpu.memory_space<vmem>>, vector<16xf32>,
            tpu.vector_store_idx %arg6[%add3A_211, %add3A_272], %get3A_280 : memref<384x72xf32, #tpu.memory_space<vmem>>[vector<16xi32>, vector<16xi32>], vector<16xf32>,
            %add3A_281 = arith.constant 1 : i32
            %add3A_282 = vector.broadcast %add3A_281 : i32 to vector<16xi32>
            %add3A_283 = arith.addi %add3A_272, %add3A_282 : vector<16xi32>
            %scan3A_284 = arith.constant 6 : i32
            %scan3A_285 = arith.addi %scan3A_219, %scan3A_284 : i32
            %mul3A_286 = arith.constant 72 : i32
            %mul3A_287 = arith.muli %scan3A_204, %mul3A_286 : i32
            %add3A_288 = arith.addi %mul3A_287, %scan3A_285 : i32
            %get3A_289 = arith.index_cast %add3A_288 : i32 to index
            %get3A_290 = arith.index_cast %mul3A_94 : i32 to index
            %get3A_291 = tpu.vector_load %arg4[%get3A_289, %get3A_290] {strides = array<i32>} : memref<288x80xf32, #tpu.memory_space<vmem>>, vector<16xf32>,
            tpu.vector_store_idx %arg6[%add3A_211, %add3A_283], %get3A_291 : memref<384x72xf32, #tpu.memory_space<vmem>>[vector<16xi32>, vector<16xi32>], vector<16xf32>,
            %add3A_292 = arith.constant 1 : i32
            %add3A_293 = vector.broadcast %add3A_292 : i32 to vector<16xi32>
            %add3A_294 = arith.addi %add3A_283, %add3A_293 : vector<16xi32>
            %scan3A_295 = arith.constant 7 : i32
            %scan3A_296 = arith.addi %scan3A_219, %scan3A_295 : i32
            %mul3A_297 = arith.constant 72 : i32
            %mul3A_298 = arith.muli %scan3A_204, %mul3A_297 : i32
            %add3A_299 = arith.addi %mul3A_298, %scan3A_296 : i32
            %get3A_300 = arith.index_cast %add3A_299 : i32 to index
            %get3A_301 = arith.index_cast %mul3A_94 : i32 to index
            %get3A_302 = tpu.vector_load %arg4[%get3A_300, %get3A_301] {strides = array<i32>} : memref<288x80xf32, #tpu.memory_space<vmem>>, vector<16xf32>,
            tpu.vector_store_idx %arg6[%add3A_211, %add3A_294], %get3A_302 : memref<384x72xf32, #tpu.memory_space<vmem>>[vector<16xi32>, vector<16xi32>], vector<16xf32>,
            %add3A_303 = arith.constant 1 : i32
            %add3A_304 = vector.broadcast %add3A_303 : i32 to vector<16xi32>
            %add3A_305 = arith.addi %add3A_294, %add3A_304 : vector<16xi32>
            %scan3A_306 = arith.constant 8 : i32
            %scan3A_307 = arith.addi %scan3A_219, %scan3A_306 : i32
            %mul3A_308 = arith.constant 72 : i32
            %mul3A_309 = arith.muli %scan3A_204, %mul3A_308 : i32
            %add3A_310 = arith.addi %mul3A_309, %scan3A_307 : i32
            %get3A_311 = arith.index_cast %add3A_310 : i32 to index
            %get3A_312 = arith.index_cast %mul3A_94 : i32 to index
            %get3A_313 = tpu.vector_load %arg4[%get3A_311, %get3A_312] {strides = array<i32>} : memref<288x80xf32, #tpu.memory_space<vmem>>, vector<16xf32>,
            tpu.vector_store_idx %arg6[%add3A_211, %add3A_305], %get3A_313 : memref<384x72xf32, #tpu.memory_space<vmem>>[vector<16xi32>, vector<16xi32>], vector<16xf32>,
            %add3A_314 = arith.constant 1 : i32
            %add3A_315 = vector.broadcast %add3A_314 : i32 to vector<16xi32>
            %add3A_316 = arith.addi %add3A_305, %add3A_315 : vector<16xi32>
            %scan3A_317 = arith.constant 9 : i32
            %scan3A_318 = arith.addi %scan3A_219, %scan3A_317 : i32
            %mul3A_319 = arith.constant 72 : i32
            %mul3A_320 = arith.muli %scan3A_204, %mul3A_319 : i32
            %add3A_321 = arith.addi %mul3A_320, %scan3A_318 : i32
            %get3A_322 = arith.index_cast %add3A_321 : i32 to index
            %get3A_323 = arith.index_cast %mul3A_94 : i32 to index
            %get3A_324 = tpu.vector_load %arg4[%get3A_322, %get3A_323] {strides = array<i32>} : memref<288x80xf32, #tpu.memory_space<vmem>>, vector<16xf32>,
            tpu.vector_store_idx %arg6[%add3A_211, %add3A_316], %get3A_324 : memref<384x72xf32, #tpu.memory_space<vmem>>[vector<16xi32>, vector<16xi32>], vector<16xf32>,
            %add3A_325 = arith.constant 1 : i32
            %add3A_326 = vector.broadcast %add3A_325 : i32 to vector<16xi32>
            %add3A_327 = arith.addi %add3A_316, %add3A_326 : vector<16xi32>
            %scan3A_328 = arith.constant 10 : i32
            %scan3A_329 = arith.addi %scan3A_219, %scan3A_328 : i32
            %mul3A_330 = arith.constant 72 : i32
            %mul3A_331 = arith.muli %scan3A_204, %mul3A_330 : i32
            %add3A_332 = arith.addi %mul3A_331, %scan3A_329 : i32
            %get3A_333 = arith.index_cast %add3A_332 : i32 to index
            %get3A_334 = arith.index_cast %mul3A_94 : i32 to index
            %get3A_335 = tpu.vector_load %arg4[%get3A_333, %get3A_334] {strides = array<i32>} : memref<288x80xf32, #tpu.memory_space<vmem>>, vector<16xf32>,
            tpu.vector_store_idx %arg6[%add3A_211, %add3A_327], %get3A_335 : memref<384x72xf32, #tpu.memory_space<vmem>>[vector<16xi32>, vector<16xi32>], vector<16xf32>,
            %add3A_336 = arith.constant 1 : i32
            %add3A_337 = vector.broadcast %add3A_336 : i32 to vector<16xi32>
            %add3A_338 = arith.addi %add3A_327, %add3A_337 : vector<16xi32>
            %scan3A_339 = arith.constant 11 : i32
            %scan3A_340 = arith.addi %scan3A_219, %scan3A_339 : i32
            %mul3A_341 = arith.constant 72 : i32
            %mul3A_342 = arith.muli %scan3A_204, %mul3A_341 : i32
            %add3A_343 = arith.addi %mul3A_342, %scan3A_340 : i32
            %get3A_344 = arith.index_cast %add3A_343 : i32 to index
            %get3A_345 = arith.index_cast %mul3A_94 : i32 to index
            %get3A_346 = tpu.vector_load %arg4[%get3A_344, %get3A_345] {strides = array<i32>} : memref<288x80xf32, #tpu.memory_space<vmem>>, vector<16xf32>,
            tpu.vector_store_idx %arg6[%add3A_211, %add3A_338], %get3A_346 : memref<384x72xf32, #tpu.memory_space<vmem>>[vector<16xi32>, vector<16xi32>], vector<16xf32>,
            %add3A_347 = arith.constant 1 : i32
            %add3A_348 = vector.broadcast %add3A_347 : i32 to vector<16xi32>
            %add3A_349 = arith.addi %add3A_338, %add3A_348 : vector<16xi32>
            scf.yield %add3A_349 : vector<16xi32>
          }
          %scan3A_218 = arith.constant 72 : i32
        }
        %scan3A_149 = arith.constant 4 : i32
        %dma_start3A_150 = arith.constant 0 : i32
        %dma_start3A_151 = arith.constant 0 : i32
        %dma_start3A_152 = tpu.memref_slice %arg4[%dma_start3A_150, %dma_start3A_151] : memref<288x80xf32, #tpu.memory_space<vmem>> -> memref<288x80xf32, #tpu.memory_space<vmem>>
        %dma_start3A_153 = arith.constant 576 : i32
        %dma_start3A_154 = arith.constant 0 : i32
        %dma_start3A_155 = tpu.memref_slice %arg2[%select_n3A, %dma_start3A_153, %add3A_92, %dma_start3A_154] : memref<8x1728x18x80xf32, #tpu.memory_space<hbm>> -> memref<1x288x1x80xf32, #tpu.memory_space<hbm>>
        %dma_start3A_156 = tpu.memref_squeeze %dma_start3A_155 : memref<1x288x1x80xf32, #tpu.memory_space<hbm>> -> memref<288x80xf32, #tpu.memory_space<hbm>>
        %dma_start3A_157 = arith.constant 0 : i32
        %dma_start3A_158 = arith.constant 0 : i32
        %dma_start3A_159 = tpu.memref_slice %arg4[%dma_start3A_157, %dma_start3A_158] : memref<288x80xf32, #tpu.memory_space<vmem>> -> memref<288x80xf32, #tpu.memory_space<vmem>>
        %dma_start3A_160 = arith.constant 576 : i32
        %dma_start3A_161 = arith.constant 0 : i32
        %dma_start3A_162 = tpu.memref_slice %arg2[%select_n3A, %dma_start3A_160, %add3A_92, %dma_start3A_161] : memref<8x1728x18x80xf32, #tpu.memory_space<hbm>> -> memref<1x288x1x80xf32, #tpu.memory_space<hbm>>
        %dma_start3A_163 = tpu.memref_squeeze %dma_start3A_162 : memref<1x288x1x80xf32, #tpu.memory_space<hbm>> -> memref<288x80xf32, #tpu.memory_space<hbm>>
        tpu.enqueue_dma source(%dma_start3A_163 : memref<288x80xf32, #tpu.memory_space<hbm>>) target(%dma_start3A_159 : memref<288x80xf32, #tpu.memory_space<vmem>>) target_semaphore(%arg7 : memref<!tpu.dma_semaphore, #tpu.memory_space<semaphore_mem>>)
        %dma_wait3A_164 = arith.constant 0 : i32
        %dma_wait3A_165 = arith.constant 0 : i32
        %dma_wait3A_166 = tpu.memref_slice %arg5[%dma_wait3A_164, %dma_wait3A_165] : memref<288x80xf32, #tpu.memory_space<vmem>> -> memref<288x80xf32, #tpu.memory_space<vmem>>
        %dma_wait3A_167 = arith.constant 288 : i32
        %dma_wait3A_168 = arith.constant 0 : i32
        %dma_wait3A_169 = tpu.memref_slice %arg2[%select_n3A, %dma_wait3A_167, %add3A_92, %dma_wait3A_168] : memref<8x1728x18x80xf32, #tpu.memory_space<hbm>> -> memref<1x288x1x80xf32, #tpu.memory_space<hbm>>
        %dma_wait3A_170 = tpu.memref_squeeze %dma_wait3A_169 : memref<1x288x1x80xf32, #tpu.memory_space<hbm>> -> memref<288x80xf32, #tpu.memory_space<hbm>>
        %dma_wait3A_171 = arith.constant 0 : i32
        %dma_wait3A_172 = arith.constant 0 : i32
        %dma_wait3A_173 = tpu.memref_slice %arg5[%dma_wait3A_171, %dma_wait3A_172] : memref<288x80xf32, #tpu.memory_space<vmem>> -> memref<288x80xf32, #tpu.memory_space<vmem>>
        %dma_wait3A_174 = arith.constant 288 : i32
        %dma_wait3A_175 = arith.constant 0 : i32
        %dma_wait3A_176 = tpu.memref_slice %arg2[%select_n3A, %dma_wait3A_174, %add3A_92, %dma_wait3A_175] : memref<8x1728x18x80xf32, #tpu.memory_space<hbm>> -> memref<1x288x1x80xf32, #tpu.memory_space<hbm>>
        %dma_wait3A_177 = tpu.memref_squeeze %dma_wait3A_176 : memref<1x288x1x80xf32, #tpu.memory_space<hbm>> -> memref<288x80xf32, #tpu.memory_space<hbm>>
        tpu.wait_dma2 semaphore(%arg8 : memref<!tpu.dma_semaphore, #tpu.memory_space<semaphore_mem>>) src(%dma_wait3A_177 : memref<288x80xf32, #tpu.memory_space<hbm>>) dst(%dma_wait3A_173 : memref<288x80xf32, #tpu.memory_space<vmem>>)
        %scan3A_178 = arith.constant 0 : i32
        %scan3A_179 = arith.constant 0 : i32
        %scan3A_180 = arith.constant 4 : i32
        %scan3A_181 = arith.addi %scan3A_179, %scan3A_180 : i32
        %scan3A_182 = arith.constant 1 : i32
        scf.for %scan3A_204 = %scan3A_179 to %scan3A_181 step %scan3A_182  : i32 {
          %mul3A_205 = arith.constant 12 : i32
          %mul3A_206 = vector.broadcast %mul3A_205 : i32 to vector<16xi32>
          %mul3A_207 = arith.muli %iota3A, %mul3A_206 : vector<16xi32>
          %add3A_208 = arith.constant 4 : i32
          %add3A_209 = arith.addi %add3A_208, %scan3A_204 : i32
          %add3A_210 = vector.broadcast %add3A_209 : i32 to vector<16xi32>
          %add3A_211 = arith.addi %mul3A_207, %add3A_210 : vector<16xi32>
          %broadcast_in_dim3A = arith.constant 0 : i32
          %broadcast_in_dim3A_212 = vector.broadcast %broadcast_in_dim3A : i32 to vector<16xi32>
          %scan3A_213 = arith.constant 0 : i32
          %scan3A_214 = arith.constant 72 : i32
          %scan3A_215 = arith.addi %scan3A_213, %scan3A_214 : i32
          %scan3A_216 = arith.constant 12 : i32
          %scan3A_217 = scf.for %scan3A_219 = %scan3A_213 to %scan3A_215 step %scan3A_216 iter_args(%scan3A_220 = %broadcast_in_dim3A_212) -> (vector<16xi32>)  : i32 {
            %mul3A_221 = arith.constant 72 : i32
            %mul3A_222 = arith.muli %scan3A_204, %mul3A_221 : i32
            %add3A_223 = arith.addi %mul3A_222, %scan3A_219 : i32
            %get3A = arith.index_cast %add3A_223 : i32 to index
            %get3A_224 = arith.index_cast %mul3A_94 : i32 to index
            %get3A_225 = tpu.vector_load %arg5[%get3A, %get3A_224] {strides = array<i32>} : memref<288x80xf32, #tpu.memory_space<vmem>>, vector<16xf32>,
            tpu.vector_store_idx %arg6[%add3A_211, %scan3A_220], %get3A_225 : memref<384x72xf32, #tpu.memory_space<vmem>>[vector<16xi32>, vector<16xi32>], vector<16xf32>,
            %add3A_226 = arith.constant 1 : i32
            %add3A_227 = vector.broadcast %add3A_226 : i32 to vector<16xi32>
            %add3A_228 = arith.addi %scan3A_220, %add3A_227 : vector<16xi32>
            %scan3A_229 = arith.constant 1 : i32
            %scan3A_230 = arith.addi %scan3A_219, %scan3A_229 : i32
            %mul3A_231 = arith.constant 72 : i32
            %mul3A_232 = arith.muli %scan3A_204, %mul3A_231 : i32
            %add3A_233 = arith.addi %mul3A_232, %scan3A_230 : i32
            %get3A_234 = arith.index_cast %add3A_233 : i32 to index
            %get3A_235 = arith.index_cast %mul3A_94 : i32 to index
            %get3A_236 = tpu.vector_load %arg5[%get3A_234, %get3A_235] {strides = array<i32>} : memref<288x80xf32, #tpu.memory_space<vmem>>, vector<16xf32>,
            tpu.vector_store_idx %arg6[%add3A_211, %add3A_228], %get3A_236 : memref<384x72xf32, #tpu.memory_space<vmem>>[vector<16xi32>, vector<16xi32>], vector<16xf32>,
            %add3A_237 = arith.constant 1 : i32
            %add3A_238 = vector.broadcast %add3A_237 : i32 to vector<16xi32>
            %add3A_239 = arith.addi %add3A_228, %add3A_238 : vector<16xi32>
            %scan3A_240 = arith.constant 2 : i32
            %scan3A_241 = arith.addi %scan3A_219, %scan3A_240 : i32
            %mul3A_242 = arith.constant 72 : i32
            %mul3A_243 = arith.muli %scan3A_204, %mul3A_242 : i32
            %add3A_244 = arith.addi %mul3A_243, %scan3A_241 : i32
            %get3A_245 = arith.index_cast %add3A_244 : i32 to index
            %get3A_246 = arith.index_cast %mul3A_94 : i32 to index
            %get3A_247 = tpu.vector_load %arg5[%get3A_245, %get3A_246] {strides = array<i32>} : memref<288x80xf32, #tpu.memory_space<vmem>>, vector<16xf32>,
            tpu.vector_store_idx %arg6[%add3A_211, %add3A_239], %get3A_247 : memref<384x72xf32, #tpu.memory_space<vmem>>[vector<16xi32>, vector<16xi32>], vector<16xf32>,
            %add3A_248 = arith.constant 1 : i32
            %add3A_249 = vector.broadcast %add3A_248 : i32 to vector<16xi32>
            %add3A_250 = arith.addi %add3A_239, %add3A_249 : vector<16xi32>
            %scan3A_251 = arith.constant 3 : i32
            %scan3A_252 = arith.addi %scan3A_219, %scan3A_251 : i32
            %mul3A_253 = arith.constant 72 : i32
            %mul3A_254 = arith.muli %scan3A_204, %mul3A_253 : i32
            %add3A_255 = arith.addi %mul3A_254, %scan3A_252 : i32
            %get3A_256 = arith.index_cast %add3A_255 : i32 to index
            %get3A_257 = arith.index_cast %mul3A_94 : i32 to index
            %get3A_258 = tpu.vector_load %arg5[%get3A_256, %get3A_257] {strides = array<i32>} : memref<288x80xf32, #tpu.memory_space<vmem>>, vector<16xf32>,
            tpu.vector_store_idx %arg6[%add3A_211, %add3A_250], %get3A_258 : memref<384x72xf32, #tpu.memory_space<vmem>>[vector<16xi32>, vector<16xi32>], vector<16xf32>,
            %add3A_259 = arith.constant 1 : i32
            %add3A_260 = vector.broadcast %add3A_259 : i32 to vector<16xi32>
            %add3A_261 = arith.addi %add3A_250, %add3A_260 : vector<16xi32>
            %scan3A_262 = arith.constant 4 : i32
            %scan3A_263 = arith.addi %scan3A_219, %scan3A_262 : i32
            %mul3A_264 = arith.constant 72 : i32
            %mul3A_265 = arith.muli %scan3A_204, %mul3A_264 : i32
            %add3A_266 = arith.addi %mul3A_265, %scan3A_263 : i32
            %get3A_267 = arith.index_cast %add3A_266 : i32 to index
            %get3A_268 = arith.index_cast %mul3A_94 : i32 to index
            %get3A_269 = tpu.vector_load %arg5[%get3A_267, %get3A_268] {strides = array<i32>} : memref<288x80xf32, #tpu.memory_space<vmem>>, vector<16xf32>,
            tpu.vector_store_idx %arg6[%add3A_211, %add3A_261], %get3A_269 : memref<384x72xf32, #tpu.memory_space<vmem>>[vector<16xi32>, vector<16xi32>], vector<16xf32>,
            %add3A_270 = arith.constant 1 : i32
            %add3A_271 = vector.broadcast %add3A_270 : i32 to vector<16xi32>
            %add3A_272 = arith.addi %add3A_261, %add3A_271 : vector<16xi32>
            %scan3A_273 = arith.constant 5 : i32
            %scan3A_274 = arith.addi %scan3A_219, %scan3A_273 : i32
            %mul3A_275 = arith.constant 72 : i32
            %mul3A_276 = arith.muli %scan3A_204, %mul3A_275 : i32
            %add3A_277 = arith.addi %mul3A_276, %scan3A_274 : i32
            %get3A_278 = arith.index_cast %add3A_277 : i32 to index
            %get3A_279 = arith.index_cast %mul3A_94 : i32 to index
            %get3A_280 = tpu.vector_load %arg5[%get3A_278, %get3A_279] {strides = array<i32>} : memref<288x80xf32, #tpu.memory_space<vmem>>, vector<16xf32>,
            tpu.vector_store_idx %arg6[%add3A_211, %add3A_272], %get3A_280 : memref<384x72xf32, #tpu.memory_space<vmem>>[vector<16xi32>, vector<16xi32>], vector<16xf32>,
            %add3A_281 = arith.constant 1 : i32
            %add3A_282 = vector.broadcast %add3A_281 : i32 to vector<16xi32>
            %add3A_283 = arith.addi %add3A_272, %add3A_282 : vector<16xi32>
            %scan3A_284 = arith.constant 6 : i32
            %scan3A_285 = arith.addi %scan3A_219, %scan3A_284 : i32
            %mul3A_286 = arith.constant 72 : i32
            %mul3A_287 = arith.muli %scan3A_204, %mul3A_286 : i32
            %add3A_288 = arith.addi %mul3A_287, %scan3A_285 : i32
            %get3A_289 = arith.index_cast %add3A_288 : i32 to index
            %get3A_290 = arith.index_cast %mul3A_94 : i32 to index
            %get3A_291 = tpu.vector_load %arg5[%get3A_289, %get3A_290] {strides = array<i32>} : memref<288x80xf32, #tpu.memory_space<vmem>>, vector<16xf32>,
            tpu.vector_store_idx %arg6[%add3A_211, %add3A_283], %get3A_291 : memref<384x72xf32, #tpu.memory_space<vmem>>[vector<16xi32>, vector<16xi32>], vector<16xf32>,
            %add3A_292 = arith.constant 1 : i32
            %add3A_293 = vector.broadcast %add3A_292 : i32 to vector<16xi32>
            %add3A_294 = arith.addi %add3A_283, %add3A_293 : vector<16xi32>
            %scan3A_295 = arith.constant 7 : i32
            %scan3A_296 = arith.addi %scan3A_219, %scan3A_295 : i32
            %mul3A_297 = arith.constant 72 : i32
            %mul3A_298 = arith.muli %scan3A_204, %mul3A_297 : i32
            %add3A_299 = arith.addi %mul3A_298, %scan3A_296 : i32
            %get3A_300 = arith.index_cast %add3A_299 : i32 to index
            %get3A_301 = arith.index_cast %mul3A_94 : i32 to index
            %get3A_302 = tpu.vector_load %arg5[%get3A_300, %get3A_301] {strides = array<i32>} : memref<288x80xf32, #tpu.memory_space<vmem>>, vector<16xf32>,
            tpu.vector_store_idx %arg6[%add3A_211, %add3A_294], %get3A_302 : memref<384x72xf32, #tpu.memory_space<vmem>>[vector<16xi32>, vector<16xi32>], vector<16xf32>,
            %add3A_303 = arith.constant 1 : i32
            %add3A_304 = vector.broadcast %add3A_303 : i32 to vector<16xi32>
            %add3A_305 = arith.addi %add3A_294, %add3A_304 : vector<16xi32>
            %scan3A_306 = arith.constant 8 : i32
            %scan3A_307 = arith.addi %scan3A_219, %scan3A_306 : i32
            %mul3A_308 = arith.constant 72 : i32
            %mul3A_309 = arith.muli %scan3A_204, %mul3A_308 : i32
            %add3A_310 = arith.addi %mul3A_309, %scan3A_307 : i32
            %get3A_311 = arith.index_cast %add3A_310 : i32 to index
            %get3A_312 = arith.index_cast %mul3A_94 : i32 to index
            %get3A_313 = tpu.vector_load %arg5[%get3A_311, %get3A_312] {strides = array<i32>} : memref<288x80xf32, #tpu.memory_space<vmem>>, vector<16xf32>,
            tpu.vector_store_idx %arg6[%add3A_211, %add3A_305], %get3A_313 : memref<384x72xf32, #tpu.memory_space<vmem>>[vector<16xi32>, vector<16xi32>], vector<16xf32>,
            %add3A_314 = arith.constant 1 : i32
            %add3A_315 = vector.broadcast %add3A_314 : i32 to vector<16xi32>
            %add3A_316 = arith.addi %add3A_305, %add3A_315 : vector<16xi32>
            %scan3A_317 = arith.constant 9 : i32
            %scan3A_318 = arith.addi %scan3A_219, %scan3A_317 : i32
            %mul3A_319 = arith.constant 72 : i32
            %mul3A_320 = arith.muli %scan3A_204, %mul3A_319 : i32
            %add3A_321 = arith.addi %mul3A_320, %scan3A_318 : i32
            %get3A_322 = arith.index_cast %add3A_321 : i32 to index
            %get3A_323 = arith.index_cast %mul3A_94 : i32 to index
            %get3A_324 = tpu.vector_load %arg5[%get3A_322, %get3A_323] {strides = array<i32>} : memref<288x80xf32, #tpu.memory_space<vmem>>, vector<16xf32>,
            tpu.vector_store_idx %arg6[%add3A_211, %add3A_316], %get3A_324 : memref<384x72xf32, #tpu.memory_space<vmem>>[vector<16xi32>, vector<16xi32>], vector<16xf32>,
            %add3A_325 = arith.constant 1 : i32
            %add3A_326 = vector.broadcast %add3A_325 : i32 to vector<16xi32>
            %add3A_327 = arith.addi %add3A_316, %add3A_326 : vector<16xi32>
            %scan3A_328 = arith.constant 10 : i32
            %scan3A_329 = arith.addi %scan3A_219, %scan3A_328 : i32
            %mul3A_330 = arith.constant 72 : i32
            %mul3A_331 = arith.muli %scan3A_204, %mul3A_330 : i32
            %add3A_332 = arith.addi %mul3A_331, %scan3A_329 : i32
            %get3A_333 = arith.index_cast %add3A_332 : i32 to index
            %get3A_334 = arith.index_cast %mul3A_94 : i32 to index
            %get3A_335 = tpu.vector_load %arg5[%get3A_333, %get3A_334] {strides = array<i32>} : memref<288x80xf32, #tpu.memory_space<vmem>>, vector<16xf32>,
            tpu.vector_store_idx %arg6[%add3A_211, %add3A_327], %get3A_335 : memref<384x72xf32, #tpu.memory_space<vmem>>[vector<16xi32>, vector<16xi32>], vector<16xf32>,
            %add3A_336 = arith.constant 1 : i32
            %add3A_337 = vector.broadcast %add3A_336 : i32 to vector<16xi32>
            %add3A_338 = arith.addi %add3A_327, %add3A_337 : vector<16xi32>
            %scan3A_339 = arith.constant 11 : i32
            %scan3A_340 = arith.addi %scan3A_219, %scan3A_339 : i32
            %mul3A_341 = arith.constant 72 : i32
            %mul3A_342 = arith.muli %scan3A_204, %mul3A_341 : i32
            %add3A_343 = arith.addi %mul3A_342, %scan3A_340 : i32
            %get3A_344 = arith.index_cast %add3A_343 : i32 to index
            %get3A_345 = arith.index_cast %mul3A_94 : i32 to index
            %get3A_346 = tpu.vector_load %arg5[%get3A_344, %get3A_345] {strides = array<i32>} : memref<288x80xf32, #tpu.memory_space<vmem>>, vector<16xf32>,
            tpu.vector_store_idx %arg6[%add3A_211, %add3A_338], %get3A_346 : memref<384x72xf32, #tpu.memory_space<vmem>>[vector<16xi32>, vector<16xi32>], vector<16xf32>,
            %add3A_347 = arith.constant 1 : i32
            %add3A_348 = vector.broadcast %add3A_347 : i32 to vector<16xi32>
            %add3A_349 = arith.addi %add3A_338, %add3A_348 : vector<16xi32>
            scf.yield %add3A_349 : vector<16xi32>
          }
          %scan3A_218 = arith.constant 72 : i32
        }
        %scan3A_183 = arith.constant 4 : i32
        %dma_wait3A_184 = arith.constant 0 : i32
        %dma_wait3A_185 = arith.constant 0 : i32
        %dma_wait3A_186 = tpu.memref_slice %arg4[%dma_wait3A_184, %dma_wait3A_185] : memref<288x80xf32, #tpu.memory_space<vmem>> -> memref<288x80xf32, #tpu.memory_space<vmem>>
        %dma_wait3A_187 = arith.constant 576 : i32
        %dma_wait3A_188 = arith.constant 0 : i32
        %dma_wait3A_189 = tpu.memref_slice %arg2[%select_n3A, %dma_wait3A_187, %add3A_92, %dma_wait3A_188] : memref<8x1728x18x80xf32, #tpu.memory_space<hbm>> -> memref<1x288x1x80xf32, #tpu.memory_space<hbm>>
        %dma_wait3A_190 = tpu.memref_squeeze %dma_wait3A_189 : memref<1x288x1x80xf32, #tpu.memory_space<hbm>> -> memref<288x80xf32, #tpu.memory_space<hbm>>
        %dma_wait3A_191 = arith.constant 0 : i32
        %dma_wait3A_192 = arith.constant 0 : i32
        %dma_wait3A_193 = tpu.memref_slice %arg4[%dma_wait3A_191, %dma_wait3A_192] : memref<288x80xf32, #tpu.memory_space<vmem>> -> memref<288x80xf32, #tpu.memory_space<vmem>>
        %dma_wait3A_194 = arith.constant 576 : i32
        %dma_wait3A_195 = arith.constant 0 : i32
        %dma_wait3A_196 = tpu.memref_slice %arg2[%select_n3A, %dma_wait3A_194, %add3A_92, %dma_wait3A_195] : memref<8x1728x18x80xf32, #tpu.memory_space<hbm>> -> memref<1x288x1x80xf32, #tpu.memory_space<hbm>>
        %dma_wait3A_197 = tpu.memref_squeeze %dma_wait3A_196 : memref<1x288x1x80xf32, #tpu.memory_space<hbm>> -> memref<288x80xf32, #tpu.memory_space<hbm>>
        tpu.wait_dma2 semaphore(%arg7 : memref<!tpu.dma_semaphore, #tpu.memory_space<semaphore_mem>>) src(%dma_wait3A_197 : memref<288x80xf32, #tpu.memory_space<hbm>>) dst(%dma_wait3A_193 : memref<288x80xf32, #tpu.memory_space<vmem>>)
        %scan3A_198 = arith.constant 0 : i32
        %scan3A_199 = arith.constant 0 : i32
        %scan3A_200 = arith.constant 4 : i32
        %scan3A_201 = arith.addi %scan3A_199, %scan3A_200 : i32
        %scan3A_202 = arith.constant 1 : i32
        scf.for %scan3A_204 = %scan3A_199 to %scan3A_201 step %scan3A_202  : i32 {
          %mul3A_205 = arith.constant 12 : i32
          %mul3A_206 = vector.broadcast %mul3A_205 : i32 to vector<16xi32>
          %mul3A_207 = arith.muli %iota3A, %mul3A_206 : vector<16xi32>
          %add3A_208 = arith.constant 8 : i32
          %add3A_209 = arith.addi %add3A_208, %scan3A_204 : i32
          %add3A_210 = vector.broadcast %add3A_209 : i32 to vector<16xi32>
          %add3A_211 = arith.addi %mul3A_207, %add3A_210 : vector<16xi32>
          %broadcast_in_dim3A = arith.constant 0 : i32
          %broadcast_in_dim3A_212 = vector.broadcast %broadcast_in_dim3A : i32 to vector<16xi32>
          %scan3A_213 = arith.constant 0 : i32
          %scan3A_214 = arith.constant 72 : i32
          %scan3A_215 = arith.addi %scan3A_213, %scan3A_214 : i32
          %scan3A_216 = arith.constant 12 : i32
          %scan3A_217 = scf.for %scan3A_219 = %scan3A_213 to %scan3A_215 step %scan3A_216 iter_args(%scan3A_220 = %broadcast_in_dim3A_212) -> (vector<16xi32>)  : i32 {
            %mul3A_221 = arith.constant 72 : i32
            %mul3A_222 = arith.muli %scan3A_204, %mul3A_221 : i32
            %add3A_223 = arith.addi %mul3A_222, %scan3A_219 : i32
            %get3A = arith.index_cast %add3A_223 : i32 to index
            %get3A_224 = arith.index_cast %mul3A_94 : i32 to index
            %get3A_225 = tpu.vector_load %arg4[%get3A, %get3A_224] {strides = array<i32>} : memref<288x80xf32, #tpu.memory_space<vmem>>, vector<16xf32>,
            tpu.vector_store_idx %arg6[%add3A_211, %scan3A_220], %get3A_225 : memref<384x72xf32, #tpu.memory_space<vmem>>[vector<16xi32>, vector<16xi32>], vector<16xf32>,
            %add3A_226 = arith.constant 1 : i32
            %add3A_227 = vector.broadcast %add3A_226 : i32 to vector<16xi32>
            %add3A_228 = arith.addi %scan3A_220, %add3A_227 : vector<16xi32>
            %scan3A_229 = arith.constant 1 : i32
            %scan3A_230 = arith.addi %scan3A_219, %scan3A_229 : i32
            %mul3A_231 = arith.constant 72 : i32
            %mul3A_232 = arith.muli %scan3A_204, %mul3A_231 : i32
            %add3A_233 = arith.addi %mul3A_232, %scan3A_230 : i32
            %get3A_234 = arith.index_cast %add3A_233 : i32 to index
            %get3A_235 = arith.index_cast %mul3A_94 : i32 to index
            %get3A_236 = tpu.vector_load %arg4[%get3A_234, %get3A_235] {strides = array<i32>} : memref<288x80xf32, #tpu.memory_space<vmem>>, vector<16xf32>,
            tpu.vector_store_idx %arg6[%add3A_211, %add3A_228], %get3A_236 : memref<384x72xf32, #tpu.memory_space<vmem>>[vector<16xi32>, vector<16xi32>], vector<16xf32>,
            %add3A_237 = arith.constant 1 : i32
            %add3A_238 = vector.broadcast %add3A_237 : i32 to vector<16xi32>
            %add3A_239 = arith.addi %add3A_228, %add3A_238 : vector<16xi32>
            %scan3A_240 = arith.constant 2 : i32
            %scan3A_241 = arith.addi %scan3A_219, %scan3A_240 : i32
            %mul3A_242 = arith.constant 72 : i32
            %mul3A_243 = arith.muli %scan3A_204, %mul3A_242 : i32
            %add3A_244 = arith.addi %mul3A_243, %scan3A_241 : i32
            %get3A_245 = arith.index_cast %add3A_244 : i32 to index
            %get3A_246 = arith.index_cast %mul3A_94 : i32 to index
            %get3A_247 = tpu.vector_load %arg4[%get3A_245, %get3A_246] {strides = array<i32>} : memref<288x80xf32, #tpu.memory_space<vmem>>, vector<16xf32>,
            tpu.vector_store_idx %arg6[%add3A_211, %add3A_239], %get3A_247 : memref<384x72xf32, #tpu.memory_space<vmem>>[vector<16xi32>, vector<16xi32>], vector<16xf32>,
            %add3A_248 = arith.constant 1 : i32
            %add3A_249 = vector.broadcast %add3A_248 : i32 to vector<16xi32>
            %add3A_250 = arith.addi %add3A_239, %add3A_249 : vector<16xi32>
            %scan3A_251 = arith.constant 3 : i32
            %scan3A_252 = arith.addi %scan3A_219, %scan3A_251 : i32
            %mul3A_253 = arith.constant 72 : i32
            %mul3A_254 = arith.muli %scan3A_204, %mul3A_253 : i32
            %add3A_255 = arith.addi %mul3A_254, %scan3A_252 : i32
            %get3A_256 = arith.index_cast %add3A_255 : i32 to index
            %get3A_257 = arith.index_cast %mul3A_94 : i32 to index
            %get3A_258 = tpu.vector_load %arg4[%get3A_256, %get3A_257] {strides = array<i32>} : memref<288x80xf32, #tpu.memory_space<vmem>>, vector<16xf32>,
            tpu.vector_store_idx %arg6[%add3A_211, %add3A_250], %get3A_258 : memref<384x72xf32, #tpu.memory_space<vmem>>[vector<16xi32>, vector<16xi32>], vector<16xf32>,
            %add3A_259 = arith.constant 1 : i32
            %add3A_260 = vector.broadcast %add3A_259 : i32 to vector<16xi32>
            %add3A_261 = arith.addi %add3A_250, %add3A_260 : vector<16xi32>
            %scan3A_262 = arith.constant 4 : i32
            %scan3A_263 = arith.addi %scan3A_219, %scan3A_262 : i32
            %mul3A_264 = arith.constant 72 : i32
            %mul3A_265 = arith.muli %scan3A_204, %mul3A_264 : i32
            %add3A_266 = arith.addi %mul3A_265, %scan3A_263 : i32
            %get3A_267 = arith.index_cast %add3A_266 : i32 to index
            %get3A_268 = arith.index_cast %mul3A_94 : i32 to index
            %get3A_269 = tpu.vector_load %arg4[%get3A_267, %get3A_268] {strides = array<i32>} : memref<288x80xf32, #tpu.memory_space<vmem>>, vector<16xf32>,
            tpu.vector_store_idx %arg6[%add3A_211, %add3A_261], %get3A_269 : memref<384x72xf32, #tpu.memory_space<vmem>>[vector<16xi32>, vector<16xi32>], vector<16xf32>,
            %add3A_270 = arith.constant 1 : i32
            %add3A_271 = vector.broadcast %add3A_270 : i32 to vector<16xi32>
            %add3A_272 = arith.addi %add3A_261, %add3A_271 : vector<16xi32>
            %scan3A_273 = arith.constant 5 : i32
            %scan3A_274 = arith.addi %scan3A_219, %scan3A_273 : i32
            %mul3A_275 = arith.constant 72 : i32
            %mul3A_276 = arith.muli %scan3A_204, %mul3A_275 : i32
            %add3A_277 = arith.addi %mul3A_276, %scan3A_274 : i32
            %get3A_278 = arith.index_cast %add3A_277 : i32 to index
            %get3A_279 = arith.index_cast %mul3A_94 : i32 to index
            %get3A_280 = tpu.vector_load %arg4[%get3A_278, %get3A_279] {strides = array<i32>} : memref<288x80xf32, #tpu.memory_space<vmem>>, vector<16xf32>,
            tpu.vector_store_idx %arg6[%add3A_211, %add3A_272], %get3A_280 : memref<384x72xf32, #tpu.memory_space<vmem>>[vector<16xi32>, vector<16xi32>], vector<16xf32>,
            %add3A_281 = arith.constant 1 : i32
            %add3A_282 = vector.broadcast %add3A_281 : i32 to vector<16xi32>
            %add3A_283 = arith.addi %add3A_272, %add3A_282 : vector<16xi32>
            %scan3A_284 = arith.constant 6 : i32
            %scan3A_285 = arith.addi %scan3A_219, %scan3A_284 : i32
            %mul3A_286 = arith.constant 72 : i32
            %mul3A_287 = arith.muli %scan3A_204, %mul3A_286 : i32
            %add3A_288 = arith.addi %mul3A_287, %scan3A_285 : i32
            %get3A_289 = arith.index_cast %add3A_288 : i32 to index
            %get3A_290 = arith.index_cast %mul3A_94 : i32 to index
            %get3A_291 = tpu.vector_load %arg4[%get3A_289, %get3A_290] {strides = array<i32>} : memref<288x80xf32, #tpu.memory_space<vmem>>, vector<16xf32>,
            tpu.vector_store_idx %arg6[%add3A_211, %add3A_283], %get3A_291 : memref<384x72xf32, #tpu.memory_space<vmem>>[vector<16xi32>, vector<16xi32>], vector<16xf32>,
            %add3A_292 = arith.constant 1 : i32
            %add3A_293 = vector.broadcast %add3A_292 : i32 to vector<16xi32>
            %add3A_294 = arith.addi %add3A_283, %add3A_293 : vector<16xi32>
            %scan3A_295 = arith.constant 7 : i32
            %scan3A_296 = arith.addi %scan3A_219, %scan3A_295 : i32
            %mul3A_297 = arith.constant 72 : i32
            %mul3A_298 = arith.muli %scan3A_204, %mul3A_297 : i32
            %add3A_299 = arith.addi %mul3A_298, %scan3A_296 : i32
            %get3A_300 = arith.index_cast %add3A_299 : i32 to index
            %get3A_301 = arith.index_cast %mul3A_94 : i32 to index
            %get3A_302 = tpu.vector_load %arg4[%get3A_300, %get3A_301] {strides = array<i32>} : memref<288x80xf32, #tpu.memory_space<vmem>>, vector<16xf32>,
            tpu.vector_store_idx %arg6[%add3A_211, %add3A_294], %get3A_302 : memref<384x72xf32, #tpu.memory_space<vmem>>[vector<16xi32>, vector<16xi32>], vector<16xf32>,
            %add3A_303 = arith.constant 1 : i32
            %add3A_304 = vector.broadcast %add3A_303 : i32 to vector<16xi32>
            %add3A_305 = arith.addi %add3A_294, %add3A_304 : vector<16xi32>
            %scan3A_306 = arith.constant 8 : i32
            %scan3A_307 = arith.addi %scan3A_219, %scan3A_306 : i32
            %mul3A_308 = arith.constant 72 : i32
            %mul3A_309 = arith.muli %scan3A_204, %mul3A_308 : i32
            %add3A_310 = arith.addi %mul3A_309, %scan3A_307 : i32
            %get3A_311 = arith.index_cast %add3A_310 : i32 to index
            %get3A_312 = arith.index_cast %mul3A_94 : i32 to index
            %get3A_313 = tpu.vector_load %arg4[%get3A_311, %get3A_312] {strides = array<i32>} : memref<288x80xf32, #tpu.memory_space<vmem>>, vector<16xf32>,
            tpu.vector_store_idx %arg6[%add3A_211, %add3A_305], %get3A_313 : memref<384x72xf32, #tpu.memory_space<vmem>>[vector<16xi32>, vector<16xi32>], vector<16xf32>,
            %add3A_314 = arith.constant 1 : i32
            %add3A_315 = vector.broadcast %add3A_314 : i32 to vector<16xi32>
            %add3A_316 = arith.addi %add3A_305, %add3A_315 : vector<16xi32>
            %scan3A_317 = arith.constant 9 : i32
            %scan3A_318 = arith.addi %scan3A_219, %scan3A_317 : i32
            %mul3A_319 = arith.constant 72 : i32
            %mul3A_320 = arith.muli %scan3A_204, %mul3A_319 : i32
            %add3A_321 = arith.addi %mul3A_320, %scan3A_318 : i32
            %get3A_322 = arith.index_cast %add3A_321 : i32 to index
            %get3A_323 = arith.index_cast %mul3A_94 : i32 to index
            %get3A_324 = tpu.vector_load %arg4[%get3A_322, %get3A_323] {strides = array<i32>} : memref<288x80xf32, #tpu.memory_space<vmem>>, vector<16xf32>,
            tpu.vector_store_idx %arg6[%add3A_211, %add3A_316], %get3A_324 : memref<384x72xf32, #tpu.memory_space<vmem>>[vector<16xi32>, vector<16xi32>], vector<16xf32>,
            %add3A_325 = arith.constant 1 : i32
            %add3A_326 = vector.broadcast %add3A_325 : i32 to vector<16xi32>
            %add3A_327 = arith.addi %add3A_316, %add3A_326 : vector<16xi32>
            %scan3A_328 = arith.constant 10 : i32
            %scan3A_329 = arith.addi %scan3A_219, %scan3A_328 : i32
            %mul3A_330 = arith.constant 72 : i32
            %mul3A_331 = arith.muli %scan3A_204, %mul3A_330 : i32
            %add3A_332 = arith.addi %mul3A_331, %scan3A_329 : i32
            %get3A_333 = arith.index_cast %add3A_332 : i32 to index
            %get3A_334 = arith.index_cast %mul3A_94 : i32 to index
            %get3A_335 = tpu.vector_load %arg4[%get3A_333, %get3A_334] {strides = array<i32>} : memref<288x80xf32, #tpu.memory_space<vmem>>, vector<16xf32>,
            tpu.vector_store_idx %arg6[%add3A_211, %add3A_327], %get3A_335 : memref<384x72xf32, #tpu.memory_space<vmem>>[vector<16xi32>, vector<16xi32>], vector<16xf32>,
            %add3A_336 = arith.constant 1 : i32
            %add3A_337 = vector.broadcast %add3A_336 : i32 to vector<16xi32>
            %add3A_338 = arith.addi %add3A_327, %add3A_337 : vector<16xi32>
            %scan3A_339 = arith.constant 11 : i32
            %scan3A_340 = arith.addi %scan3A_219, %scan3A_339 : i32
            %mul3A_341 = arith.constant 72 : i32
            %mul3A_342 = arith.muli %scan3A_204, %mul3A_341 : i32
            %add3A_343 = arith.addi %mul3A_342, %scan3A_340 : i32
            %get3A_344 = arith.index_cast %add3A_343 : i32 to index
            %get3A_345 = arith.index_cast %mul3A_94 : i32 to index
            %get3A_346 = tpu.vector_load %arg4[%get3A_344, %get3A_345] {strides = array<i32>} : memref<288x80xf32, #tpu.memory_space<vmem>>, vector<16xf32>,
            tpu.vector_store_idx %arg6[%add3A_211, %add3A_338], %get3A_346 : memref<384x72xf32, #tpu.memory_space<vmem>>[vector<16xi32>, vector<16xi32>], vector<16xf32>,
            %add3A_347 = arith.constant 1 : i32
            %add3A_348 = vector.broadcast %add3A_347 : i32 to vector<16xi32>
            %add3A_349 = arith.addi %add3A_338, %add3A_348 : vector<16xi32>
            scf.yield %add3A_349 : vector<16xi32>
          }
          %scan3A_218 = arith.constant 72 : i32
        }
        %scan3A_203 = arith.constant 4 : i32
        "tpu.region"() ({
          %run_scoped3A = tpu.sem_alloc : memref<!tpu.dma_semaphore, #tpu.memory_space<semaphore_mem>>
          %dma_start3A_204 = arith.constant 0 : i32
          %dma_start3A_205 = arith.constant 0 : i32
          %dma_start3A_206 = tpu.memref_slice %arg6[%dma_start3A_204, %dma_start3A_205] : memref<384x72xf32, #tpu.memory_space<vmem>> -> memref<192x72xf32, #tpu.memory_space<vmem>>
          %dma_start3A_207 = arith.constant 0 : i32
          %dma_start3A_208 = tpu.memref_slice %arg3[%select_n3A, %add3A_103, %dma_start3A_207] : memref<8x25920x72xf32, #tpu.memory_space<hbm>> -> memref<1x192x72xf32, #tpu.memory_space<hbm>>
          %dma_start3A_209 = tpu.memref_squeeze %dma_start3A_208 : memref<1x192x72xf32, #tpu.memory_space<hbm>> -> memref<192x72xf32, #tpu.memory_space<hbm>>
          %dma_start3A_210 = arith.constant 0 : i32
          %dma_start3A_211 = tpu.memref_slice %arg3[%select_n3A, %add3A_103, %dma_start3A_210] : memref<8x25920x72xf32, #tpu.memory_space<hbm>> -> memref<1x192x72xf32, #tpu.memory_space<hbm>>
          %dma_start3A_212 = tpu.memref_squeeze %dma_start3A_211 : memref<1x192x72xf32, #tpu.memory_space<hbm>> -> memref<192x72xf32, #tpu.memory_space<hbm>>
          %dma_start3A_213 = arith.constant 0 : i32
          %dma_start3A_214 = arith.constant 0 : i32
          %dma_start3A_215 = tpu.memref_slice %arg6[%dma_start3A_213, %dma_start3A_214] : memref<384x72xf32, #tpu.memory_space<vmem>> -> memref<192x72xf32, #tpu.memory_space<vmem>>
          tpu.enqueue_dma source(%dma_start3A_215 : memref<192x72xf32, #tpu.memory_space<vmem>>) target(%dma_start3A_212 : memref<192x72xf32, #tpu.memory_space<hbm>>) target_semaphore(%run_scoped3A : memref<!tpu.dma_semaphore, #tpu.memory_space<semaphore_mem>>)
          %dma_wait3A_216 = arith.constant 0 : i32
          %dma_wait3A_217 = arith.constant 0 : i32
          %dma_wait3A_218 = tpu.memref_slice %arg6[%dma_wait3A_216, %dma_wait3A_217] : memref<384x72xf32, #tpu.memory_space<vmem>> -> memref<192x72xf32, #tpu.memory_space<vmem>>
          %dma_wait3A_219 = arith.constant 0 : i32
          %dma_wait3A_220 = tpu.memref_slice %arg3[%select_n3A, %add3A_103, %dma_wait3A_219] : memref<8x25920x72xf32, #tpu.memory_space<hbm>> -> memref<1x192x72xf32, #tpu.memory_space<hbm>>
          %dma_wait3A_221 = tpu.memref_squeeze %dma_wait3A_220 : memref<1x192x72xf32, #tpu.memory_space<hbm>> -> memref<192x72xf32, #tpu.memory_space<hbm>>
          %dma_wait3A_222 = arith.constant 0 : i32
          %dma_wait3A_223 = tpu.memref_slice %arg3[%select_n3A, %add3A_103, %dma_wait3A_222] : memref<8x25920x72xf32, #tpu.memory_space<hbm>> -> memref<1x192x72xf32, #tpu.memory_space<hbm>>
          %dma_wait3A_224 = tpu.memref_squeeze %dma_wait3A_223 : memref<1x192x72xf32, #tpu.memory_space<hbm>> -> memref<192x72xf32, #tpu.memory_space<hbm>>
          %dma_wait3A_225 = arith.constant 0 : i32
          %dma_wait3A_226 = arith.constant 0 : i32
          %dma_wait3A_227 = tpu.memref_slice %arg6[%dma_wait3A_225, %dma_wait3A_226] : memref<384x72xf32, #tpu.memory_space<vmem>> -> memref<192x72xf32, #tpu.memory_space<vmem>>
          tpu.wait_dma2 semaphore(%run_scoped3A : memref<!tpu.dma_semaphore, #tpu.memory_space<semaphore_mem>>) src(%dma_wait3A_227 : memref<192x72xf32, #tpu.memory_space<vmem>>) dst(%dma_wait3A_224 : memref<192x72xf32, #tpu.memory_space<hbm>>)
          tpu.yield
        }) : () -> ()
      } else {
      }
    }
    %scan3A_5 = arith.constant 12 : i32
    %scan3A_6 = arith.constant 0 : i32
    %scan3A_7 = arith.constant 0 : i32
    %scan3A_8 = arith.constant 12 : i32
    %scan3A_9 = arith.addi %scan3A_7, %scan3A_8 : i32
    %scan3A_10 = arith.constant 1 : i32
    scf.for %scan3A_12 = %scan3A_7 to %scan3A_9 step %scan3A_10  : i32 {
      %mul3A_13 = arith.constant 32 : i32
      %mul3A_14 = arith.muli %scan3A_12, %mul3A_13 : i32
      %add3A_15 = arith.addi %add3A, %mul3A_14 : i32
      %lt3A = arith.constant 360 : i32
      %lt3A_16 = arith.cmpi slt, %add3A_15, %lt3A : i32
      %convert_element_type3A = arith.extui %lt3A_16 : i1 to i32
      %cond3A = arith.constant 0 : i32
      %cond3A_17 = arith.cmpi ne, %convert_element_type3A, %cond3A : i32
      scf.if %cond3A_17 {
        %jit3A = arith.constant 45 : i32
        %div3A = arith.divsi %add3A_15, %jit3A : i32
        %sign3A = arith.constant 0 : i32
        %sign3A_18 = arith.cmpi sgt, %add3A_15, %sign3A : i32
        %sign3A_19 = arith.extui %sign3A_18 : i1 to i32
        %sign3A_20 = arith.constant 0 : i32
        %sign3A_21 = arith.cmpi slt, %add3A_15, %sign3A_20 : i32
        %sign3A_22 = arith.extui %sign3A_21 : i1 to i32
        %sign3A_23 = arith.subi %sign3A_19, %sign3A_22 : i32
        %sign3A_24 = arith.constant 0 : i32
        %sign3A_25 = arith.cmpi sgt, %jit3A, %sign3A_24 : i32
        %sign3A_26 = arith.extui %sign3A_25 : i1 to i32
        %sign3A_27 = arith.constant 0 : i32
        %sign3A_28 = arith.cmpi slt, %jit3A, %sign3A_27 : i32
        %sign3A_29 = arith.extui %sign3A_28 : i1 to i32
        %sign3A_30 = arith.subi %sign3A_26, %sign3A_29 : i32
        %ne3A = arith.cmpi ne, %sign3A_23, %sign3A_30 : i32
        %rem3A = arith.remsi %add3A_15, %jit3A : i32
        %ne3A_31 = arith.constant 0 : i32
        %ne3A_32 = arith.cmpi ne, %rem3A, %ne3A_31 : i32
        %and3A = arith.andi %ne3A, %ne3A_32 : i1
        %sub3A = arith.constant 1 : i32
        %sub3A_33 = arith.subi %div3A, %sub3A : i32
        %select_n3A = arith.select %and3A, %sub3A_33, %div3A : i32
        %jit3A_34 = arith.constant 45 : i32
        %eq3A = arith.constant 0 : i32
        %eq3A_35 = arith.cmpi eq, %jit3A_34, %eq3A : i32
        %jit3A_36 = arith.constant 1 : i32
        %select_n3A_37 = arith.select %eq3A_35, %jit3A_36, %jit3A_34 : i32
        %rem3A_38 = arith.remsi %add3A_15, %select_n3A_37 : i32
        %ne3A_39 = arith.constant 0 : i32
        %ne3A_40 = arith.cmpi ne, %rem3A_38, %ne3A_39 : i32
        %lt3A_41 = arith.constant 0 : i32
        %lt3A_42 = arith.cmpi slt, %rem3A_38, %lt3A_41 : i32
        %lt3A_43 = arith.constant 0 : i32
        %lt3A_44 = arith.cmpi slt, %select_n3A_37, %lt3A_43 : i32
        %ne3A_45 = arith.xori %lt3A_42, %lt3A_44 : i1
        %and3A_46 = arith.andi %ne3A_45, %ne3A_40 : i1
        %add3A_47 = arith.addi %rem3A_38, %select_n3A_37 : i32
        %select_n3A_48 = arith.select %and3A_46, %add3A_47, %rem3A_38 : i32
        %jit3A_49 = arith.constant 5 : i32
        %div3A_50 = arith.divsi %select_n3A_48, %jit3A_49 : i32
        %sign3A_51 = arith.constant 0 : i32
        %sign3A_52 = arith.cmpi sgt, %select_n3A_48, %sign3A_51 : i32
        %sign3A_53 = arith.extui %sign3A_52 : i1 to i32
        %sign3A_54 = arith.constant 0 : i32
        %sign3A_55 = arith.cmpi slt, %select_n3A_48, %sign3A_54 : i32
        %sign3A_56 = arith.extui %sign3A_55 : i1 to i32
        %sign3A_57 = arith.subi %sign3A_53, %sign3A_56 : i32
        %sign3A_58 = arith.constant 0 : i32
        %sign3A_59 = arith.cmpi sgt, %jit3A_49, %sign3A_58 : i32
        %sign3A_60 = arith.extui %sign3A_59 : i1 to i32
        %sign3A_61 = arith.constant 0 : i32
        %sign3A_62 = arith.cmpi slt, %jit3A_49, %sign3A_61 : i32
        %sign3A_63 = arith.extui %sign3A_62 : i1 to i32
        %sign3A_64 = arith.subi %sign3A_60, %sign3A_63 : i32
        %ne3A_65 = arith.cmpi ne, %sign3A_57, %sign3A_64 : i32
        %rem3A_66 = arith.remsi %select_n3A_48, %jit3A_49 : i32
        %ne3A_67 = arith.constant 0 : i32
        %ne3A_68 = arith.cmpi ne, %rem3A_66, %ne3A_67 : i32
        %and3A_69 = arith.andi %ne3A_65, %ne3A_68 : i1
        %sub3A_70 = arith.constant 1 : i32
        %sub3A_71 = arith.subi %div3A_50, %sub3A_70 : i32
        %select_n3A_72 = arith.select %and3A_69, %sub3A_71, %div3A_50 : i32
        %jit3A_73 = arith.constant 5 : i32
        %eq3A_74 = arith.constant 0 : i32
        %eq3A_75 = arith.cmpi eq, %jit3A_73, %eq3A_74 : i32
        %jit3A_76 = arith.constant 1 : i32
        %select_n3A_77 = arith.select %eq3A_75, %jit3A_76, %jit3A_73 : i32
        %rem3A_78 = arith.remsi %select_n3A_48, %select_n3A_77 : i32
        %ne3A_79 = arith.constant 0 : i32
        %ne3A_80 = arith.cmpi ne, %rem3A_78, %ne3A_79 : i32
        %lt3A_81 = arith.constant 0 : i32
        %lt3A_82 = arith.cmpi slt, %rem3A_78, %lt3A_81 : i32
        %lt3A_83 = arith.constant 0 : i32
        %lt3A_84 = arith.cmpi slt, %select_n3A_77, %lt3A_83 : i32
        %ne3A_85 = arith.xori %lt3A_82, %lt3A_84 : i1
        %and3A_86 = arith.andi %ne3A_85, %ne3A_80 : i1
        %add3A_87 = arith.addi %rem3A_78, %select_n3A_77 : i32
        %select_n3A_88 = arith.select %and3A_86, %add3A_87, %rem3A_78 : i32
        %mul3A_89 = arith.constant 2 : i32
        %mul3A_90 = arith.muli %mul3A_89, %select_n3A_72 : i32
        %add3A_91 = arith.constant 1 : i32
        %add3A_92 = arith.addi %mul3A_90, %add3A_91 : i32
        %mul3A_93 = arith.constant 16 : i32
        %mul3A_94 = arith.muli %select_n3A_88, %mul3A_93 : i32
        %mul3A_95 = arith.constant 2880 : i32
        %mul3A_96 = arith.muli %mul3A_95, %select_n3A_72 : i32
        %add3A_97 = arith.constant 960 : i32
        %add3A_98 = arith.addi %mul3A_96, %add3A_97 : i32
        %mul3A_99 = arith.constant 16 : i32
        %mul3A_100 = arith.muli %select_n3A_88, %mul3A_99 : i32
        %mul3A_101 = arith.constant 24 : i32
        %mul3A_102 = arith.muli %mul3A_100, %mul3A_101 : i32
        %add3A_103 = arith.addi %add3A_98, %mul3A_102 : i32
        %dma_start3A = arith.constant 0 : i32
        %dma_start3A_104 = arith.constant 0 : i32
        %dma_start3A_105 = tpu.memref_slice %arg4[%dma_start3A, %dma_start3A_104] : memref<288x80xf32, #tpu.memory_space<vmem>> -> memref<288x80xf32, #tpu.memory_space<vmem>>
        %dma_start3A_106 = arith.constant 0 : i32
        %dma_start3A_107 = arith.constant 0 : i32
        %dma_start3A_108 = tpu.memref_slice %arg2[%select_n3A, %dma_start3A_106, %add3A_92, %dma_start3A_107] : memref<8x1728x18x80xf32, #tpu.memory_space<hbm>> -> memref<1x288x1x80xf32, #tpu.memory_space<hbm>>
        %dma_start3A_109 = tpu.memref_squeeze %dma_start3A_108 : memref<1x288x1x80xf32, #tpu.memory_space<hbm>> -> memref<288x80xf32, #tpu.memory_space<hbm>>
        %dma_start3A_110 = arith.constant 0 : i32
        %dma_start3A_111 = arith.constant 0 : i32
        %dma_start3A_112 = tpu.memref_slice %arg4[%dma_start3A_110, %dma_start3A_111] : memref<288x80xf32, #tpu.memory_space<vmem>> -> memref<288x80xf32, #tpu.memory_space<vmem>>
        %dma_start3A_113 = arith.constant 0 : i32
        %dma_start3A_114 = arith.constant 0 : i32
        %dma_start3A_115 = tpu.memref_slice %arg2[%select_n3A, %dma_start3A_113, %add3A_92, %dma_start3A_114] : memref<8x1728x18x80xf32, #tpu.memory_space<hbm>> -> memref<1x288x1x80xf32, #tpu.memory_space<hbm>>
        %dma_start3A_116 = tpu.memref_squeeze %dma_start3A_115 : memref<1x288x1x80xf32, #tpu.memory_space<hbm>> -> memref<288x80xf32, #tpu.memory_space<hbm>>
        tpu.enqueue_dma source(%dma_start3A_116 : memref<288x80xf32, #tpu.memory_space<hbm>>) target(%dma_start3A_112 : memref<288x80xf32, #tpu.memory_space<vmem>>) target_semaphore(%arg7 : memref<!tpu.dma_semaphore, #tpu.memory_space<semaphore_mem>>)
        %dma_start3A_117 = arith.constant 0 : i32
        %dma_start3A_118 = arith.constant 0 : i32
        %dma_start3A_119 = tpu.memref_slice %arg5[%dma_start3A_117, %dma_start3A_118] : memref<288x80xf32, #tpu.memory_space<vmem>> -> memref<288x80xf32, #tpu.memory_space<vmem>>
        %dma_start3A_120 = arith.constant 288 : i32
        %dma_start3A_121 = arith.constant 0 : i32
        %dma_start3A_122 = tpu.memref_slice %arg2[%select_n3A, %dma_start3A_120, %add3A_92, %dma_start3A_121] : memref<8x1728x18x80xf32, #tpu.memory_space<hbm>> -> memref<1x288x1x80xf32, #tpu.memory_space<hbm>>
        %dma_start3A_123 = tpu.memref_squeeze %dma_start3A_122 : memref<1x288x1x80xf32, #tpu.memory_space<hbm>> -> memref<288x80xf32, #tpu.memory_space<hbm>>
        %dma_start3A_124 = arith.constant 0 : i32
        %dma_start3A_125 = arith.constant 0 : i32
        %dma_start3A_126 = tpu.memref_slice %arg5[%dma_start3A_124, %dma_start3A_125] : memref<288x80xf32, #tpu.memory_space<vmem>> -> memref<288x80xf32, #tpu.memory_space<vmem>>
        %dma_start3A_127 = arith.constant 288 : i32
        %dma_start3A_128 = arith.constant 0 : i32
        %dma_start3A_129 = tpu.memref_slice %arg2[%select_n3A, %dma_start3A_127, %add3A_92, %dma_start3A_128] : memref<8x1728x18x80xf32, #tpu.memory_space<hbm>> -> memref<1x288x1x80xf32, #tpu.memory_space<hbm>>
        %dma_start3A_130 = tpu.memref_squeeze %dma_start3A_129 : memref<1x288x1x80xf32, #tpu.memory_space<hbm>> -> memref<288x80xf32, #tpu.memory_space<hbm>>
        tpu.enqueue_dma source(%dma_start3A_130 : memref<288x80xf32, #tpu.memory_space<hbm>>) target(%dma_start3A_126 : memref<288x80xf32, #tpu.memory_space<vmem>>) target_semaphore(%arg8 : memref<!tpu.dma_semaphore, #tpu.memory_space<semaphore_mem>>)
        %dma_wait3A = arith.constant 0 : i32
        %dma_wait3A_131 = arith.constant 0 : i32
        %dma_wait3A_132 = tpu.memref_slice %arg4[%dma_wait3A, %dma_wait3A_131] : memref<288x80xf32, #tpu.memory_space<vmem>> -> memref<288x80xf32, #tpu.memory_space<vmem>>
        %dma_wait3A_133 = arith.constant 0 : i32
        %dma_wait3A_134 = arith.constant 0 : i32
        %dma_wait3A_135 = tpu.memref_slice %arg2[%select_n3A, %dma_wait3A_133, %add3A_92, %dma_wait3A_134] : memref<8x1728x18x80xf32, #tpu.memory_space<hbm>> -> memref<1x288x1x80xf32, #tpu.memory_space<hbm>>
        %dma_wait3A_136 = tpu.memref_squeeze %dma_wait3A_135 : memref<1x288x1x80xf32, #tpu.memory_space<hbm>> -> memref<288x80xf32, #tpu.memory_space<hbm>>
        %dma_wait3A_137 = arith.constant 0 : i32
        %dma_wait3A_138 = arith.constant 0 : i32
        %dma_wait3A_139 = tpu.memref_slice %arg4[%dma_wait3A_137, %dma_wait3A_138] : memref<288x80xf32, #tpu.memory_space<vmem>> -> memref<288x80xf32, #tpu.memory_space<vmem>>
        %dma_wait3A_140 = arith.constant 0 : i32
        %dma_wait3A_141 = arith.constant 0 : i32
        %dma_wait3A_142 = tpu.memref_slice %arg2[%select_n3A, %dma_wait3A_140, %add3A_92, %dma_wait3A_141] : memref<8x1728x18x80xf32, #tpu.memory_space<hbm>> -> memref<1x288x1x80xf32, #tpu.memory_space<hbm>>
        %dma_wait3A_143 = tpu.memref_squeeze %dma_wait3A_142 : memref<1x288x1x80xf32, #tpu.memory_space<hbm>> -> memref<288x80xf32, #tpu.memory_space<hbm>>
        tpu.wait_dma2 semaphore(%arg7 : memref<!tpu.dma_semaphore, #tpu.memory_space<semaphore_mem>>) src(%dma_wait3A_143 : memref<288x80xf32, #tpu.memory_space<hbm>>) dst(%dma_wait3A_139 : memref<288x80xf32, #tpu.memory_space<vmem>>)
        %scan3A_144 = arith.constant 0 : i32
        %scan3A_145 = arith.constant 0 : i32
        %scan3A_146 = arith.constant 4 : i32
        %scan3A_147 = arith.addi %scan3A_145, %scan3A_146 : i32
        %scan3A_148 = arith.constant 1 : i32
        scf.for %scan3A_306 = %scan3A_145 to %scan3A_147 step %scan3A_148  : i32 {
          %mul3A_307 = arith.constant 24 : i32
          %mul3A_308 = vector.broadcast %mul3A_307 : i32 to vector<16xi32>
          %mul3A_309 = arith.muli %iota3A, %mul3A_308 : vector<16xi32>
          %add3A_310 = arith.constant 0 : i32
          %add3A_311 = arith.addi %add3A_310, %scan3A_306 : i32
          %add3A_312 = vector.broadcast %add3A_311 : i32 to vector<16xi32>
          %add3A_313 = arith.addi %mul3A_309, %add3A_312 : vector<16xi32>
          %broadcast_in_dim3A = arith.constant 0 : i32
          %broadcast_in_dim3A_314 = vector.broadcast %broadcast_in_dim3A : i32 to vector<16xi32>
          %scan3A_315 = arith.constant 0 : i32
          %scan3A_316 = arith.constant 72 : i32
          %scan3A_317 = arith.addi %scan3A_315, %scan3A_316 : i32
          %scan3A_318 = arith.constant 12 : i32
          %scan3A_319 = scf.for %scan3A_321 = %scan3A_315 to %scan3A_317 step %scan3A_318 iter_args(%scan3A_322 = %broadcast_in_dim3A_314) -> (vector<16xi32>)  : i32 {
            %mul3A_323 = arith.constant 72 : i32
            %mul3A_324 = arith.muli %scan3A_306, %mul3A_323 : i32
            %add3A_325 = arith.addi %mul3A_324, %scan3A_321 : i32
            %get3A = arith.index_cast %add3A_325 : i32 to index
            %get3A_326 = arith.index_cast %mul3A_94 : i32 to index
            %get3A_327 = tpu.vector_load %arg4[%get3A, %get3A_326] {strides = array<i32>} : memref<288x80xf32, #tpu.memory_space<vmem>>, vector<16xf32>,
            tpu.vector_store_idx %arg6[%add3A_313, %scan3A_322], %get3A_327 : memref<384x72xf32, #tpu.memory_space<vmem>>[vector<16xi32>, vector<16xi32>], vector<16xf32>,
            %add3A_328 = arith.constant 1 : i32
            %add3A_329 = vector.broadcast %add3A_328 : i32 to vector<16xi32>
            %add3A_330 = arith.addi %scan3A_322, %add3A_329 : vector<16xi32>
            %scan3A_331 = arith.constant 1 : i32
            %scan3A_332 = arith.addi %scan3A_321, %scan3A_331 : i32
            %mul3A_333 = arith.constant 72 : i32
            %mul3A_334 = arith.muli %scan3A_306, %mul3A_333 : i32
            %add3A_335 = arith.addi %mul3A_334, %scan3A_332 : i32
            %get3A_336 = arith.index_cast %add3A_335 : i32 to index
            %get3A_337 = arith.index_cast %mul3A_94 : i32 to index
            %get3A_338 = tpu.vector_load %arg4[%get3A_336, %get3A_337] {strides = array<i32>} : memref<288x80xf32, #tpu.memory_space<vmem>>, vector<16xf32>,
            tpu.vector_store_idx %arg6[%add3A_313, %add3A_330], %get3A_338 : memref<384x72xf32, #tpu.memory_space<vmem>>[vector<16xi32>, vector<16xi32>], vector<16xf32>,
            %add3A_339 = arith.constant 1 : i32
            %add3A_340 = vector.broadcast %add3A_339 : i32 to vector<16xi32>
            %add3A_341 = arith.addi %add3A_330, %add3A_340 : vector<16xi32>
            %scan3A_342 = arith.constant 2 : i32
            %scan3A_343 = arith.addi %scan3A_321, %scan3A_342 : i32
            %mul3A_344 = arith.constant 72 : i32
            %mul3A_345 = arith.muli %scan3A_306, %mul3A_344 : i32
            %add3A_346 = arith.addi %mul3A_345, %scan3A_343 : i32
            %get3A_347 = arith.index_cast %add3A_346 : i32 to index
            %get3A_348 = arith.index_cast %mul3A_94 : i32 to index
            %get3A_349 = tpu.vector_load %arg4[%get3A_347, %get3A_348] {strides = array<i32>} : memref<288x80xf32, #tpu.memory_space<vmem>>, vector<16xf32>,
            tpu.vector_store_idx %arg6[%add3A_313, %add3A_341], %get3A_349 : memref<384x72xf32, #tpu.memory_space<vmem>>[vector<16xi32>, vector<16xi32>], vector<16xf32>,
            %add3A_350 = arith.constant 1 : i32
            %add3A_351 = vector.broadcast %add3A_350 : i32 to vector<16xi32>
            %add3A_352 = arith.addi %add3A_341, %add3A_351 : vector<16xi32>
            %scan3A_353 = arith.constant 3 : i32
            %scan3A_354 = arith.addi %scan3A_321, %scan3A_353 : i32
            %mul3A_355 = arith.constant 72 : i32
            %mul3A_356 = arith.muli %scan3A_306, %mul3A_355 : i32
            %add3A_357 = arith.addi %mul3A_356, %scan3A_354 : i32
            %get3A_358 = arith.index_cast %add3A_357 : i32 to index
            %get3A_359 = arith.index_cast %mul3A_94 : i32 to index
            %get3A_360 = tpu.vector_load %arg4[%get3A_358, %get3A_359] {strides = array<i32>} : memref<288x80xf32, #tpu.memory_space<vmem>>, vector<16xf32>,
            tpu.vector_store_idx %arg6[%add3A_313, %add3A_352], %get3A_360 : memref<384x72xf32, #tpu.memory_space<vmem>>[vector<16xi32>, vector<16xi32>], vector<16xf32>,
            %add3A_361 = arith.constant 1 : i32
            %add3A_362 = vector.broadcast %add3A_361 : i32 to vector<16xi32>
            %add3A_363 = arith.addi %add3A_352, %add3A_362 : vector<16xi32>
            %scan3A_364 = arith.constant 4 : i32
            %scan3A_365 = arith.addi %scan3A_321, %scan3A_364 : i32
            %mul3A_366 = arith.constant 72 : i32
            %mul3A_367 = arith.muli %scan3A_306, %mul3A_366 : i32
            %add3A_368 = arith.addi %mul3A_367, %scan3A_365 : i32
            %get3A_369 = arith.index_cast %add3A_368 : i32 to index
            %get3A_370 = arith.index_cast %mul3A_94 : i32 to index
            %get3A_371 = tpu.vector_load %arg4[%get3A_369, %get3A_370] {strides = array<i32>} : memref<288x80xf32, #tpu.memory_space<vmem>>, vector<16xf32>,
            tpu.vector_store_idx %arg6[%add3A_313, %add3A_363], %get3A_371 : memref<384x72xf32, #tpu.memory_space<vmem>>[vector<16xi32>, vector<16xi32>], vector<16xf32>,
            %add3A_372 = arith.constant 1 : i32
            %add3A_373 = vector.broadcast %add3A_372 : i32 to vector<16xi32>
            %add3A_374 = arith.addi %add3A_363, %add3A_373 : vector<16xi32>
            %scan3A_375 = arith.constant 5 : i32
            %scan3A_376 = arith.addi %scan3A_321, %scan3A_375 : i32
            %mul3A_377 = arith.constant 72 : i32
            %mul3A_378 = arith.muli %scan3A_306, %mul3A_377 : i32
            %add3A_379 = arith.addi %mul3A_378, %scan3A_376 : i32
            %get3A_380 = arith.index_cast %add3A_379 : i32 to index
            %get3A_381 = arith.index_cast %mul3A_94 : i32 to index
            %get3A_382 = tpu.vector_load %arg4[%get3A_380, %get3A_381] {strides = array<i32>} : memref<288x80xf32, #tpu.memory_space<vmem>>, vector<16xf32>,
            tpu.vector_store_idx %arg6[%add3A_313, %add3A_374], %get3A_382 : memref<384x72xf32, #tpu.memory_space<vmem>>[vector<16xi32>, vector<16xi32>], vector<16xf32>,
            %add3A_383 = arith.constant 1 : i32
            %add3A_384 = vector.broadcast %add3A_383 : i32 to vector<16xi32>
            %add3A_385 = arith.addi %add3A_374, %add3A_384 : vector<16xi32>
            %scan3A_386 = arith.constant 6 : i32
            %scan3A_387 = arith.addi %scan3A_321, %scan3A_386 : i32
            %mul3A_388 = arith.constant 72 : i32
            %mul3A_389 = arith.muli %scan3A_306, %mul3A_388 : i32
            %add3A_390 = arith.addi %mul3A_389, %scan3A_387 : i32
            %get3A_391 = arith.index_cast %add3A_390 : i32 to index
            %get3A_392 = arith.index_cast %mul3A_94 : i32 to index
            %get3A_393 = tpu.vector_load %arg4[%get3A_391, %get3A_392] {strides = array<i32>} : memref<288x80xf32, #tpu.memory_space<vmem>>, vector<16xf32>,
            tpu.vector_store_idx %arg6[%add3A_313, %add3A_385], %get3A_393 : memref<384x72xf32, #tpu.memory_space<vmem>>[vector<16xi32>, vector<16xi32>], vector<16xf32>,
            %add3A_394 = arith.constant 1 : i32
            %add3A_395 = vector.broadcast %add3A_394 : i32 to vector<16xi32>
            %add3A_396 = arith.addi %add3A_385, %add3A_395 : vector<16xi32>
            %scan3A_397 = arith.constant 7 : i32
            %scan3A_398 = arith.addi %scan3A_321, %scan3A_397 : i32
            %mul3A_399 = arith.constant 72 : i32
            %mul3A_400 = arith.muli %scan3A_306, %mul3A_399 : i32
            %add3A_401 = arith.addi %mul3A_400, %scan3A_398 : i32
            %get3A_402 = arith.index_cast %add3A_401 : i32 to index
            %get3A_403 = arith.index_cast %mul3A_94 : i32 to index
            %get3A_404 = tpu.vector_load %arg4[%get3A_402, %get3A_403] {strides = array<i32>} : memref<288x80xf32, #tpu.memory_space<vmem>>, vector<16xf32>,
            tpu.vector_store_idx %arg6[%add3A_313, %add3A_396], %get3A_404 : memref<384x72xf32, #tpu.memory_space<vmem>>[vector<16xi32>, vector<16xi32>], vector<16xf32>,
            %add3A_405 = arith.constant 1 : i32
            %add3A_406 = vector.broadcast %add3A_405 : i32 to vector<16xi32>
            %add3A_407 = arith.addi %add3A_396, %add3A_406 : vector<16xi32>
            %scan3A_408 = arith.constant 8 : i32
            %scan3A_409 = arith.addi %scan3A_321, %scan3A_408 : i32
            %mul3A_410 = arith.constant 72 : i32
            %mul3A_411 = arith.muli %scan3A_306, %mul3A_410 : i32
            %add3A_412 = arith.addi %mul3A_411, %scan3A_409 : i32
            %get3A_413 = arith.index_cast %add3A_412 : i32 to index
            %get3A_414 = arith.index_cast %mul3A_94 : i32 to index
            %get3A_415 = tpu.vector_load %arg4[%get3A_413, %get3A_414] {strides = array<i32>} : memref<288x80xf32, #tpu.memory_space<vmem>>, vector<16xf32>,
            tpu.vector_store_idx %arg6[%add3A_313, %add3A_407], %get3A_415 : memref<384x72xf32, #tpu.memory_space<vmem>>[vector<16xi32>, vector<16xi32>], vector<16xf32>,
            %add3A_416 = arith.constant 1 : i32
            %add3A_417 = vector.broadcast %add3A_416 : i32 to vector<16xi32>
            %add3A_418 = arith.addi %add3A_407, %add3A_417 : vector<16xi32>
            %scan3A_419 = arith.constant 9 : i32
            %scan3A_420 = arith.addi %scan3A_321, %scan3A_419 : i32
            %mul3A_421 = arith.constant 72 : i32
            %mul3A_422 = arith.muli %scan3A_306, %mul3A_421 : i32
            %add3A_423 = arith.addi %mul3A_422, %scan3A_420 : i32
            %get3A_424 = arith.index_cast %add3A_423 : i32 to index
            %get3A_425 = arith.index_cast %mul3A_94 : i32 to index
            %get3A_426 = tpu.vector_load %arg4[%get3A_424, %get3A_425] {strides = array<i32>} : memref<288x80xf32, #tpu.memory_space<vmem>>, vector<16xf32>,
            tpu.vector_store_idx %arg6[%add3A_313, %add3A_418], %get3A_426 : memref<384x72xf32, #tpu.memory_space<vmem>>[vector<16xi32>, vector<16xi32>], vector<16xf32>,
            %add3A_427 = arith.constant 1 : i32
            %add3A_428 = vector.broadcast %add3A_427 : i32 to vector<16xi32>
            %add3A_429 = arith.addi %add3A_418, %add3A_428 : vector<16xi32>
            %scan3A_430 = arith.constant 10 : i32
            %scan3A_431 = arith.addi %scan3A_321, %scan3A_430 : i32
            %mul3A_432 = arith.constant 72 : i32
            %mul3A_433 = arith.muli %scan3A_306, %mul3A_432 : i32
            %add3A_434 = arith.addi %mul3A_433, %scan3A_431 : i32
            %get3A_435 = arith.index_cast %add3A_434 : i32 to index
            %get3A_436 = arith.index_cast %mul3A_94 : i32 to index
            %get3A_437 = tpu.vector_load %arg4[%get3A_435, %get3A_436] {strides = array<i32>} : memref<288x80xf32, #tpu.memory_space<vmem>>, vector<16xf32>,
            tpu.vector_store_idx %arg6[%add3A_313, %add3A_429], %get3A_437 : memref<384x72xf32, #tpu.memory_space<vmem>>[vector<16xi32>, vector<16xi32>], vector<16xf32>,
            %add3A_438 = arith.constant 1 : i32
            %add3A_439 = vector.broadcast %add3A_438 : i32 to vector<16xi32>
            %add3A_440 = arith.addi %add3A_429, %add3A_439 : vector<16xi32>
            %scan3A_441 = arith.constant 11 : i32
            %scan3A_442 = arith.addi %scan3A_321, %scan3A_441 : i32
            %mul3A_443 = arith.constant 72 : i32
            %mul3A_444 = arith.muli %scan3A_306, %mul3A_443 : i32
            %add3A_445 = arith.addi %mul3A_444, %scan3A_442 : i32
            %get3A_446 = arith.index_cast %add3A_445 : i32 to index
            %get3A_447 = arith.index_cast %mul3A_94 : i32 to index
            %get3A_448 = tpu.vector_load %arg4[%get3A_446, %get3A_447] {strides = array<i32>} : memref<288x80xf32, #tpu.memory_space<vmem>>, vector<16xf32>,
            tpu.vector_store_idx %arg6[%add3A_313, %add3A_440], %get3A_448 : memref<384x72xf32, #tpu.memory_space<vmem>>[vector<16xi32>, vector<16xi32>], vector<16xf32>,
            %add3A_449 = arith.constant 1 : i32
            %add3A_450 = vector.broadcast %add3A_449 : i32 to vector<16xi32>
            %add3A_451 = arith.addi %add3A_440, %add3A_450 : vector<16xi32>
            scf.yield %add3A_451 : vector<16xi32>
          }
          %scan3A_320 = arith.constant 72 : i32
        }
        %scan3A_149 = arith.constant 4 : i32
        %dma_start3A_150 = arith.constant 0 : i32
        %dma_start3A_151 = arith.constant 0 : i32
        %dma_start3A_152 = tpu.memref_slice %arg4[%dma_start3A_150, %dma_start3A_151] : memref<288x80xf32, #tpu.memory_space<vmem>> -> memref<288x80xf32, #tpu.memory_space<vmem>>
        %dma_start3A_153 = arith.constant 576 : i32
        %dma_start3A_154 = arith.constant 0 : i32
        %dma_start3A_155 = tpu.memref_slice %arg2[%select_n3A, %dma_start3A_153, %add3A_92, %dma_start3A_154] : memref<8x1728x18x80xf32, #tpu.memory_space<hbm>> -> memref<1x288x1x80xf32, #tpu.memory_space<hbm>>
        %dma_start3A_156 = tpu.memref_squeeze %dma_start3A_155 : memref<1x288x1x80xf32, #tpu.memory_space<hbm>> -> memref<288x80xf32, #tpu.memory_space<hbm>>
        %dma_start3A_157 = arith.constant 0 : i32
        %dma_start3A_158 = arith.constant 0 : i32
        %dma_start3A_159 = tpu.memref_slice %arg4[%dma_start3A_157, %dma_start3A_158] : memref<288x80xf32, #tpu.memory_space<vmem>> -> memref<288x80xf32, #tpu.memory_space<vmem>>
        %dma_start3A_160 = arith.constant 576 : i32
        %dma_start3A_161 = arith.constant 0 : i32
        %dma_start3A_162 = tpu.memref_slice %arg2[%select_n3A, %dma_start3A_160, %add3A_92, %dma_start3A_161] : memref<8x1728x18x80xf32, #tpu.memory_space<hbm>> -> memref<1x288x1x80xf32, #tpu.memory_space<hbm>>
        %dma_start3A_163 = tpu.memref_squeeze %dma_start3A_162 : memref<1x288x1x80xf32, #tpu.memory_space<hbm>> -> memref<288x80xf32, #tpu.memory_space<hbm>>
        tpu.enqueue_dma source(%dma_start3A_163 : memref<288x80xf32, #tpu.memory_space<hbm>>) target(%dma_start3A_159 : memref<288x80xf32, #tpu.memory_space<vmem>>) target_semaphore(%arg7 : memref<!tpu.dma_semaphore, #tpu.memory_space<semaphore_mem>>)
        %dma_wait3A_164 = arith.constant 0 : i32
        %dma_wait3A_165 = arith.constant 0 : i32
        %dma_wait3A_166 = tpu.memref_slice %arg5[%dma_wait3A_164, %dma_wait3A_165] : memref<288x80xf32, #tpu.memory_space<vmem>> -> memref<288x80xf32, #tpu.memory_space<vmem>>
        %dma_wait3A_167 = arith.constant 288 : i32
        %dma_wait3A_168 = arith.constant 0 : i32
        %dma_wait3A_169 = tpu.memref_slice %arg2[%select_n3A, %dma_wait3A_167, %add3A_92, %dma_wait3A_168] : memref<8x1728x18x80xf32, #tpu.memory_space<hbm>> -> memref<1x288x1x80xf32, #tpu.memory_space<hbm>>
        %dma_wait3A_170 = tpu.memref_squeeze %dma_wait3A_169 : memref<1x288x1x80xf32, #tpu.memory_space<hbm>> -> memref<288x80xf32, #tpu.memory_space<hbm>>
        %dma_wait3A_171 = arith.constant 0 : i32
        %dma_wait3A_172 = arith.constant 0 : i32
        %dma_wait3A_173 = tpu.memref_slice %arg5[%dma_wait3A_171, %dma_wait3A_172] : memref<288x80xf32, #tpu.memory_space<vmem>> -> memref<288x80xf32, #tpu.memory_space<vmem>>
        %dma_wait3A_174 = arith.constant 288 : i32
        %dma_wait3A_175 = arith.constant 0 : i32
        %dma_wait3A_176 = tpu.memref_slice %arg2[%select_n3A, %dma_wait3A_174, %add3A_92, %dma_wait3A_175] : memref<8x1728x18x80xf32, #tpu.memory_space<hbm>> -> memref<1x288x1x80xf32, #tpu.memory_space<hbm>>
        %dma_wait3A_177 = tpu.memref_squeeze %dma_wait3A_176 : memref<1x288x1x80xf32, #tpu.memory_space<hbm>> -> memref<288x80xf32, #tpu.memory_space<hbm>>
        tpu.wait_dma2 semaphore(%arg8 : memref<!tpu.dma_semaphore, #tpu.memory_space<semaphore_mem>>) src(%dma_wait3A_177 : memref<288x80xf32, #tpu.memory_space<hbm>>) dst(%dma_wait3A_173 : memref<288x80xf32, #tpu.memory_space<vmem>>)
        %scan3A_178 = arith.constant 0 : i32
        %scan3A_179 = arith.constant 0 : i32
        %scan3A_180 = arith.constant 4 : i32
        %scan3A_181 = arith.addi %scan3A_179, %scan3A_180 : i32
        %scan3A_182 = arith.constant 1 : i32
        scf.for %scan3A_306 = %scan3A_179 to %scan3A_181 step %scan3A_182  : i32 {
          %mul3A_307 = arith.constant 24 : i32
          %mul3A_308 = vector.broadcast %mul3A_307 : i32 to vector<16xi32>
          %mul3A_309 = arith.muli %iota3A, %mul3A_308 : vector<16xi32>
          %add3A_310 = arith.constant 4 : i32
          %add3A_311 = arith.addi %add3A_310, %scan3A_306 : i32
          %add3A_312 = vector.broadcast %add3A_311 : i32 to vector<16xi32>
          %add3A_313 = arith.addi %mul3A_309, %add3A_312 : vector<16xi32>
          %broadcast_in_dim3A = arith.constant 0 : i32
          %broadcast_in_dim3A_314 = vector.broadcast %broadcast_in_dim3A : i32 to vector<16xi32>
          %scan3A_315 = arith.constant 0 : i32
          %scan3A_316 = arith.constant 72 : i32
          %scan3A_317 = arith.addi %scan3A_315, %scan3A_316 : i32
          %scan3A_318 = arith.constant 12 : i32
          %scan3A_319 = scf.for %scan3A_321 = %scan3A_315 to %scan3A_317 step %scan3A_318 iter_args(%scan3A_322 = %broadcast_in_dim3A_314) -> (vector<16xi32>)  : i32 {
            %mul3A_323 = arith.constant 72 : i32
            %mul3A_324 = arith.muli %scan3A_306, %mul3A_323 : i32
            %add3A_325 = arith.addi %mul3A_324, %scan3A_321 : i32
            %get3A = arith.index_cast %add3A_325 : i32 to index
            %get3A_326 = arith.index_cast %mul3A_94 : i32 to index
            %get3A_327 = tpu.vector_load %arg5[%get3A, %get3A_326] {strides = array<i32>} : memref<288x80xf32, #tpu.memory_space<vmem>>, vector<16xf32>,
            tpu.vector_store_idx %arg6[%add3A_313, %scan3A_322], %get3A_327 : memref<384x72xf32, #tpu.memory_space<vmem>>[vector<16xi32>, vector<16xi32>], vector<16xf32>,
            %add3A_328 = arith.constant 1 : i32
            %add3A_329 = vector.broadcast %add3A_328 : i32 to vector<16xi32>
            %add3A_330 = arith.addi %scan3A_322, %add3A_329 : vector<16xi32>
            %scan3A_331 = arith.constant 1 : i32
            %scan3A_332 = arith.addi %scan3A_321, %scan3A_331 : i32
            %mul3A_333 = arith.constant 72 : i32
            %mul3A_334 = arith.muli %scan3A_306, %mul3A_333 : i32
            %add3A_335 = arith.addi %mul3A_334, %scan3A_332 : i32
            %get3A_336 = arith.index_cast %add3A_335 : i32 to index
            %get3A_337 = arith.index_cast %mul3A_94 : i32 to index
            %get3A_338 = tpu.vector_load %arg5[%get3A_336, %get3A_337] {strides = array<i32>} : memref<288x80xf32, #tpu.memory_space<vmem>>, vector<16xf32>,
            tpu.vector_store_idx %arg6[%add3A_313, %add3A_330], %get3A_338 : memref<384x72xf32, #tpu.memory_space<vmem>>[vector<16xi32>, vector<16xi32>], vector<16xf32>,
            %add3A_339 = arith.constant 1 : i32
            %add3A_340 = vector.broadcast %add3A_339 : i32 to vector<16xi32>
            %add3A_341 = arith.addi %add3A_330, %add3A_340 : vector<16xi32>
            %scan3A_342 = arith.constant 2 : i32
            %scan3A_343 = arith.addi %scan3A_321, %scan3A_342 : i32
            %mul3A_344 = arith.constant 72 : i32
            %mul3A_345 = arith.muli %scan3A_306, %mul3A_344 : i32
            %add3A_346 = arith.addi %mul3A_345, %scan3A_343 : i32
            %get3A_347 = arith.index_cast %add3A_346 : i32 to index
            %get3A_348 = arith.index_cast %mul3A_94 : i32 to index
            %get3A_349 = tpu.vector_load %arg5[%get3A_347, %get3A_348] {strides = array<i32>} : memref<288x80xf32, #tpu.memory_space<vmem>>, vector<16xf32>,
            tpu.vector_store_idx %arg6[%add3A_313, %add3A_341], %get3A_349 : memref<384x72xf32, #tpu.memory_space<vmem>>[vector<16xi32>, vector<16xi32>], vector<16xf32>,
            %add3A_350 = arith.constant 1 : i32
            %add3A_351 = vector.broadcast %add3A_350 : i32 to vector<16xi32>
            %add3A_352 = arith.addi %add3A_341, %add3A_351 : vector<16xi32>
            %scan3A_353 = arith.constant 3 : i32
            %scan3A_354 = arith.addi %scan3A_321, %scan3A_353 : i32
            %mul3A_355 = arith.constant 72 : i32
            %mul3A_356 = arith.muli %scan3A_306, %mul3A_355 : i32
            %add3A_357 = arith.addi %mul3A_356, %scan3A_354 : i32
            %get3A_358 = arith.index_cast %add3A_357 : i32 to index
            %get3A_359 = arith.index_cast %mul3A_94 : i32 to index
            %get3A_360 = tpu.vector_load %arg5[%get3A_358, %get3A_359] {strides = array<i32>} : memref<288x80xf32, #tpu.memory_space<vmem>>, vector<16xf32>,
            tpu.vector_store_idx %arg6[%add3A_313, %add3A_352], %get3A_360 : memref<384x72xf32, #tpu.memory_space<vmem>>[vector<16xi32>, vector<16xi32>], vector<16xf32>,
            %add3A_361 = arith.constant 1 : i32
            %add3A_362 = vector.broadcast %add3A_361 : i32 to vector<16xi32>
            %add3A_363 = arith.addi %add3A_352, %add3A_362 : vector<16xi32>
            %scan3A_364 = arith.constant 4 : i32
            %scan3A_365 = arith.addi %scan3A_321, %scan3A_364 : i32
            %mul3A_366 = arith.constant 72 : i32
            %mul3A_367 = arith.muli %scan3A_306, %mul3A_366 : i32
            %add3A_368 = arith.addi %mul3A_367, %scan3A_365 : i32
            %get3A_369 = arith.index_cast %add3A_368 : i32 to index
            %get3A_370 = arith.index_cast %mul3A_94 : i32 to index
            %get3A_371 = tpu.vector_load %arg5[%get3A_369, %get3A_370] {strides = array<i32>} : memref<288x80xf32, #tpu.memory_space<vmem>>, vector<16xf32>,
            tpu.vector_store_idx %arg6[%add3A_313, %add3A_363], %get3A_371 : memref<384x72xf32, #tpu.memory_space<vmem>>[vector<16xi32>, vector<16xi32>], vector<16xf32>,
            %add3A_372 = arith.constant 1 : i32
            %add3A_373 = vector.broadcast %add3A_372 : i32 to vector<16xi32>
            %add3A_374 = arith.addi %add3A_363, %add3A_373 : vector<16xi32>
            %scan3A_375 = arith.constant 5 : i32
            %scan3A_376 = arith.addi %scan3A_321, %scan3A_375 : i32
            %mul3A_377 = arith.constant 72 : i32
            %mul3A_378 = arith.muli %scan3A_306, %mul3A_377 : i32
            %add3A_379 = arith.addi %mul3A_378, %scan3A_376 : i32
            %get3A_380 = arith.index_cast %add3A_379 : i32 to index
            %get3A_381 = arith.index_cast %mul3A_94 : i32 to index
            %get3A_382 = tpu.vector_load %arg5[%get3A_380, %get3A_381] {strides = array<i32>} : memref<288x80xf32, #tpu.memory_space<vmem>>, vector<16xf32>,
            tpu.vector_store_idx %arg6[%add3A_313, %add3A_374], %get3A_382 : memref<384x72xf32, #tpu.memory_space<vmem>>[vector<16xi32>, vector<16xi32>], vector<16xf32>,
            %add3A_383 = arith.constant 1 : i32
            %add3A_384 = vector.broadcast %add3A_383 : i32 to vector<16xi32>
            %add3A_385 = arith.addi %add3A_374, %add3A_384 : vector<16xi32>
            %scan3A_386 = arith.constant 6 : i32
            %scan3A_387 = arith.addi %scan3A_321, %scan3A_386 : i32
            %mul3A_388 = arith.constant 72 : i32
            %mul3A_389 = arith.muli %scan3A_306, %mul3A_388 : i32
            %add3A_390 = arith.addi %mul3A_389, %scan3A_387 : i32
            %get3A_391 = arith.index_cast %add3A_390 : i32 to index
            %get3A_392 = arith.index_cast %mul3A_94 : i32 to index
            %get3A_393 = tpu.vector_load %arg5[%get3A_391, %get3A_392] {strides = array<i32>} : memref<288x80xf32, #tpu.memory_space<vmem>>, vector<16xf32>,
            tpu.vector_store_idx %arg6[%add3A_313, %add3A_385], %get3A_393 : memref<384x72xf32, #tpu.memory_space<vmem>>[vector<16xi32>, vector<16xi32>], vector<16xf32>,
            %add3A_394 = arith.constant 1 : i32
            %add3A_395 = vector.broadcast %add3A_394 : i32 to vector<16xi32>
            %add3A_396 = arith.addi %add3A_385, %add3A_395 : vector<16xi32>
            %scan3A_397 = arith.constant 7 : i32
            %scan3A_398 = arith.addi %scan3A_321, %scan3A_397 : i32
            %mul3A_399 = arith.constant 72 : i32
            %mul3A_400 = arith.muli %scan3A_306, %mul3A_399 : i32
            %add3A_401 = arith.addi %mul3A_400, %scan3A_398 : i32
            %get3A_402 = arith.index_cast %add3A_401 : i32 to index
            %get3A_403 = arith.index_cast %mul3A_94 : i32 to index
            %get3A_404 = tpu.vector_load %arg5[%get3A_402, %get3A_403] {strides = array<i32>} : memref<288x80xf32, #tpu.memory_space<vmem>>, vector<16xf32>,
            tpu.vector_store_idx %arg6[%add3A_313, %add3A_396], %get3A_404 : memref<384x72xf32, #tpu.memory_space<vmem>>[vector<16xi32>, vector<16xi32>], vector<16xf32>,
            %add3A_405 = arith.constant 1 : i32
            %add3A_406 = vector.broadcast %add3A_405 : i32 to vector<16xi32>
            %add3A_407 = arith.addi %add3A_396, %add3A_406 : vector<16xi32>
            %scan3A_408 = arith.constant 8 : i32
            %scan3A_409 = arith.addi %scan3A_321, %scan3A_408 : i32
            %mul3A_410 = arith.constant 72 : i32
            %mul3A_411 = arith.muli %scan3A_306, %mul3A_410 : i32
            %add3A_412 = arith.addi %mul3A_411, %scan3A_409 : i32
            %get3A_413 = arith.index_cast %add3A_412 : i32 to index
            %get3A_414 = arith.index_cast %mul3A_94 : i32 to index
            %get3A_415 = tpu.vector_load %arg5[%get3A_413, %get3A_414] {strides = array<i32>} : memref<288x80xf32, #tpu.memory_space<vmem>>, vector<16xf32>,
            tpu.vector_store_idx %arg6[%add3A_313, %add3A_407], %get3A_415 : memref<384x72xf32, #tpu.memory_space<vmem>>[vector<16xi32>, vector<16xi32>], vector<16xf32>,
            %add3A_416 = arith.constant 1 : i32
            %add3A_417 = vector.broadcast %add3A_416 : i32 to vector<16xi32>
            %add3A_418 = arith.addi %add3A_407, %add3A_417 : vector<16xi32>
            %scan3A_419 = arith.constant 9 : i32
            %scan3A_420 = arith.addi %scan3A_321, %scan3A_419 : i32
            %mul3A_421 = arith.constant 72 : i32
            %mul3A_422 = arith.muli %scan3A_306, %mul3A_421 : i32
            %add3A_423 = arith.addi %mul3A_422, %scan3A_420 : i32
            %get3A_424 = arith.index_cast %add3A_423 : i32 to index
            %get3A_425 = arith.index_cast %mul3A_94 : i32 to index
            %get3A_426 = tpu.vector_load %arg5[%get3A_424, %get3A_425] {strides = array<i32>} : memref<288x80xf32, #tpu.memory_space<vmem>>, vector<16xf32>,
            tpu.vector_store_idx %arg6[%add3A_313, %add3A_418], %get3A_426 : memref<384x72xf32, #tpu.memory_space<vmem>>[vector<16xi32>, vector<16xi32>], vector<16xf32>,
            %add3A_427 = arith.constant 1 : i32
            %add3A_428 = vector.broadcast %add3A_427 : i32 to vector<16xi32>
            %add3A_429 = arith.addi %add3A_418, %add3A_428 : vector<16xi32>
            %scan3A_430 = arith.constant 10 : i32
            %scan3A_431 = arith.addi %scan3A_321, %scan3A_430 : i32
            %mul3A_432 = arith.constant 72 : i32
            %mul3A_433 = arith.muli %scan3A_306, %mul3A_432 : i32
            %add3A_434 = arith.addi %mul3A_433, %scan3A_431 : i32
            %get3A_435 = arith.index_cast %add3A_434 : i32 to index
            %get3A_436 = arith.index_cast %mul3A_94 : i32 to index
            %get3A_437 = tpu.vector_load %arg5[%get3A_435, %get3A_436] {strides = array<i32>} : memref<288x80xf32, #tpu.memory_space<vmem>>, vector<16xf32>,
            tpu.vector_store_idx %arg6[%add3A_313, %add3A_429], %get3A_437 : memref<384x72xf32, #tpu.memory_space<vmem>>[vector<16xi32>, vector<16xi32>], vector<16xf32>,
            %add3A_438 = arith.constant 1 : i32
            %add3A_439 = vector.broadcast %add3A_438 : i32 to vector<16xi32>
            %add3A_440 = arith.addi %add3A_429, %add3A_439 : vector<16xi32>
            %scan3A_441 = arith.constant 11 : i32
            %scan3A_442 = arith.addi %scan3A_321, %scan3A_441 : i32
            %mul3A_443 = arith.constant 72 : i32
            %mul3A_444 = arith.muli %scan3A_306, %mul3A_443 : i32
            %add3A_445 = arith.addi %mul3A_444, %scan3A_442 : i32
            %get3A_446 = arith.index_cast %add3A_445 : i32 to index
            %get3A_447 = arith.index_cast %mul3A_94 : i32 to index
            %get3A_448 = tpu.vector_load %arg5[%get3A_446, %get3A_447] {strides = array<i32>} : memref<288x80xf32, #tpu.memory_space<vmem>>, vector<16xf32>,
            tpu.vector_store_idx %arg6[%add3A_313, %add3A_440], %get3A_448 : memref<384x72xf32, #tpu.memory_space<vmem>>[vector<16xi32>, vector<16xi32>], vector<16xf32>,
            %add3A_449 = arith.constant 1 : i32
            %add3A_450 = vector.broadcast %add3A_449 : i32 to vector<16xi32>
            %add3A_451 = arith.addi %add3A_440, %add3A_450 : vector<16xi32>
            scf.yield %add3A_451 : vector<16xi32>
          }
          %scan3A_320 = arith.constant 72 : i32
        }
        %scan3A_183 = arith.constant 4 : i32
        %dma_start3A_184 = arith.constant 0 : i32
        %dma_start3A_185 = arith.constant 0 : i32
        %dma_start3A_186 = tpu.memref_slice %arg5[%dma_start3A_184, %dma_start3A_185] : memref<288x80xf32, #tpu.memory_space<vmem>> -> memref<288x80xf32, #tpu.memory_space<vmem>>
        %dma_start3A_187 = arith.constant 864 : i32
        %dma_start3A_188 = arith.constant 0 : i32
        %dma_start3A_189 = tpu.memref_slice %arg2[%select_n3A, %dma_start3A_187, %add3A_92, %dma_start3A_188] : memref<8x1728x18x80xf32, #tpu.memory_space<hbm>> -> memref<1x288x1x80xf32, #tpu.memory_space<hbm>>
        %dma_start3A_190 = tpu.memref_squeeze %dma_start3A_189 : memref<1x288x1x80xf32, #tpu.memory_space<hbm>> -> memref<288x80xf32, #tpu.memory_space<hbm>>
        %dma_start3A_191 = arith.constant 0 : i32
        %dma_start3A_192 = arith.constant 0 : i32
        %dma_start3A_193 = tpu.memref_slice %arg5[%dma_start3A_191, %dma_start3A_192] : memref<288x80xf32, #tpu.memory_space<vmem>> -> memref<288x80xf32, #tpu.memory_space<vmem>>
        %dma_start3A_194 = arith.constant 864 : i32
        %dma_start3A_195 = arith.constant 0 : i32
        %dma_start3A_196 = tpu.memref_slice %arg2[%select_n3A, %dma_start3A_194, %add3A_92, %dma_start3A_195] : memref<8x1728x18x80xf32, #tpu.memory_space<hbm>> -> memref<1x288x1x80xf32, #tpu.memory_space<hbm>>
        %dma_start3A_197 = tpu.memref_squeeze %dma_start3A_196 : memref<1x288x1x80xf32, #tpu.memory_space<hbm>> -> memref<288x80xf32, #tpu.memory_space<hbm>>
        tpu.enqueue_dma source(%dma_start3A_197 : memref<288x80xf32, #tpu.memory_space<hbm>>) target(%dma_start3A_193 : memref<288x80xf32, #tpu.memory_space<vmem>>) target_semaphore(%arg8 : memref<!tpu.dma_semaphore, #tpu.memory_space<semaphore_mem>>)
        %dma_wait3A_198 = arith.constant 0 : i32
        %dma_wait3A_199 = arith.constant 0 : i32
        %dma_wait3A_200 = tpu.memref_slice %arg4[%dma_wait3A_198, %dma_wait3A_199] : memref<288x80xf32, #tpu.memory_space<vmem>> -> memref<288x80xf32, #tpu.memory_space<vmem>>
        %dma_wait3A_201 = arith.constant 576 : i32
        %dma_wait3A_202 = arith.constant 0 : i32
        %dma_wait3A_203 = tpu.memref_slice %arg2[%select_n3A, %dma_wait3A_201, %add3A_92, %dma_wait3A_202] : memref<8x1728x18x80xf32, #tpu.memory_space<hbm>> -> memref<1x288x1x80xf32, #tpu.memory_space<hbm>>
        %dma_wait3A_204 = tpu.memref_squeeze %dma_wait3A_203 : memref<1x288x1x80xf32, #tpu.memory_space<hbm>> -> memref<288x80xf32, #tpu.memory_space<hbm>>
        %dma_wait3A_205 = arith.constant 0 : i32
        %dma_wait3A_206 = arith.constant 0 : i32
        %dma_wait3A_207 = tpu.memref_slice %arg4[%dma_wait3A_205, %dma_wait3A_206] : memref<288x80xf32, #tpu.memory_space<vmem>> -> memref<288x80xf32, #tpu.memory_space<vmem>>
        %dma_wait3A_208 = arith.constant 576 : i32
        %dma_wait3A_209 = arith.constant 0 : i32
        %dma_wait3A_210 = tpu.memref_slice %arg2[%select_n3A, %dma_wait3A_208, %add3A_92, %dma_wait3A_209] : memref<8x1728x18x80xf32, #tpu.memory_space<hbm>> -> memref<1x288x1x80xf32, #tpu.memory_space<hbm>>
        %dma_wait3A_211 = tpu.memref_squeeze %dma_wait3A_210 : memref<1x288x1x80xf32, #tpu.memory_space<hbm>> -> memref<288x80xf32, #tpu.memory_space<hbm>>
        tpu.wait_dma2 semaphore(%arg7 : memref<!tpu.dma_semaphore, #tpu.memory_space<semaphore_mem>>) src(%dma_wait3A_211 : memref<288x80xf32, #tpu.memory_space<hbm>>) dst(%dma_wait3A_207 : memref<288x80xf32, #tpu.memory_space<vmem>>)
        %scan3A_212 = arith.constant 0 : i32
        %scan3A_213 = arith.constant 0 : i32
        %scan3A_214 = arith.constant 4 : i32
        %scan3A_215 = arith.addi %scan3A_213, %scan3A_214 : i32
        %scan3A_216 = arith.constant 1 : i32
        scf.for %scan3A_306 = %scan3A_213 to %scan3A_215 step %scan3A_216  : i32 {
          %mul3A_307 = arith.constant 24 : i32
          %mul3A_308 = vector.broadcast %mul3A_307 : i32 to vector<16xi32>
          %mul3A_309 = arith.muli %iota3A, %mul3A_308 : vector<16xi32>
          %add3A_310 = arith.constant 8 : i32
          %add3A_311 = arith.addi %add3A_310, %scan3A_306 : i32
          %add3A_312 = vector.broadcast %add3A_311 : i32 to vector<16xi32>
          %add3A_313 = arith.addi %mul3A_309, %add3A_312 : vector<16xi32>
          %broadcast_in_dim3A = arith.constant 0 : i32
          %broadcast_in_dim3A_314 = vector.broadcast %broadcast_in_dim3A : i32 to vector<16xi32>
          %scan3A_315 = arith.constant 0 : i32
          %scan3A_316 = arith.constant 72 : i32
          %scan3A_317 = arith.addi %scan3A_315, %scan3A_316 : i32
          %scan3A_318 = arith.constant 12 : i32
          %scan3A_319 = scf.for %scan3A_321 = %scan3A_315 to %scan3A_317 step %scan3A_318 iter_args(%scan3A_322 = %broadcast_in_dim3A_314) -> (vector<16xi32>)  : i32 {
            %mul3A_323 = arith.constant 72 : i32
            %mul3A_324 = arith.muli %scan3A_306, %mul3A_323 : i32
            %add3A_325 = arith.addi %mul3A_324, %scan3A_321 : i32
            %get3A = arith.index_cast %add3A_325 : i32 to index
            %get3A_326 = arith.index_cast %mul3A_94 : i32 to index
            %get3A_327 = tpu.vector_load %arg4[%get3A, %get3A_326] {strides = array<i32>} : memref<288x80xf32, #tpu.memory_space<vmem>>, vector<16xf32>,
            tpu.vector_store_idx %arg6[%add3A_313, %scan3A_322], %get3A_327 : memref<384x72xf32, #tpu.memory_space<vmem>>[vector<16xi32>, vector<16xi32>], vector<16xf32>,
            %add3A_328 = arith.constant 1 : i32
            %add3A_329 = vector.broadcast %add3A_328 : i32 to vector<16xi32>
            %add3A_330 = arith.addi %scan3A_322, %add3A_329 : vector<16xi32>
            %scan3A_331 = arith.constant 1 : i32
            %scan3A_332 = arith.addi %scan3A_321, %scan3A_331 : i32
            %mul3A_333 = arith.constant 72 : i32
            %mul3A_334 = arith.muli %scan3A_306, %mul3A_333 : i32
            %add3A_335 = arith.addi %mul3A_334, %scan3A_332 : i32
            %get3A_336 = arith.index_cast %add3A_335 : i32 to index
            %get3A_337 = arith.index_cast %mul3A_94 : i32 to index
            %get3A_338 = tpu.vector_load %arg4[%get3A_336, %get3A_337] {strides = array<i32>} : memref<288x80xf32, #tpu.memory_space<vmem>>, vector<16xf32>,
            tpu.vector_store_idx %arg6[%add3A_313, %add3A_330], %get3A_338 : memref<384x72xf32, #tpu.memory_space<vmem>>[vector<16xi32>, vector<16xi32>], vector<16xf32>,
            %add3A_339 = arith.constant 1 : i32
            %add3A_340 = vector.broadcast %add3A_339 : i32 to vector<16xi32>
            %add3A_341 = arith.addi %add3A_330, %add3A_340 : vector<16xi32>
            %scan3A_342 = arith.constant 2 : i32
            %scan3A_343 = arith.addi %scan3A_321, %scan3A_342 : i32
            %mul3A_344 = arith.constant 72 : i32
            %mul3A_345 = arith.muli %scan3A_306, %mul3A_344 : i32
            %add3A_346 = arith.addi %mul3A_345, %scan3A_343 : i32
            %get3A_347 = arith.index_cast %add3A_346 : i32 to index
            %get3A_348 = arith.index_cast %mul3A_94 : i32 to index
            %get3A_349 = tpu.vector_load %arg4[%get3A_347, %get3A_348] {strides = array<i32>} : memref<288x80xf32, #tpu.memory_space<vmem>>, vector<16xf32>,
            tpu.vector_store_idx %arg6[%add3A_313, %add3A_341], %get3A_349 : memref<384x72xf32, #tpu.memory_space<vmem>>[vector<16xi32>, vector<16xi32>], vector<16xf32>,
            %add3A_350 = arith.constant 1 : i32
            %add3A_351 = vector.broadcast %add3A_350 : i32 to vector<16xi32>
            %add3A_352 = arith.addi %add3A_341, %add3A_351 : vector<16xi32>
            %scan3A_353 = arith.constant 3 : i32
            %scan3A_354 = arith.addi %scan3A_321, %scan3A_353 : i32
            %mul3A_355 = arith.constant 72 : i32
            %mul3A_356 = arith.muli %scan3A_306, %mul3A_355 : i32
            %add3A_357 = arith.addi %mul3A_356, %scan3A_354 : i32
            %get3A_358 = arith.index_cast %add3A_357 : i32 to index
            %get3A_359 = arith.index_cast %mul3A_94 : i32 to index
            %get3A_360 = tpu.vector_load %arg4[%get3A_358, %get3A_359] {strides = array<i32>} : memref<288x80xf32, #tpu.memory_space<vmem>>, vector<16xf32>,
            tpu.vector_store_idx %arg6[%add3A_313, %add3A_352], %get3A_360 : memref<384x72xf32, #tpu.memory_space<vmem>>[vector<16xi32>, vector<16xi32>], vector<16xf32>,
            %add3A_361 = arith.constant 1 : i32
            %add3A_362 = vector.broadcast %add3A_361 : i32 to vector<16xi32>
            %add3A_363 = arith.addi %add3A_352, %add3A_362 : vector<16xi32>
            %scan3A_364 = arith.constant 4 : i32
            %scan3A_365 = arith.addi %scan3A_321, %scan3A_364 : i32
            %mul3A_366 = arith.constant 72 : i32
            %mul3A_367 = arith.muli %scan3A_306, %mul3A_366 : i32
            %add3A_368 = arith.addi %mul3A_367, %scan3A_365 : i32
            %get3A_369 = arith.index_cast %add3A_368 : i32 to index
            %get3A_370 = arith.index_cast %mul3A_94 : i32 to index
            %get3A_371 = tpu.vector_load %arg4[%get3A_369, %get3A_370] {strides = array<i32>} : memref<288x80xf32, #tpu.memory_space<vmem>>, vector<16xf32>,
            tpu.vector_store_idx %arg6[%add3A_313, %add3A_363], %get3A_371 : memref<384x72xf32, #tpu.memory_space<vmem>>[vector<16xi32>, vector<16xi32>], vector<16xf32>,
            %add3A_372 = arith.constant 1 : i32
            %add3A_373 = vector.broadcast %add3A_372 : i32 to vector<16xi32>
            %add3A_374 = arith.addi %add3A_363, %add3A_373 : vector<16xi32>
            %scan3A_375 = arith.constant 5 : i32
            %scan3A_376 = arith.addi %scan3A_321, %scan3A_375 : i32
            %mul3A_377 = arith.constant 72 : i32
            %mul3A_378 = arith.muli %scan3A_306, %mul3A_377 : i32
            %add3A_379 = arith.addi %mul3A_378, %scan3A_376 : i32
            %get3A_380 = arith.index_cast %add3A_379 : i32 to index
            %get3A_381 = arith.index_cast %mul3A_94 : i32 to index
            %get3A_382 = tpu.vector_load %arg4[%get3A_380, %get3A_381] {strides = array<i32>} : memref<288x80xf32, #tpu.memory_space<vmem>>, vector<16xf32>,
            tpu.vector_store_idx %arg6[%add3A_313, %add3A_374], %get3A_382 : memref<384x72xf32, #tpu.memory_space<vmem>>[vector<16xi32>, vector<16xi32>], vector<16xf32>,
            %add3A_383 = arith.constant 1 : i32
            %add3A_384 = vector.broadcast %add3A_383 : i32 to vector<16xi32>
            %add3A_385 = arith.addi %add3A_374, %add3A_384 : vector<16xi32>
            %scan3A_386 = arith.constant 6 : i32
            %scan3A_387 = arith.addi %scan3A_321, %scan3A_386 : i32
            %mul3A_388 = arith.constant 72 : i32
            %mul3A_389 = arith.muli %scan3A_306, %mul3A_388 : i32
            %add3A_390 = arith.addi %mul3A_389, %scan3A_387 : i32
            %get3A_391 = arith.index_cast %add3A_390 : i32 to index
            %get3A_392 = arith.index_cast %mul3A_94 : i32 to index
            %get3A_393 = tpu.vector_load %arg4[%get3A_391, %get3A_392] {strides = array<i32>} : memref<288x80xf32, #tpu.memory_space<vmem>>, vector<16xf32>,
            tpu.vector_store_idx %arg6[%add3A_313, %add3A_385], %get3A_393 : memref<384x72xf32, #tpu.memory_space<vmem>>[vector<16xi32>, vector<16xi32>], vector<16xf32>,
            %add3A_394 = arith.constant 1 : i32
            %add3A_395 = vector.broadcast %add3A_394 : i32 to vector<16xi32>
            %add3A_396 = arith.addi %add3A_385, %add3A_395 : vector<16xi32>
            %scan3A_397 = arith.constant 7 : i32
            %scan3A_398 = arith.addi %scan3A_321, %scan3A_397 : i32
            %mul3A_399 = arith.constant 72 : i32
            %mul3A_400 = arith.muli %scan3A_306, %mul3A_399 : i32
            %add3A_401 = arith.addi %mul3A_400, %scan3A_398 : i32
            %get3A_402 = arith.index_cast %add3A_401 : i32 to index
            %get3A_403 = arith.index_cast %mul3A_94 : i32 to index
            %get3A_404 = tpu.vector_load %arg4[%get3A_402, %get3A_403] {strides = array<i32>} : memref<288x80xf32, #tpu.memory_space<vmem>>, vector<16xf32>,
            tpu.vector_store_idx %arg6[%add3A_313, %add3A_396], %get3A_404 : memref<384x72xf32, #tpu.memory_space<vmem>>[vector<16xi32>, vector<16xi32>], vector<16xf32>,
            %add3A_405 = arith.constant 1 : i32
            %add3A_406 = vector.broadcast %add3A_405 : i32 to vector<16xi32>
            %add3A_407 = arith.addi %add3A_396, %add3A_406 : vector<16xi32>
            %scan3A_408 = arith.constant 8 : i32
            %scan3A_409 = arith.addi %scan3A_321, %scan3A_408 : i32
            %mul3A_410 = arith.constant 72 : i32
            %mul3A_411 = arith.muli %scan3A_306, %mul3A_410 : i32
            %add3A_412 = arith.addi %mul3A_411, %scan3A_409 : i32
            %get3A_413 = arith.index_cast %add3A_412 : i32 to index
            %get3A_414 = arith.index_cast %mul3A_94 : i32 to index
            %get3A_415 = tpu.vector_load %arg4[%get3A_413, %get3A_414] {strides = array<i32>} : memref<288x80xf32, #tpu.memory_space<vmem>>, vector<16xf32>,
            tpu.vector_store_idx %arg6[%add3A_313, %add3A_407], %get3A_415 : memref<384x72xf32, #tpu.memory_space<vmem>>[vector<16xi32>, vector<16xi32>], vector<16xf32>,
            %add3A_416 = arith.constant 1 : i32
            %add3A_417 = vector.broadcast %add3A_416 : i32 to vector<16xi32>
            %add3A_418 = arith.addi %add3A_407, %add3A_417 : vector<16xi32>
            %scan3A_419 = arith.constant 9 : i32
            %scan3A_420 = arith.addi %scan3A_321, %scan3A_419 : i32
            %mul3A_421 = arith.constant 72 : i32
            %mul3A_422 = arith.muli %scan3A_306, %mul3A_421 : i32
            %add3A_423 = arith.addi %mul3A_422, %scan3A_420 : i32
            %get3A_424 = arith.index_cast %add3A_423 : i32 to index
            %get3A_425 = arith.index_cast %mul3A_94 : i32 to index
            %get3A_426 = tpu.vector_load %arg4[%get3A_424, %get3A_425] {strides = array<i32>} : memref<288x80xf32, #tpu.memory_space<vmem>>, vector<16xf32>,
            tpu.vector_store_idx %arg6[%add3A_313, %add3A_418], %get3A_426 : memref<384x72xf32, #tpu.memory_space<vmem>>[vector<16xi32>, vector<16xi32>], vector<16xf32>,
            %add3A_427 = arith.constant 1 : i32
            %add3A_428 = vector.broadcast %add3A_427 : i32 to vector<16xi32>
            %add3A_429 = arith.addi %add3A_418, %add3A_428 : vector<16xi32>
            %scan3A_430 = arith.constant 10 : i32
            %scan3A_431 = arith.addi %scan3A_321, %scan3A_430 : i32
            %mul3A_432 = arith.constant 72 : i32
            %mul3A_433 = arith.muli %scan3A_306, %mul3A_432 : i32
            %add3A_434 = arith.addi %mul3A_433, %scan3A_431 : i32
            %get3A_435 = arith.index_cast %add3A_434 : i32 to index
            %get3A_436 = arith.index_cast %mul3A_94 : i32 to index
            %get3A_437 = tpu.vector_load %arg4[%get3A_435, %get3A_436] {strides = array<i32>} : memref<288x80xf32, #tpu.memory_space<vmem>>, vector<16xf32>,
            tpu.vector_store_idx %arg6[%add3A_313, %add3A_429], %get3A_437 : memref<384x72xf32, #tpu.memory_space<vmem>>[vector<16xi32>, vector<16xi32>], vector<16xf32>,
            %add3A_438 = arith.constant 1 : i32
            %add3A_439 = vector.broadcast %add3A_438 : i32 to vector<16xi32>
            %add3A_440 = arith.addi %add3A_429, %add3A_439 : vector<16xi32>
            %scan3A_441 = arith.constant 11 : i32
            %scan3A_442 = arith.addi %scan3A_321, %scan3A_441 : i32
            %mul3A_443 = arith.constant 72 : i32
            %mul3A_444 = arith.muli %scan3A_306, %mul3A_443 : i32
            %add3A_445 = arith.addi %mul3A_444, %scan3A_442 : i32
            %get3A_446 = arith.index_cast %add3A_445 : i32 to index
            %get3A_447 = arith.index_cast %mul3A_94 : i32 to index
            %get3A_448 = tpu.vector_load %arg4[%get3A_446, %get3A_447] {strides = array<i32>} : memref<288x80xf32, #tpu.memory_space<vmem>>, vector<16xf32>,
            tpu.vector_store_idx %arg6[%add3A_313, %add3A_440], %get3A_448 : memref<384x72xf32, #tpu.memory_space<vmem>>[vector<16xi32>, vector<16xi32>], vector<16xf32>,
            %add3A_449 = arith.constant 1 : i32
            %add3A_450 = vector.broadcast %add3A_449 : i32 to vector<16xi32>
            %add3A_451 = arith.addi %add3A_440, %add3A_450 : vector<16xi32>
            scf.yield %add3A_451 : vector<16xi32>
          }
          %scan3A_320 = arith.constant 72 : i32
        }
        %scan3A_217 = arith.constant 4 : i32
        %dma_start3A_218 = arith.constant 0 : i32
        %dma_start3A_219 = arith.constant 0 : i32
        %dma_start3A_220 = tpu.memref_slice %arg4[%dma_start3A_218, %dma_start3A_219] : memref<288x80xf32, #tpu.memory_space<vmem>> -> memref<288x80xf32, #tpu.memory_space<vmem>>
        %dma_start3A_221 = arith.constant 1152 : i32
        %dma_start3A_222 = arith.constant 0 : i32
        %dma_start3A_223 = tpu.memref_slice %arg2[%select_n3A, %dma_start3A_221, %add3A_92, %dma_start3A_222] : memref<8x1728x18x80xf32, #tpu.memory_space<hbm>> -> memref<1x288x1x80xf32, #tpu.memory_space<hbm>>
        %dma_start3A_224 = tpu.memref_squeeze %dma_start3A_223 : memref<1x288x1x80xf32, #tpu.memory_space<hbm>> -> memref<288x80xf32, #tpu.memory_space<hbm>>
        %dma_start3A_225 = arith.constant 0 : i32
        %dma_start3A_226 = arith.constant 0 : i32
        %dma_start3A_227 = tpu.memref_slice %arg4[%dma_start3A_225, %dma_start3A_226] : memref<288x80xf32, #tpu.memory_space<vmem>> -> memref<288x80xf32, #tpu.memory_space<vmem>>
        %dma_start3A_228 = arith.constant 1152 : i32
        %dma_start3A_229 = arith.constant 0 : i32
        %dma_start3A_230 = tpu.memref_slice %arg2[%select_n3A, %dma_start3A_228, %add3A_92, %dma_start3A_229] : memref<8x1728x18x80xf32, #tpu.memory_space<hbm>> -> memref<1x288x1x80xf32, #tpu.memory_space<hbm>>
        %dma_start3A_231 = tpu.memref_squeeze %dma_start3A_230 : memref<1x288x1x80xf32, #tpu.memory_space<hbm>> -> memref<288x80xf32, #tpu.memory_space<hbm>>
        tpu.enqueue_dma source(%dma_start3A_231 : memref<288x80xf32, #tpu.memory_space<hbm>>) target(%dma_start3A_227 : memref<288x80xf32, #tpu.memory_space<vmem>>) target_semaphore(%arg7 : memref<!tpu.dma_semaphore, #tpu.memory_space<semaphore_mem>>)
        %dma_wait3A_232 = arith.constant 0 : i32
        %dma_wait3A_233 = arith.constant 0 : i32
        %dma_wait3A_234 = tpu.memref_slice %arg5[%dma_wait3A_232, %dma_wait3A_233] : memref<288x80xf32, #tpu.memory_space<vmem>> -> memref<288x80xf32, #tpu.memory_space<vmem>>
        %dma_wait3A_235 = arith.constant 864 : i32
        %dma_wait3A_236 = arith.constant 0 : i32
        %dma_wait3A_237 = tpu.memref_slice %arg2[%select_n3A, %dma_wait3A_235, %add3A_92, %dma_wait3A_236] : memref<8x1728x18x80xf32, #tpu.memory_space<hbm>> -> memref<1x288x1x80xf32, #tpu.memory_space<hbm>>
        %dma_wait3A_238 = tpu.memref_squeeze %dma_wait3A_237 : memref<1x288x1x80xf32, #tpu.memory_space<hbm>> -> memref<288x80xf32, #tpu.memory_space<hbm>>
        %dma_wait3A_239 = arith.constant 0 : i32
        %dma_wait3A_240 = arith.constant 0 : i32
        %dma_wait3A_241 = tpu.memref_slice %arg5[%dma_wait3A_239, %dma_wait3A_240] : memref<288x80xf32, #tpu.memory_space<vmem>> -> memref<288x80xf32, #tpu.memory_space<vmem>>
        %dma_wait3A_242 = arith.constant 864 : i32
        %dma_wait3A_243 = arith.constant 0 : i32
        %dma_wait3A_244 = tpu.memref_slice %arg2[%select_n3A, %dma_wait3A_242, %add3A_92, %dma_wait3A_243] : memref<8x1728x18x80xf32, #tpu.memory_space<hbm>> -> memref<1x288x1x80xf32, #tpu.memory_space<hbm>>
        %dma_wait3A_245 = tpu.memref_squeeze %dma_wait3A_244 : memref<1x288x1x80xf32, #tpu.memory_space<hbm>> -> memref<288x80xf32, #tpu.memory_space<hbm>>
        tpu.wait_dma2 semaphore(%arg8 : memref<!tpu.dma_semaphore, #tpu.memory_space<semaphore_mem>>) src(%dma_wait3A_245 : memref<288x80xf32, #tpu.memory_space<hbm>>) dst(%dma_wait3A_241 : memref<288x80xf32, #tpu.memory_space<vmem>>)
        %scan3A_246 = arith.constant 0 : i32
        %scan3A_247 = arith.constant 0 : i32
        %scan3A_248 = arith.constant 4 : i32
        %scan3A_249 = arith.addi %scan3A_247, %scan3A_248 : i32
        %scan3A_250 = arith.constant 1 : i32
        scf.for %scan3A_306 = %scan3A_247 to %scan3A_249 step %scan3A_250  : i32 {
          %mul3A_307 = arith.constant 24 : i32
          %mul3A_308 = vector.broadcast %mul3A_307 : i32 to vector<16xi32>
          %mul3A_309 = arith.muli %iota3A, %mul3A_308 : vector<16xi32>
          %add3A_310 = arith.constant 12 : i32
          %add3A_311 = arith.addi %add3A_310, %scan3A_306 : i32
          %add3A_312 = vector.broadcast %add3A_311 : i32 to vector<16xi32>
          %add3A_313 = arith.addi %mul3A_309, %add3A_312 : vector<16xi32>
          %broadcast_in_dim3A = arith.constant 0 : i32
          %broadcast_in_dim3A_314 = vector.broadcast %broadcast_in_dim3A : i32 to vector<16xi32>
          %scan3A_315 = arith.constant 0 : i32
          %scan3A_316 = arith.constant 72 : i32
          %scan3A_317 = arith.addi %scan3A_315, %scan3A_316 : i32
          %scan3A_318 = arith.constant 12 : i32
          %scan3A_319 = scf.for %scan3A_321 = %scan3A_315 to %scan3A_317 step %scan3A_318 iter_args(%scan3A_322 = %broadcast_in_dim3A_314) -> (vector<16xi32>)  : i32 {
            %mul3A_323 = arith.constant 72 : i32
            %mul3A_324 = arith.muli %scan3A_306, %mul3A_323 : i32
            %add3A_325 = arith.addi %mul3A_324, %scan3A_321 : i32
            %get3A = arith.index_cast %add3A_325 : i32 to index
            %get3A_326 = arith.index_cast %mul3A_94 : i32 to index
            %get3A_327 = tpu.vector_load %arg5[%get3A, %get3A_326] {strides = array<i32>} : memref<288x80xf32, #tpu.memory_space<vmem>>, vector<16xf32>,
            tpu.vector_store_idx %arg6[%add3A_313, %scan3A_322], %get3A_327 : memref<384x72xf32, #tpu.memory_space<vmem>>[vector<16xi32>, vector<16xi32>], vector<16xf32>,
            %add3A_328 = arith.constant 1 : i32
            %add3A_329 = vector.broadcast %add3A_328 : i32 to vector<16xi32>
            %add3A_330 = arith.addi %scan3A_322, %add3A_329 : vector<16xi32>
            %scan3A_331 = arith.constant 1 : i32
            %scan3A_332 = arith.addi %scan3A_321, %scan3A_331 : i32
            %mul3A_333 = arith.constant 72 : i32
            %mul3A_334 = arith.muli %scan3A_306, %mul3A_333 : i32
            %add3A_335 = arith.addi %mul3A_334, %scan3A_332 : i32
            %get3A_336 = arith.index_cast %add3A_335 : i32 to index
            %get3A_337 = arith.index_cast %mul3A_94 : i32 to index
            %get3A_338 = tpu.vector_load %arg5[%get3A_336, %get3A_337] {strides = array<i32>} : memref<288x80xf32, #tpu.memory_space<vmem>>, vector<16xf32>,
            tpu.vector_store_idx %arg6[%add3A_313, %add3A_330], %get3A_338 : memref<384x72xf32, #tpu.memory_space<vmem>>[vector<16xi32>, vector<16xi32>], vector<16xf32>,
            %add3A_339 = arith.constant 1 : i32
            %add3A_340 = vector.broadcast %add3A_339 : i32 to vector<16xi32>
            %add3A_341 = arith.addi %add3A_330, %add3A_340 : vector<16xi32>
            %scan3A_342 = arith.constant 2 : i32
            %scan3A_343 = arith.addi %scan3A_321, %scan3A_342 : i32
            %mul3A_344 = arith.constant 72 : i32
            %mul3A_345 = arith.muli %scan3A_306, %mul3A_344 : i32
            %add3A_346 = arith.addi %mul3A_345, %scan3A_343 : i32
            %get3A_347 = arith.index_cast %add3A_346 : i32 to index
            %get3A_348 = arith.index_cast %mul3A_94 : i32 to index
            %get3A_349 = tpu.vector_load %arg5[%get3A_347, %get3A_348] {strides = array<i32>} : memref<288x80xf32, #tpu.memory_space<vmem>>, vector<16xf32>,
            tpu.vector_store_idx %arg6[%add3A_313, %add3A_341], %get3A_349 : memref<384x72xf32, #tpu.memory_space<vmem>>[vector<16xi32>, vector<16xi32>], vector<16xf32>,
            %add3A_350 = arith.constant 1 : i32
            %add3A_351 = vector.broadcast %add3A_350 : i32 to vector<16xi32>
            %add3A_352 = arith.addi %add3A_341, %add3A_351 : vector<16xi32>
            %scan3A_353 = arith.constant 3 : i32
            %scan3A_354 = arith.addi %scan3A_321, %scan3A_353 : i32
            %mul3A_355 = arith.constant 72 : i32
            %mul3A_356 = arith.muli %scan3A_306, %mul3A_355 : i32
            %add3A_357 = arith.addi %mul3A_356, %scan3A_354 : i32
            %get3A_358 = arith.index_cast %add3A_357 : i32 to index
            %get3A_359 = arith.index_cast %mul3A_94 : i32 to index
            %get3A_360 = tpu.vector_load %arg5[%get3A_358, %get3A_359] {strides = array<i32>} : memref<288x80xf32, #tpu.memory_space<vmem>>, vector<16xf32>,
            tpu.vector_store_idx %arg6[%add3A_313, %add3A_352], %get3A_360 : memref<384x72xf32, #tpu.memory_space<vmem>>[vector<16xi32>, vector<16xi32>], vector<16xf32>,
            %add3A_361 = arith.constant 1 : i32
            %add3A_362 = vector.broadcast %add3A_361 : i32 to vector<16xi32>
            %add3A_363 = arith.addi %add3A_352, %add3A_362 : vector<16xi32>
            %scan3A_364 = arith.constant 4 : i32
            %scan3A_365 = arith.addi %scan3A_321, %scan3A_364 : i32
            %mul3A_366 = arith.constant 72 : i32
            %mul3A_367 = arith.muli %scan3A_306, %mul3A_366 : i32
            %add3A_368 = arith.addi %mul3A_367, %scan3A_365 : i32
            %get3A_369 = arith.index_cast %add3A_368 : i32 to index
            %get3A_370 = arith.index_cast %mul3A_94 : i32 to index
            %get3A_371 = tpu.vector_load %arg5[%get3A_369, %get3A_370] {strides = array<i32>} : memref<288x80xf32, #tpu.memory_space<vmem>>, vector<16xf32>,
            tpu.vector_store_idx %arg6[%add3A_313, %add3A_363], %get3A_371 : memref<384x72xf32, #tpu.memory_space<vmem>>[vector<16xi32>, vector<16xi32>], vector<16xf32>,
            %add3A_372 = arith.constant 1 : i32
            %add3A_373 = vector.broadcast %add3A_372 : i32 to vector<16xi32>
            %add3A_374 = arith.addi %add3A_363, %add3A_373 : vector<16xi32>
            %scan3A_375 = arith.constant 5 : i32
            %scan3A_376 = arith.addi %scan3A_321, %scan3A_375 : i32
            %mul3A_377 = arith.constant 72 : i32
            %mul3A_378 = arith.muli %scan3A_306, %mul3A_377 : i32
            %add3A_379 = arith.addi %mul3A_378, %scan3A_376 : i32
            %get3A_380 = arith.index_cast %add3A_379 : i32 to index
            %get3A_381 = arith.index_cast %mul3A_94 : i32 to index
            %get3A_382 = tpu.vector_load %arg5[%get3A_380, %get3A_381] {strides = array<i32>} : memref<288x80xf32, #tpu.memory_space<vmem>>, vector<16xf32>,
            tpu.vector_store_idx %arg6[%add3A_313, %add3A_374], %get3A_382 : memref<384x72xf32, #tpu.memory_space<vmem>>[vector<16xi32>, vector<16xi32>], vector<16xf32>,
            %add3A_383 = arith.constant 1 : i32
            %add3A_384 = vector.broadcast %add3A_383 : i32 to vector<16xi32>
            %add3A_385 = arith.addi %add3A_374, %add3A_384 : vector<16xi32>
            %scan3A_386 = arith.constant 6 : i32
            %scan3A_387 = arith.addi %scan3A_321, %scan3A_386 : i32
            %mul3A_388 = arith.constant 72 : i32
            %mul3A_389 = arith.muli %scan3A_306, %mul3A_388 : i32
            %add3A_390 = arith.addi %mul3A_389, %scan3A_387 : i32
            %get3A_391 = arith.index_cast %add3A_390 : i32 to index
            %get3A_392 = arith.index_cast %mul3A_94 : i32 to index
            %get3A_393 = tpu.vector_load %arg5[%get3A_391, %get3A_392] {strides = array<i32>} : memref<288x80xf32, #tpu.memory_space<vmem>>, vector<16xf32>,
            tpu.vector_store_idx %arg6[%add3A_313, %add3A_385], %get3A_393 : memref<384x72xf32, #tpu.memory_space<vmem>>[vector<16xi32>, vector<16xi32>], vector<16xf32>,
            %add3A_394 = arith.constant 1 : i32
            %add3A_395 = vector.broadcast %add3A_394 : i32 to vector<16xi32>
            %add3A_396 = arith.addi %add3A_385, %add3A_395 : vector<16xi32>
            %scan3A_397 = arith.constant 7 : i32
            %scan3A_398 = arith.addi %scan3A_321, %scan3A_397 : i32
            %mul3A_399 = arith.constant 72 : i32
            %mul3A_400 = arith.muli %scan3A_306, %mul3A_399 : i32
            %add3A_401 = arith.addi %mul3A_400, %scan3A_398 : i32
            %get3A_402 = arith.index_cast %add3A_401 : i32 to index
            %get3A_403 = arith.index_cast %mul3A_94 : i32 to index
            %get3A_404 = tpu.vector_load %arg5[%get3A_402, %get3A_403] {strides = array<i32>} : memref<288x80xf32, #tpu.memory_space<vmem>>, vector<16xf32>,
            tpu.vector_store_idx %arg6[%add3A_313, %add3A_396], %get3A_404 : memref<384x72xf32, #tpu.memory_space<vmem>>[vector<16xi32>, vector<16xi32>], vector<16xf32>,
            %add3A_405 = arith.constant 1 : i32
            %add3A_406 = vector.broadcast %add3A_405 : i32 to vector<16xi32>
            %add3A_407 = arith.addi %add3A_396, %add3A_406 : vector<16xi32>
            %scan3A_408 = arith.constant 8 : i32
            %scan3A_409 = arith.addi %scan3A_321, %scan3A_408 : i32
            %mul3A_410 = arith.constant 72 : i32
            %mul3A_411 = arith.muli %scan3A_306, %mul3A_410 : i32
            %add3A_412 = arith.addi %mul3A_411, %scan3A_409 : i32
            %get3A_413 = arith.index_cast %add3A_412 : i32 to index
            %get3A_414 = arith.index_cast %mul3A_94 : i32 to index
            %get3A_415 = tpu.vector_load %arg5[%get3A_413, %get3A_414] {strides = array<i32>} : memref<288x80xf32, #tpu.memory_space<vmem>>, vector<16xf32>,
            tpu.vector_store_idx %arg6[%add3A_313, %add3A_407], %get3A_415 : memref<384x72xf32, #tpu.memory_space<vmem>>[vector<16xi32>, vector<16xi32>], vector<16xf32>,
            %add3A_416 = arith.constant 1 : i32
            %add3A_417 = vector.broadcast %add3A_416 : i32 to vector<16xi32>
            %add3A_418 = arith.addi %add3A_407, %add3A_417 : vector<16xi32>
            %scan3A_419 = arith.constant 9 : i32
            %scan3A_420 = arith.addi %scan3A_321, %scan3A_419 : i32
            %mul3A_421 = arith.constant 72 : i32
            %mul3A_422 = arith.muli %scan3A_306, %mul3A_421 : i32
            %add3A_423 = arith.addi %mul3A_422, %scan3A_420 : i32
            %get3A_424 = arith.index_cast %add3A_423 : i32 to index
            %get3A_425 = arith.index_cast %mul3A_94 : i32 to index
            %get3A_426 = tpu.vector_load %arg5[%get3A_424, %get3A_425] {strides = array<i32>} : memref<288x80xf32, #tpu.memory_space<vmem>>, vector<16xf32>,
            tpu.vector_store_idx %arg6[%add3A_313, %add3A_418], %get3A_426 : memref<384x72xf32, #tpu.memory_space<vmem>>[vector<16xi32>, vector<16xi32>], vector<16xf32>,
            %add3A_427 = arith.constant 1 : i32
            %add3A_428 = vector.broadcast %add3A_427 : i32 to vector<16xi32>
            %add3A_429 = arith.addi %add3A_418, %add3A_428 : vector<16xi32>
            %scan3A_430 = arith.constant 10 : i32
            %scan3A_431 = arith.addi %scan3A_321, %scan3A_430 : i32
            %mul3A_432 = arith.constant 72 : i32
            %mul3A_433 = arith.muli %scan3A_306, %mul3A_432 : i32
            %add3A_434 = arith.addi %mul3A_433, %scan3A_431 : i32
            %get3A_435 = arith.index_cast %add3A_434 : i32 to index
            %get3A_436 = arith.index_cast %mul3A_94 : i32 to index
            %get3A_437 = tpu.vector_load %arg5[%get3A_435, %get3A_436] {strides = array<i32>} : memref<288x80xf32, #tpu.memory_space<vmem>>, vector<16xf32>,
            tpu.vector_store_idx %arg6[%add3A_313, %add3A_429], %get3A_437 : memref<384x72xf32, #tpu.memory_space<vmem>>[vector<16xi32>, vector<16xi32>], vector<16xf32>,
            %add3A_438 = arith.constant 1 : i32
            %add3A_439 = vector.broadcast %add3A_438 : i32 to vector<16xi32>
            %add3A_440 = arith.addi %add3A_429, %add3A_439 : vector<16xi32>
            %scan3A_441 = arith.constant 11 : i32
            %scan3A_442 = arith.addi %scan3A_321, %scan3A_441 : i32
            %mul3A_443 = arith.constant 72 : i32
            %mul3A_444 = arith.muli %scan3A_306, %mul3A_443 : i32
            %add3A_445 = arith.addi %mul3A_444, %scan3A_442 : i32
            %get3A_446 = arith.index_cast %add3A_445 : i32 to index
            %get3A_447 = arith.index_cast %mul3A_94 : i32 to index
            %get3A_448 = tpu.vector_load %arg5[%get3A_446, %get3A_447] {strides = array<i32>} : memref<288x80xf32, #tpu.memory_space<vmem>>, vector<16xf32>,
            tpu.vector_store_idx %arg6[%add3A_313, %add3A_440], %get3A_448 : memref<384x72xf32, #tpu.memory_space<vmem>>[vector<16xi32>, vector<16xi32>], vector<16xf32>,
            %add3A_449 = arith.constant 1 : i32
            %add3A_450 = vector.broadcast %add3A_449 : i32 to vector<16xi32>
            %add3A_451 = arith.addi %add3A_440, %add3A_450 : vector<16xi32>
            scf.yield %add3A_451 : vector<16xi32>
          }
          %scan3A_320 = arith.constant 72 : i32
        }
        %scan3A_251 = arith.constant 4 : i32
        %dma_start3A_252 = arith.constant 0 : i32
        %dma_start3A_253 = arith.constant 0 : i32
        %dma_start3A_254 = tpu.memref_slice %arg5[%dma_start3A_252, %dma_start3A_253] : memref<288x80xf32, #tpu.memory_space<vmem>> -> memref<288x80xf32, #tpu.memory_space<vmem>>
        %dma_start3A_255 = arith.constant 1440 : i32
        %dma_start3A_256 = arith.constant 0 : i32
        %dma_start3A_257 = tpu.memref_slice %arg2[%select_n3A, %dma_start3A_255, %add3A_92, %dma_start3A_256] : memref<8x1728x18x80xf32, #tpu.memory_space<hbm>> -> memref<1x288x1x80xf32, #tpu.memory_space<hbm>>
        %dma_start3A_258 = tpu.memref_squeeze %dma_start3A_257 : memref<1x288x1x80xf32, #tpu.memory_space<hbm>> -> memref<288x80xf32, #tpu.memory_space<hbm>>
        %dma_start3A_259 = arith.constant 0 : i32
        %dma_start3A_260 = arith.constant 0 : i32
        %dma_start3A_261 = tpu.memref_slice %arg5[%dma_start3A_259, %dma_start3A_260] : memref<288x80xf32, #tpu.memory_space<vmem>> -> memref<288x80xf32, #tpu.memory_space<vmem>>
        %dma_start3A_262 = arith.constant 1440 : i32
        %dma_start3A_263 = arith.constant 0 : i32
        %dma_start3A_264 = tpu.memref_slice %arg2[%select_n3A, %dma_start3A_262, %add3A_92, %dma_start3A_263] : memref<8x1728x18x80xf32, #tpu.memory_space<hbm>> -> memref<1x288x1x80xf32, #tpu.memory_space<hbm>>
        %dma_start3A_265 = tpu.memref_squeeze %dma_start3A_264 : memref<1x288x1x80xf32, #tpu.memory_space<hbm>> -> memref<288x80xf32, #tpu.memory_space<hbm>>
        tpu.enqueue_dma source(%dma_start3A_265 : memref<288x80xf32, #tpu.memory_space<hbm>>) target(%dma_start3A_261 : memref<288x80xf32, #tpu.memory_space<vmem>>) target_semaphore(%arg8 : memref<!tpu.dma_semaphore, #tpu.memory_space<semaphore_mem>>)
        %dma_wait3A_266 = arith.constant 0 : i32
        %dma_wait3A_267 = arith.constant 0 : i32
        %dma_wait3A_268 = tpu.memref_slice %arg4[%dma_wait3A_266, %dma_wait3A_267] : memref<288x80xf32, #tpu.memory_space<vmem>> -> memref<288x80xf32, #tpu.memory_space<vmem>>
        %dma_wait3A_269 = arith.constant 1152 : i32
        %dma_wait3A_270 = arith.constant 0 : i32
        %dma_wait3A_271 = tpu.memref_slice %arg2[%select_n3A, %dma_wait3A_269, %add3A_92, %dma_wait3A_270] : memref<8x1728x18x80xf32, #tpu.memory_space<hbm>> -> memref<1x288x1x80xf32, #tpu.memory_space<hbm>>
        %dma_wait3A_272 = tpu.memref_squeeze %dma_wait3A_271 : memref<1x288x1x80xf32, #tpu.memory_space<hbm>> -> memref<288x80xf32, #tpu.memory_space<hbm>>
        %dma_wait3A_273 = arith.constant 0 : i32
        %dma_wait3A_274 = arith.constant 0 : i32
        %dma_wait3A_275 = tpu.memref_slice %arg4[%dma_wait3A_273, %dma_wait3A_274] : memref<288x80xf32, #tpu.memory_space<vmem>> -> memref<288x80xf32, #tpu.memory_space<vmem>>
        %dma_wait3A_276 = arith.constant 1152 : i32
        %dma_wait3A_277 = arith.constant 0 : i32
        %dma_wait3A_278 = tpu.memref_slice %arg2[%select_n3A, %dma_wait3A_276, %add3A_92, %dma_wait3A_277] : memref<8x1728x18x80xf32, #tpu.memory_space<hbm>> -> memref<1x288x1x80xf32, #tpu.memory_space<hbm>>
        %dma_wait3A_279 = tpu.memref_squeeze %dma_wait3A_278 : memref<1x288x1x80xf32, #tpu.memory_space<hbm>> -> memref<288x80xf32, #tpu.memory_space<hbm>>
        tpu.wait_dma2 semaphore(%arg7 : memref<!tpu.dma_semaphore, #tpu.memory_space<semaphore_mem>>) src(%dma_wait3A_279 : memref<288x80xf32, #tpu.memory_space<hbm>>) dst(%dma_wait3A_275 : memref<288x80xf32, #tpu.memory_space<vmem>>)
        %scan3A_280 = arith.constant 0 : i32
        %scan3A_281 = arith.constant 0 : i32
        %scan3A_282 = arith.constant 4 : i32
        %scan3A_283 = arith.addi %scan3A_281, %scan3A_282 : i32
        %scan3A_284 = arith.constant 1 : i32
        scf.for %scan3A_306 = %scan3A_281 to %scan3A_283 step %scan3A_284  : i32 {
          %mul3A_307 = arith.constant 24 : i32
          %mul3A_308 = vector.broadcast %mul3A_307 : i32 to vector<16xi32>
          %mul3A_309 = arith.muli %iota3A, %mul3A_308 : vector<16xi32>
          %add3A_310 = arith.constant 16 : i32
          %add3A_311 = arith.addi %add3A_310, %scan3A_306 : i32
          %add3A_312 = vector.broadcast %add3A_311 : i32 to vector<16xi32>
          %add3A_313 = arith.addi %mul3A_309, %add3A_312 : vector<16xi32>
          %broadcast_in_dim3A = arith.constant 0 : i32
          %broadcast_in_dim3A_314 = vector.broadcast %broadcast_in_dim3A : i32 to vector<16xi32>
          %scan3A_315 = arith.constant 0 : i32
          %scan3A_316 = arith.constant 72 : i32
          %scan3A_317 = arith.addi %scan3A_315, %scan3A_316 : i32
          %scan3A_318 = arith.constant 12 : i32
          %scan3A_319 = scf.for %scan3A_321 = %scan3A_315 to %scan3A_317 step %scan3A_318 iter_args(%scan3A_322 = %broadcast_in_dim3A_314) -> (vector<16xi32>)  : i32 {
            %mul3A_323 = arith.constant 72 : i32
            %mul3A_324 = arith.muli %scan3A_306, %mul3A_323 : i32
            %add3A_325 = arith.addi %mul3A_324, %scan3A_321 : i32
            %get3A = arith.index_cast %add3A_325 : i32 to index
            %get3A_326 = arith.index_cast %mul3A_94 : i32 to index
            %get3A_327 = tpu.vector_load %arg4[%get3A, %get3A_326] {strides = array<i32>} : memref<288x80xf32, #tpu.memory_space<vmem>>, vector<16xf32>,
            tpu.vector_store_idx %arg6[%add3A_313, %scan3A_322], %get3A_327 : memref<384x72xf32, #tpu.memory_space<vmem>>[vector<16xi32>, vector<16xi32>], vector<16xf32>,
            %add3A_328 = arith.constant 1 : i32
            %add3A_329 = vector.broadcast %add3A_328 : i32 to vector<16xi32>
            %add3A_330 = arith.addi %scan3A_322, %add3A_329 : vector<16xi32>
            %scan3A_331 = arith.constant 1 : i32
            %scan3A_332 = arith.addi %scan3A_321, %scan3A_331 : i32
            %mul3A_333 = arith.constant 72 : i32
            %mul3A_334 = arith.muli %scan3A_306, %mul3A_333 : i32
            %add3A_335 = arith.addi %mul3A_334, %scan3A_332 : i32
            %get3A_336 = arith.index_cast %add3A_335 : i32 to index
            %get3A_337 = arith.index_cast %mul3A_94 : i32 to index
            %get3A_338 = tpu.vector_load %arg4[%get3A_336, %get3A_337] {strides = array<i32>} : memref<288x80xf32, #tpu.memory_space<vmem>>, vector<16xf32>,
            tpu.vector_store_idx %arg6[%add3A_313, %add3A_330], %get3A_338 : memref<384x72xf32, #tpu.memory_space<vmem>>[vector<16xi32>, vector<16xi32>], vector<16xf32>,
            %add3A_339 = arith.constant 1 : i32
            %add3A_340 = vector.broadcast %add3A_339 : i32 to vector<16xi32>
            %add3A_341 = arith.addi %add3A_330, %add3A_340 : vector<16xi32>
            %scan3A_342 = arith.constant 2 : i32
            %scan3A_343 = arith.addi %scan3A_321, %scan3A_342 : i32
            %mul3A_344 = arith.constant 72 : i32
            %mul3A_345 = arith.muli %scan3A_306, %mul3A_344 : i32
            %add3A_346 = arith.addi %mul3A_345, %scan3A_343 : i32
            %get3A_347 = arith.index_cast %add3A_346 : i32 to index
            %get3A_348 = arith.index_cast %mul3A_94 : i32 to index
            %get3A_349 = tpu.vector_load %arg4[%get3A_347, %get3A_348] {strides = array<i32>} : memref<288x80xf32, #tpu.memory_space<vmem>>, vector<16xf32>,
            tpu.vector_store_idx %arg6[%add3A_313, %add3A_341], %get3A_349 : memref<384x72xf32, #tpu.memory_space<vmem>>[vector<16xi32>, vector<16xi32>], vector<16xf32>,
            %add3A_350 = arith.constant 1 : i32
            %add3A_351 = vector.broadcast %add3A_350 : i32 to vector<16xi32>
            %add3A_352 = arith.addi %add3A_341, %add3A_351 : vector<16xi32>
            %scan3A_353 = arith.constant 3 : i32
            %scan3A_354 = arith.addi %scan3A_321, %scan3A_353 : i32
            %mul3A_355 = arith.constant 72 : i32
            %mul3A_356 = arith.muli %scan3A_306, %mul3A_355 : i32
            %add3A_357 = arith.addi %mul3A_356, %scan3A_354 : i32
            %get3A_358 = arith.index_cast %add3A_357 : i32 to index
            %get3A_359 = arith.index_cast %mul3A_94 : i32 to index
            %get3A_360 = tpu.vector_load %arg4[%get3A_358, %get3A_359] {strides = array<i32>} : memref<288x80xf32, #tpu.memory_space<vmem>>, vector<16xf32>,
            tpu.vector_store_idx %arg6[%add3A_313, %add3A_352], %get3A_360 : memref<384x72xf32, #tpu.memory_space<vmem>>[vector<16xi32>, vector<16xi32>], vector<16xf32>,
            %add3A_361 = arith.constant 1 : i32
            %add3A_362 = vector.broadcast %add3A_361 : i32 to vector<16xi32>
            %add3A_363 = arith.addi %add3A_352, %add3A_362 : vector<16xi32>
            %scan3A_364 = arith.constant 4 : i32
            %scan3A_365 = arith.addi %scan3A_321, %scan3A_364 : i32
            %mul3A_366 = arith.constant 72 : i32
            %mul3A_367 = arith.muli %scan3A_306, %mul3A_366 : i32
            %add3A_368 = arith.addi %mul3A_367, %scan3A_365 : i32
            %get3A_369 = arith.index_cast %add3A_368 : i32 to index
            %get3A_370 = arith.index_cast %mul3A_94 : i32 to index
            %get3A_371 = tpu.vector_load %arg4[%get3A_369, %get3A_370] {strides = array<i32>} : memref<288x80xf32, #tpu.memory_space<vmem>>, vector<16xf32>,
            tpu.vector_store_idx %arg6[%add3A_313, %add3A_363], %get3A_371 : memref<384x72xf32, #tpu.memory_space<vmem>>[vector<16xi32>, vector<16xi32>], vector<16xf32>,
            %add3A_372 = arith.constant 1 : i32
            %add3A_373 = vector.broadcast %add3A_372 : i32 to vector<16xi32>
            %add3A_374 = arith.addi %add3A_363, %add3A_373 : vector<16xi32>
            %scan3A_375 = arith.constant 5 : i32
            %scan3A_376 = arith.addi %scan3A_321, %scan3A_375 : i32
            %mul3A_377 = arith.constant 72 : i32
            %mul3A_378 = arith.muli %scan3A_306, %mul3A_377 : i32
            %add3A_379 = arith.addi %mul3A_378, %scan3A_376 : i32
            %get3A_380 = arith.index_cast %add3A_379 : i32 to index
            %get3A_381 = arith.index_cast %mul3A_94 : i32 to index
            %get3A_382 = tpu.vector_load %arg4[%get3A_380, %get3A_381] {strides = array<i32>} : memref<288x80xf32, #tpu.memory_space<vmem>>, vector<16xf32>,
            tpu.vector_store_idx %arg6[%add3A_313, %add3A_374], %get3A_382 : memref<384x72xf32, #tpu.memory_space<vmem>>[vector<16xi32>, vector<16xi32>], vector<16xf32>,
            %add3A_383 = arith.constant 1 : i32
            %add3A_384 = vector.broadcast %add3A_383 : i32 to vector<16xi32>
            %add3A_385 = arith.addi %add3A_374, %add3A_384 : vector<16xi32>
            %scan3A_386 = arith.constant 6 : i32
            %scan3A_387 = arith.addi %scan3A_321, %scan3A_386 : i32
            %mul3A_388 = arith.constant 72 : i32
            %mul3A_389 = arith.muli %scan3A_306, %mul3A_388 : i32
            %add3A_390 = arith.addi %mul3A_389, %scan3A_387 : i32
            %get3A_391 = arith.index_cast %add3A_390 : i32 to index
            %get3A_392 = arith.index_cast %mul3A_94 : i32 to index
            %get3A_393 = tpu.vector_load %arg4[%get3A_391, %get3A_392] {strides = array<i32>} : memref<288x80xf32, #tpu.memory_space<vmem>>, vector<16xf32>,
            tpu.vector_store_idx %arg6[%add3A_313, %add3A_385], %get3A_393 : memref<384x72xf32, #tpu.memory_space<vmem>>[vector<16xi32>, vector<16xi32>], vector<16xf32>,
            %add3A_394 = arith.constant 1 : i32
            %add3A_395 = vector.broadcast %add3A_394 : i32 to vector<16xi32>
            %add3A_396 = arith.addi %add3A_385, %add3A_395 : vector<16xi32>
            %scan3A_397 = arith.constant 7 : i32
            %scan3A_398 = arith.addi %scan3A_321, %scan3A_397 : i32
            %mul3A_399 = arith.constant 72 : i32
            %mul3A_400 = arith.muli %scan3A_306, %mul3A_399 : i32
            %add3A_401 = arith.addi %mul3A_400, %scan3A_398 : i32
            %get3A_402 = arith.index_cast %add3A_401 : i32 to index
            %get3A_403 = arith.index_cast %mul3A_94 : i32 to index
            %get3A_404 = tpu.vector_load %arg4[%get3A_402, %get3A_403] {strides = array<i32>} : memref<288x80xf32, #tpu.memory_space<vmem>>, vector<16xf32>,
            tpu.vector_store_idx %arg6[%add3A_313, %add3A_396], %get3A_404 : memref<384x72xf32, #tpu.memory_space<vmem>>[vector<16xi32>, vector<16xi32>], vector<16xf32>,
            %add3A_405 = arith.constant 1 : i32
            %add3A_406 = vector.broadcast %add3A_405 : i32 to vector<16xi32>
            %add3A_407 = arith.addi %add3A_396, %add3A_406 : vector<16xi32>
            %scan3A_408 = arith.constant 8 : i32
            %scan3A_409 = arith.addi %scan3A_321, %scan3A_408 : i32
            %mul3A_410 = arith.constant 72 : i32
            %mul3A_411 = arith.muli %scan3A_306, %mul3A_410 : i32
            %add3A_412 = arith.addi %mul3A_411, %scan3A_409 : i32
            %get3A_413 = arith.index_cast %add3A_412 : i32 to index
            %get3A_414 = arith.index_cast %mul3A_94 : i32 to index
            %get3A_415 = tpu.vector_load %arg4[%get3A_413, %get3A_414] {strides = array<i32>} : memref<288x80xf32, #tpu.memory_space<vmem>>, vector<16xf32>,
            tpu.vector_store_idx %arg6[%add3A_313, %add3A_407], %get3A_415 : memref<384x72xf32, #tpu.memory_space<vmem>>[vector<16xi32>, vector<16xi32>], vector<16xf32>,
            %add3A_416 = arith.constant 1 : i32
            %add3A_417 = vector.broadcast %add3A_416 : i32 to vector<16xi32>
            %add3A_418 = arith.addi %add3A_407, %add3A_417 : vector<16xi32>
            %scan3A_419 = arith.constant 9 : i32
            %scan3A_420 = arith.addi %scan3A_321, %scan3A_419 : i32
            %mul3A_421 = arith.constant 72 : i32
            %mul3A_422 = arith.muli %scan3A_306, %mul3A_421 : i32
            %add3A_423 = arith.addi %mul3A_422, %scan3A_420 : i32
            %get3A_424 = arith.index_cast %add3A_423 : i32 to index
            %get3A_425 = arith.index_cast %mul3A_94 : i32 to index
            %get3A_426 = tpu.vector_load %arg4[%get3A_424, %get3A_425] {strides = array<i32>} : memref<288x80xf32, #tpu.memory_space<vmem>>, vector<16xf32>,
            tpu.vector_store_idx %arg6[%add3A_313, %add3A_418], %get3A_426 : memref<384x72xf32, #tpu.memory_space<vmem>>[vector<16xi32>, vector<16xi32>], vector<16xf32>,
            %add3A_427 = arith.constant 1 : i32
            %add3A_428 = vector.broadcast %add3A_427 : i32 to vector<16xi32>
            %add3A_429 = arith.addi %add3A_418, %add3A_428 : vector<16xi32>
            %scan3A_430 = arith.constant 10 : i32
            %scan3A_431 = arith.addi %scan3A_321, %scan3A_430 : i32
            %mul3A_432 = arith.constant 72 : i32
            %mul3A_433 = arith.muli %scan3A_306, %mul3A_432 : i32
            %add3A_434 = arith.addi %mul3A_433, %scan3A_431 : i32
            %get3A_435 = arith.index_cast %add3A_434 : i32 to index
            %get3A_436 = arith.index_cast %mul3A_94 : i32 to index
            %get3A_437 = tpu.vector_load %arg4[%get3A_435, %get3A_436] {strides = array<i32>} : memref<288x80xf32, #tpu.memory_space<vmem>>, vector<16xf32>,
            tpu.vector_store_idx %arg6[%add3A_313, %add3A_429], %get3A_437 : memref<384x72xf32, #tpu.memory_space<vmem>>[vector<16xi32>, vector<16xi32>], vector<16xf32>,
            %add3A_438 = arith.constant 1 : i32
            %add3A_439 = vector.broadcast %add3A_438 : i32 to vector<16xi32>
            %add3A_440 = arith.addi %add3A_429, %add3A_439 : vector<16xi32>
            %scan3A_441 = arith.constant 11 : i32
            %scan3A_442 = arith.addi %scan3A_321, %scan3A_441 : i32
            %mul3A_443 = arith.constant 72 : i32
            %mul3A_444 = arith.muli %scan3A_306, %mul3A_443 : i32
            %add3A_445 = arith.addi %mul3A_444, %scan3A_442 : i32
            %get3A_446 = arith.index_cast %add3A_445 : i32 to index
            %get3A_447 = arith.index_cast %mul3A_94 : i32 to index
            %get3A_448 = tpu.vector_load %arg4[%get3A_446, %get3A_447] {strides = array<i32>} : memref<288x80xf32, #tpu.memory_space<vmem>>, vector<16xf32>,
            tpu.vector_store_idx %arg6[%add3A_313, %add3A_440], %get3A_448 : memref<384x72xf32, #tpu.memory_space<vmem>>[vector<16xi32>, vector<16xi32>], vector<16xf32>,
            %add3A_449 = arith.constant 1 : i32
            %add3A_450 = vector.broadcast %add3A_449 : i32 to vector<16xi32>
            %add3A_451 = arith.addi %add3A_440, %add3A_450 : vector<16xi32>
            scf.yield %add3A_451 : vector<16xi32>
          }
          %scan3A_320 = arith.constant 72 : i32
        }
        %scan3A_285 = arith.constant 4 : i32
        %dma_wait3A_286 = arith.constant 0 : i32
        %dma_wait3A_287 = arith.constant 0 : i32
        %dma_wait3A_288 = tpu.memref_slice %arg5[%dma_wait3A_286, %dma_wait3A_287] : memref<288x80xf32, #tpu.memory_space<vmem>> -> memref<288x80xf32, #tpu.memory_space<vmem>>
        %dma_wait3A_289 = arith.constant 1440 : i32
        %dma_wait3A_290 = arith.constant 0 : i32
        %dma_wait3A_291 = tpu.memref_slice %arg2[%select_n3A, %dma_wait3A_289, %add3A_92, %dma_wait3A_290] : memref<8x1728x18x80xf32, #tpu.memory_space<hbm>> -> memref<1x288x1x80xf32, #tpu.memory_space<hbm>>
        %dma_wait3A_292 = tpu.memref_squeeze %dma_wait3A_291 : memref<1x288x1x80xf32, #tpu.memory_space<hbm>> -> memref<288x80xf32, #tpu.memory_space<hbm>>
        %dma_wait3A_293 = arith.constant 0 : i32
        %dma_wait3A_294 = arith.constant 0 : i32
        %dma_wait3A_295 = tpu.memref_slice %arg5[%dma_wait3A_293, %dma_wait3A_294] : memref<288x80xf32, #tpu.memory_space<vmem>> -> memref<288x80xf32, #tpu.memory_space<vmem>>
        %dma_wait3A_296 = arith.constant 1440 : i32
        %dma_wait3A_297 = arith.constant 0 : i32
        %dma_wait3A_298 = tpu.memref_slice %arg2[%select_n3A, %dma_wait3A_296, %add3A_92, %dma_wait3A_297] : memref<8x1728x18x80xf32, #tpu.memory_space<hbm>> -> memref<1x288x1x80xf32, #tpu.memory_space<hbm>>
        %dma_wait3A_299 = tpu.memref_squeeze %dma_wait3A_298 : memref<1x288x1x80xf32, #tpu.memory_space<hbm>> -> memref<288x80xf32, #tpu.memory_space<hbm>>
        tpu.wait_dma2 semaphore(%arg8 : memref<!tpu.dma_semaphore, #tpu.memory_space<semaphore_mem>>) src(%dma_wait3A_299 : memref<288x80xf32, #tpu.memory_space<hbm>>) dst(%dma_wait3A_295 : memref<288x80xf32, #tpu.memory_space<vmem>>)
        %scan3A_300 = arith.constant 0 : i32
        %scan3A_301 = arith.constant 0 : i32
        %scan3A_302 = arith.constant 4 : i32
        %scan3A_303 = arith.addi %scan3A_301, %scan3A_302 : i32
        %scan3A_304 = arith.constant 1 : i32
        scf.for %scan3A_306 = %scan3A_301 to %scan3A_303 step %scan3A_304  : i32 {
          %mul3A_307 = arith.constant 24 : i32
          %mul3A_308 = vector.broadcast %mul3A_307 : i32 to vector<16xi32>
          %mul3A_309 = arith.muli %iota3A, %mul3A_308 : vector<16xi32>
          %add3A_310 = arith.constant 20 : i32
          %add3A_311 = arith.addi %add3A_310, %scan3A_306 : i32
          %add3A_312 = vector.broadcast %add3A_311 : i32 to vector<16xi32>
          %add3A_313 = arith.addi %mul3A_309, %add3A_312 : vector<16xi32>
          %broadcast_in_dim3A = arith.constant 0 : i32
          %broadcast_in_dim3A_314 = vector.broadcast %broadcast_in_dim3A : i32 to vector<16xi32>
          %scan3A_315 = arith.constant 0 : i32
          %scan3A_316 = arith.constant 72 : i32
          %scan3A_317 = arith.addi %scan3A_315, %scan3A_316 : i32
          %scan3A_318 = arith.constant 12 : i32
          %scan3A_319 = scf.for %scan3A_321 = %scan3A_315 to %scan3A_317 step %scan3A_318 iter_args(%scan3A_322 = %broadcast_in_dim3A_314) -> (vector<16xi32>)  : i32 {
            %mul3A_323 = arith.constant 72 : i32
            %mul3A_324 = arith.muli %scan3A_306, %mul3A_323 : i32
            %add3A_325 = arith.addi %mul3A_324, %scan3A_321 : i32
            %get3A = arith.index_cast %add3A_325 : i32 to index
            %get3A_326 = arith.index_cast %mul3A_94 : i32 to index
            %get3A_327 = tpu.vector_load %arg5[%get3A, %get3A_326] {strides = array<i32>} : memref<288x80xf32, #tpu.memory_space<vmem>>, vector<16xf32>,
            tpu.vector_store_idx %arg6[%add3A_313, %scan3A_322], %get3A_327 : memref<384x72xf32, #tpu.memory_space<vmem>>[vector<16xi32>, vector<16xi32>], vector<16xf32>,
            %add3A_328 = arith.constant 1 : i32
            %add3A_329 = vector.broadcast %add3A_328 : i32 to vector<16xi32>
            %add3A_330 = arith.addi %scan3A_322, %add3A_329 : vector<16xi32>
            %scan3A_331 = arith.constant 1 : i32
            %scan3A_332 = arith.addi %scan3A_321, %scan3A_331 : i32
            %mul3A_333 = arith.constant 72 : i32
            %mul3A_334 = arith.muli %scan3A_306, %mul3A_333 : i32
            %add3A_335 = arith.addi %mul3A_334, %scan3A_332 : i32
            %get3A_336 = arith.index_cast %add3A_335 : i32 to index
            %get3A_337 = arith.index_cast %mul3A_94 : i32 to index
            %get3A_338 = tpu.vector_load %arg5[%get3A_336, %get3A_337] {strides = array<i32>} : memref<288x80xf32, #tpu.memory_space<vmem>>, vector<16xf32>,
            tpu.vector_store_idx %arg6[%add3A_313, %add3A_330], %get3A_338 : memref<384x72xf32, #tpu.memory_space<vmem>>[vector<16xi32>, vector<16xi32>], vector<16xf32>,
            %add3A_339 = arith.constant 1 : i32
            %add3A_340 = vector.broadcast %add3A_339 : i32 to vector<16xi32>
            %add3A_341 = arith.addi %add3A_330, %add3A_340 : vector<16xi32>
            %scan3A_342 = arith.constant 2 : i32
            %scan3A_343 = arith.addi %scan3A_321, %scan3A_342 : i32
            %mul3A_344 = arith.constant 72 : i32
            %mul3A_345 = arith.muli %scan3A_306, %mul3A_344 : i32
            %add3A_346 = arith.addi %mul3A_345, %scan3A_343 : i32
            %get3A_347 = arith.index_cast %add3A_346 : i32 to index
            %get3A_348 = arith.index_cast %mul3A_94 : i32 to index
            %get3A_349 = tpu.vector_load %arg5[%get3A_347, %get3A_348] {strides = array<i32>} : memref<288x80xf32, #tpu.memory_space<vmem>>, vector<16xf32>,
            tpu.vector_store_idx %arg6[%add3A_313, %add3A_341], %get3A_349 : memref<384x72xf32, #tpu.memory_space<vmem>>[vector<16xi32>, vector<16xi32>], vector<16xf32>,
            %add3A_350 = arith.constant 1 : i32
            %add3A_351 = vector.broadcast %add3A_350 : i32 to vector<16xi32>
            %add3A_352 = arith.addi %add3A_341, %add3A_351 : vector<16xi32>
            %scan3A_353 = arith.constant 3 : i32
            %scan3A_354 = arith.addi %scan3A_321, %scan3A_353 : i32
            %mul3A_355 = arith.constant 72 : i32
            %mul3A_356 = arith.muli %scan3A_306, %mul3A_355 : i32
            %add3A_357 = arith.addi %mul3A_356, %scan3A_354 : i32
            %get3A_358 = arith.index_cast %add3A_357 : i32 to index
            %get3A_359 = arith.index_cast %mul3A_94 : i32 to index
            %get3A_360 = tpu.vector_load %arg5[%get3A_358, %get3A_359] {strides = array<i32>} : memref<288x80xf32, #tpu.memory_space<vmem>>, vector<16xf32>,
            tpu.vector_store_idx %arg6[%add3A_313, %add3A_352], %get3A_360 : memref<384x72xf32, #tpu.memory_space<vmem>>[vector<16xi32>, vector<16xi32>], vector<16xf32>,
            %add3A_361 = arith.constant 1 : i32
            %add3A_362 = vector.broadcast %add3A_361 : i32 to vector<16xi32>
            %add3A_363 = arith.addi %add3A_352, %add3A_362 : vector<16xi32>
            %scan3A_364 = arith.constant 4 : i32
            %scan3A_365 = arith.addi %scan3A_321, %scan3A_364 : i32
            %mul3A_366 = arith.constant 72 : i32
            %mul3A_367 = arith.muli %scan3A_306, %mul3A_366 : i32
            %add3A_368 = arith.addi %mul3A_367, %scan3A_365 : i32
            %get3A_369 = arith.index_cast %add3A_368 : i32 to index
            %get3A_370 = arith.index_cast %mul3A_94 : i32 to index
            %get3A_371 = tpu.vector_load %arg5[%get3A_369, %get3A_370] {strides = array<i32>} : memref<288x80xf32, #tpu.memory_space<vmem>>, vector<16xf32>,
            tpu.vector_store_idx %arg6[%add3A_313, %add3A_363], %get3A_371 : memref<384x72xf32, #tpu.memory_space<vmem>>[vector<16xi32>, vector<16xi32>], vector<16xf32>,
            %add3A_372 = arith.constant 1 : i32
            %add3A_373 = vector.broadcast %add3A_372 : i32 to vector<16xi32>
            %add3A_374 = arith.addi %add3A_363, %add3A_373 : vector<16xi32>
            %scan3A_375 = arith.constant 5 : i32
            %scan3A_376 = arith.addi %scan3A_321, %scan3A_375 : i32
            %mul3A_377 = arith.constant 72 : i32
            %mul3A_378 = arith.muli %scan3A_306, %mul3A_377 : i32
            %add3A_379 = arith.addi %mul3A_378, %scan3A_376 : i32
            %get3A_380 = arith.index_cast %add3A_379 : i32 to index
            %get3A_381 = arith.index_cast %mul3A_94 : i32 to index
            %get3A_382 = tpu.vector_load %arg5[%get3A_380, %get3A_381] {strides = array<i32>} : memref<288x80xf32, #tpu.memory_space<vmem>>, vector<16xf32>,
            tpu.vector_store_idx %arg6[%add3A_313, %add3A_374], %get3A_382 : memref<384x72xf32, #tpu.memory_space<vmem>>[vector<16xi32>, vector<16xi32>], vector<16xf32>,
            %add3A_383 = arith.constant 1 : i32
            %add3A_384 = vector.broadcast %add3A_383 : i32 to vector<16xi32>
            %add3A_385 = arith.addi %add3A_374, %add3A_384 : vector<16xi32>
            %scan3A_386 = arith.constant 6 : i32
            %scan3A_387 = arith.addi %scan3A_321, %scan3A_386 : i32
            %mul3A_388 = arith.constant 72 : i32
            %mul3A_389 = arith.muli %scan3A_306, %mul3A_388 : i32
            %add3A_390 = arith.addi %mul3A_389, %scan3A_387 : i32
            %get3A_391 = arith.index_cast %add3A_390 : i32 to index
            %get3A_392 = arith.index_cast %mul3A_94 : i32 to index
            %get3A_393 = tpu.vector_load %arg5[%get3A_391, %get3A_392] {strides = array<i32>} : memref<288x80xf32, #tpu.memory_space<vmem>>, vector<16xf32>,
            tpu.vector_store_idx %arg6[%add3A_313, %add3A_385], %get3A_393 : memref<384x72xf32, #tpu.memory_space<vmem>>[vector<16xi32>, vector<16xi32>], vector<16xf32>,
            %add3A_394 = arith.constant 1 : i32
            %add3A_395 = vector.broadcast %add3A_394 : i32 to vector<16xi32>
            %add3A_396 = arith.addi %add3A_385, %add3A_395 : vector<16xi32>
            %scan3A_397 = arith.constant 7 : i32
            %scan3A_398 = arith.addi %scan3A_321, %scan3A_397 : i32
            %mul3A_399 = arith.constant 72 : i32
            %mul3A_400 = arith.muli %scan3A_306, %mul3A_399 : i32
            %add3A_401 = arith.addi %mul3A_400, %scan3A_398 : i32
            %get3A_402 = arith.index_cast %add3A_401 : i32 to index
            %get3A_403 = arith.index_cast %mul3A_94 : i32 to index
            %get3A_404 = tpu.vector_load %arg5[%get3A_402, %get3A_403] {strides = array<i32>} : memref<288x80xf32, #tpu.memory_space<vmem>>, vector<16xf32>,
            tpu.vector_store_idx %arg6[%add3A_313, %add3A_396], %get3A_404 : memref<384x72xf32, #tpu.memory_space<vmem>>[vector<16xi32>, vector<16xi32>], vector<16xf32>,
            %add3A_405 = arith.constant 1 : i32
            %add3A_406 = vector.broadcast %add3A_405 : i32 to vector<16xi32>
            %add3A_407 = arith.addi %add3A_396, %add3A_406 : vector<16xi32>
            %scan3A_408 = arith.constant 8 : i32
            %scan3A_409 = arith.addi %scan3A_321, %scan3A_408 : i32
            %mul3A_410 = arith.constant 72 : i32
            %mul3A_411 = arith.muli %scan3A_306, %mul3A_410 : i32
            %add3A_412 = arith.addi %mul3A_411, %scan3A_409 : i32
            %get3A_413 = arith.index_cast %add3A_412 : i32 to index
            %get3A_414 = arith.index_cast %mul3A_94 : i32 to index
            %get3A_415 = tpu.vector_load %arg5[%get3A_413, %get3A_414] {strides = array<i32>} : memref<288x80xf32, #tpu.memory_space<vmem>>, vector<16xf32>,
            tpu.vector_store_idx %arg6[%add3A_313, %add3A_407], %get3A_415 : memref<384x72xf32, #tpu.memory_space<vmem>>[vector<16xi32>, vector<16xi32>], vector<16xf32>,
            %add3A_416 = arith.constant 1 : i32
            %add3A_417 = vector.broadcast %add3A_416 : i32 to vector<16xi32>
            %add3A_418 = arith.addi %add3A_407, %add3A_417 : vector<16xi32>
            %scan3A_419 = arith.constant 9 : i32
            %scan3A_420 = arith.addi %scan3A_321, %scan3A_419 : i32
            %mul3A_421 = arith.constant 72 : i32
            %mul3A_422 = arith.muli %scan3A_306, %mul3A_421 : i32
            %add3A_423 = arith.addi %mul3A_422, %scan3A_420 : i32
            %get3A_424 = arith.index_cast %add3A_423 : i32 to index
            %get3A_425 = arith.index_cast %mul3A_94 : i32 to index
            %get3A_426 = tpu.vector_load %arg5[%get3A_424, %get3A_425] {strides = array<i32>} : memref<288x80xf32, #tpu.memory_space<vmem>>, vector<16xf32>,
            tpu.vector_store_idx %arg6[%add3A_313, %add3A_418], %get3A_426 : memref<384x72xf32, #tpu.memory_space<vmem>>[vector<16xi32>, vector<16xi32>], vector<16xf32>,
            %add3A_427 = arith.constant 1 : i32
            %add3A_428 = vector.broadcast %add3A_427 : i32 to vector<16xi32>
            %add3A_429 = arith.addi %add3A_418, %add3A_428 : vector<16xi32>
            %scan3A_430 = arith.constant 10 : i32
            %scan3A_431 = arith.addi %scan3A_321, %scan3A_430 : i32
            %mul3A_432 = arith.constant 72 : i32
            %mul3A_433 = arith.muli %scan3A_306, %mul3A_432 : i32
            %add3A_434 = arith.addi %mul3A_433, %scan3A_431 : i32
            %get3A_435 = arith.index_cast %add3A_434 : i32 to index
            %get3A_436 = arith.index_cast %mul3A_94 : i32 to index
            %get3A_437 = tpu.vector_load %arg5[%get3A_435, %get3A_436] {strides = array<i32>} : memref<288x80xf32, #tpu.memory_space<vmem>>, vector<16xf32>,
            tpu.vector_store_idx %arg6[%add3A_313, %add3A_429], %get3A_437 : memref<384x72xf32, #tpu.memory_space<vmem>>[vector<16xi32>, vector<16xi32>], vector<16xf32>,
            %add3A_438 = arith.constant 1 : i32
            %add3A_439 = vector.broadcast %add3A_438 : i32 to vector<16xi32>
            %add3A_440 = arith.addi %add3A_429, %add3A_439 : vector<16xi32>
            %scan3A_441 = arith.constant 11 : i32
            %scan3A_442 = arith.addi %scan3A_321, %scan3A_441 : i32
            %mul3A_443 = arith.constant 72 : i32
            %mul3A_444 = arith.muli %scan3A_306, %mul3A_443 : i32
            %add3A_445 = arith.addi %mul3A_444, %scan3A_442 : i32
            %get3A_446 = arith.index_cast %add3A_445 : i32 to index
            %get3A_447 = arith.index_cast %mul3A_94 : i32 to index
            %get3A_448 = tpu.vector_load %arg5[%get3A_446, %get3A_447] {strides = array<i32>} : memref<288x80xf32, #tpu.memory_space<vmem>>, vector<16xf32>,
            tpu.vector_store_idx %arg6[%add3A_313, %add3A_440], %get3A_448 : memref<384x72xf32, #tpu.memory_space<vmem>>[vector<16xi32>, vector<16xi32>], vector<16xf32>,
            %add3A_449 = arith.constant 1 : i32
            %add3A_450 = vector.broadcast %add3A_449 : i32 to vector<16xi32>
            %add3A_451 = arith.addi %add3A_440, %add3A_450 : vector<16xi32>
            scf.yield %add3A_451 : vector<16xi32>
          }
          %scan3A_320 = arith.constant 72 : i32
        }
        %scan3A_305 = arith.constant 4 : i32
        "tpu.region"() ({
          %run_scoped3A = tpu.sem_alloc : memref<!tpu.dma_semaphore, #tpu.memory_space<semaphore_mem>>
          %dma_start3A_306 = arith.constant 0 : i32
          %dma_start3A_307 = arith.constant 0 : i32
          %dma_start3A_308 = tpu.memref_slice %arg6[%dma_start3A_306, %dma_start3A_307] : memref<384x72xf32, #tpu.memory_space<vmem>> -> memref<384x72xf32, #tpu.memory_space<vmem>>
          %dma_start3A_309 = arith.constant 0 : i32
          %dma_start3A_310 = tpu.memref_slice %arg3[%select_n3A, %add3A_103, %dma_start3A_309] : memref<8x25920x72xf32, #tpu.memory_space<hbm>> -> memref<1x384x72xf32, #tpu.memory_space<hbm>>
          %dma_start3A_311 = tpu.memref_squeeze %dma_start3A_310 : memref<1x384x72xf32, #tpu.memory_space<hbm>> -> memref<384x72xf32, #tpu.memory_space<hbm>>
          %dma_start3A_312 = arith.constant 0 : i32
          %dma_start3A_313 = tpu.memref_slice %arg3[%select_n3A, %add3A_103, %dma_start3A_312] : memref<8x25920x72xf32, #tpu.memory_space<hbm>> -> memref<1x384x72xf32, #tpu.memory_space<hbm>>
          %dma_start3A_314 = tpu.memref_squeeze %dma_start3A_313 : memref<1x384x72xf32, #tpu.memory_space<hbm>> -> memref<384x72xf32, #tpu.memory_space<hbm>>
          %dma_start3A_315 = arith.constant 0 : i32
          %dma_start3A_316 = arith.constant 0 : i32
          %dma_start3A_317 = tpu.memref_slice %arg6[%dma_start3A_315, %dma_start3A_316] : memref<384x72xf32, #tpu.memory_space<vmem>> -> memref<384x72xf32, #tpu.memory_space<vmem>>
          tpu.enqueue_dma source(%dma_start3A_317 : memref<384x72xf32, #tpu.memory_space<vmem>>) target(%dma_start3A_314 : memref<384x72xf32, #tpu.memory_space<hbm>>) target_semaphore(%run_scoped3A : memref<!tpu.dma_semaphore, #tpu.memory_space<semaphore_mem>>)
          %dma_wait3A_318 = arith.constant 0 : i32
          %dma_wait3A_319 = arith.constant 0 : i32
          %dma_wait3A_320 = tpu.memref_slice %arg6[%dma_wait3A_318, %dma_wait3A_319] : memref<384x72xf32, #tpu.memory_space<vmem>> -> memref<384x72xf32, #tpu.memory_space<vmem>>
          %dma_wait3A_321 = arith.constant 0 : i32
          %dma_wait3A_322 = tpu.memref_slice %arg3[%select_n3A, %add3A_103, %dma_wait3A_321] : memref<8x25920x72xf32, #tpu.memory_space<hbm>> -> memref<1x384x72xf32, #tpu.memory_space<hbm>>
          %dma_wait3A_323 = tpu.memref_squeeze %dma_wait3A_322 : memref<1x384x72xf32, #tpu.memory_space<hbm>> -> memref<384x72xf32, #tpu.memory_space<hbm>>
          %dma_wait3A_324 = arith.constant 0 : i32
          %dma_wait3A_325 = tpu.memref_slice %arg3[%select_n3A, %add3A_103, %dma_wait3A_324] : memref<8x25920x72xf32, #tpu.memory_space<hbm>> -> memref<1x384x72xf32, #tpu.memory_space<hbm>>
          %dma_wait3A_326 = tpu.memref_squeeze %dma_wait3A_325 : memref<1x384x72xf32, #tpu.memory_space<hbm>> -> memref<384x72xf32, #tpu.memory_space<hbm>>
          %dma_wait3A_327 = arith.constant 0 : i32
          %dma_wait3A_328 = arith.constant 0 : i32
          %dma_wait3A_329 = tpu.memref_slice %arg6[%dma_wait3A_327, %dma_wait3A_328] : memref<384x72xf32, #tpu.memory_space<vmem>> -> memref<384x72xf32, #tpu.memory_space<vmem>>
          tpu.wait_dma2 semaphore(%run_scoped3A : memref<!tpu.dma_semaphore, #tpu.memory_space<semaphore_mem>>) src(%dma_wait3A_329 : memref<384x72xf32, #tpu.memory_space<vmem>>) dst(%dma_wait3A_326 : memref<384x72xf32, #tpu.memory_space<hbm>>)
          tpu.yield
        }) : () -> ()
      } else {
      }
    }
    %scan3A_11 = arith.constant 12 : i32
    return
  }
}

</mosaic_0001>

<sc_bundles>
// kernel: kernel.3.cloned.1.call-start
scs
__scs_entry_jumppad:
0x0: {  	(pc) =	sbr.rel $0x88, $3  }
0x1: {  	(tag) =	ssettag $0x0;
	lr =	simm.s32 $0x1  }
0x2: {  	[smem:$0x3FA0] =	sst lr;
	_ =	strace $0xD0000000  }
0x3: {  	_ = 	snop  }
0x4: {  	_ = 	snop  }
0x5: {  	_ = 	snop  }
0x6: {  	_ = 	snop  }
0x7: {  	_ = 	snop  }
__scs_overlays_trampoline_lowered:
0x8: {  	[smem:$0x3FAF] =	sst s0  }
0x9: {  	[smem:$0x3FB0] =	sst s1  }
0xa: {  	[smem:$0x3FB1] =	sst s2  }
0xb: {  	[smem:$0x3FB2] =	sst s3  }
0xc: {  	[smem:$0x3FB3] =	sst s4  }
0xd: {  	[smem:$0x3FB4] =	sst s5  }
0xe: {  	[smem:$0x3FB5] =	sst s6  }
0xf: {  	[smem:$0x3FB6] =	sst s7  }
0x10: {  	[smem:$0x3FB7] =	sst s8  }
0x11: {  	[smem:$0x3FB8] =	sst s9;
	s0 =	simm.s32 @!p0 $0x0  }
0x12: {  	s1 =	sld [smem:$0x3F9E];
	s0 =	simm.s32 @p0 $0x1  }
0x13: {  	[smem:$0x3FB9] =	sst s0;
	s0 =	simm.s32 @!p1 $0x0  }
0x14: {  	s2 =	sld [smem:$0x3F9D];
	s0 =	simm.s32 @p1 $0x1  }
0x15: {  	[smem:$0x3FBA] =	sst s0;
	s0 =	simm.s32 @!p2 $0x0  }
0x16: {  	s3 =	sld [smem:$0x3FDB];
	s0 =	simm.s32 @p2 $0x1  }
0x17: {  	s4 =	simm.s32 $0x1BF5;
	[smem:$0x3FBC] =	sst s0  }
0x18: {  	s0 =	sld [smem:$0x3F9F];
	_ =	swait.ge [sflag:s4], $0x0  }
0x19: {  	s7 =	sld [smem:$0x3FA0]  }
0x1a: {  	s8 =	sadd.s32 $0xFFFFE003, lr  }
0x1b: {  	s9 =	sadd.s32 $0xFFFFFEF7, lr;
	s5 =	simm.s32 $0xFFFFFFFF;
	p2 =	slt.u32 s8, $0xFFFFF086  }
0x1c: {  	p1 =	slt.u32 s9, $0xF7A;
	s5 =	simm.s32 @!p2 $0x0  }
0x1d: {  	s5 =	simm.s32 @p1 $0x1;
	p0 =	seq.s32 s7, s2  }
0x1e: {  	s7 =	smul.u32 @!p0 $0xF7A, s2;
	p2 =	seq.s32 @!p0 s5, $0x0  }
0x1f: {  	s9 =	smul.u32 $0xF7A, s1;
	s8 =	simm.s32 @!p0 $0x1BF5;
	p2 =	por !p2, p0  }
0x20: {  	[sflag:s8] =	ssyncset.s32 @!p0 $0xFFFFF086;
	s6 =	sadd.s32 @!p0 s3, s7;
	s7 =	simm.s32 @!p0 $0x108  }
0x21: {  	s3 =	sadd.s32 s3, s9;
	s6 =	sadd.s32 @!p0 $0x88, s6;
	s7 =	simm.s32 @p2 $0x1082  }
0x22: {  	[simem:s7], [sflag:s8] =	dma.local @!p0 [hbm:s6], $0xF7A  }
0x23: {  	s9 =	sor.u32 $0xD0000000, s2;
	s6 =	simm.s32 $0x108;
	_ =	swait.ge @!p0 [sflag:s8], $0x0  }
0x24: {  	s3 =	sadd.s32 $0x88, s3;
	s6 =	simm.s32 @!p1 $0x1082;
	[sflag:s4] =	ssyncset.s32 $0xFFFFF086  }
0x25: {  	[simem:s6], [sflag:s4] =	dma.local [hbm:s3], $0xF7A  }
0x26: {  	[smem:$0x3FA0] =	sst s1;
	(tag) =	ssettag s2;
	_ =	strace s9  }
0x27: {  	s1 =	sld [smem:$0x3FB0]  }
0x28: {  	s2 =	sld [smem:$0x3FB1]  }
0x29: {  	s4 =	sld [smem:$0x3FB3]  }
0x2a: {  	p0 =	seq.s32 s5, $0x0;
	s5 =	sld [smem:$0x3FB4]  }
0x2b: {  	s6 =	sld [smem:$0x3FB5]  }
0x2c: {  	s7 =	sld [smem:$0x3FB6]  }
0x2d: {  	s3 =	simm.s32 $0x108;
	s8 =	sld [smem:$0x3FB7]  }
0x2e: {  	s3 =	simm.s32 @!p0 $0x1082;
	s9 =	sld [smem:$0x3FB8]  }
0x2f: {  	lr =	sadd.s32 s0, s3;
	s0 =	sld [smem:$0x3FAF]  }
0x30: {  	s3 =	sld [smem:$0x3FB2]  }
0x31: {  	[smem:$0x3FBB] =	sst s10  }
0x32: {  	s10 =	sld [smem:$0x3FB9];
	_ =	sdelay $0x3  }
0x33: {  	p0 =	seq.s32 s10, $0x1;
	s10 =	sld [smem:$0x3FBB];
	_ =	sdelay $0x3  }
0x34: {  	[smem:$0x3FBB] =	sst s10  }
0x35: {  	s10 =	sld [smem:$0x3FBA];
	_ =	sdelay $0x3  }
0x36: {  	p1 =	seq.s32 s10, $0x1;
	s10 =	sld [smem:$0x3FBB];
	_ =	sdelay $0x3  }
0x37: {  	[smem:$0x3FBB] =	sst s10  }
0x38: {  	s10 =	sld [smem:$0x3FBC]  }
0x39: {  	_ = 	snop;
	(pc) =	sbr.ind lr, $3  }
0x3a: {  	_ = 	snop  }
0x3b: {  	_ = 	snop  }
0x3c: {  	p2 =	seq.s32 s10, $0x1;
	s10 =	sld [smem:$0x3FBB]  }
0x3d: {  	_ =	shalt  }
0x3e: {  	_ =	shalt  }
0x3f: {  	_ =	shalt  }
0x40: {  	_ =	shalt  }
0x41: {  	_ =	shalt  }
0x42: {  	_ =	shalt  }
0x43: {  	_ =	shalt  }
0x44: {  	_ =	shalt  }
0x45: {  	_ =	shalt  }
0x46: {  	_ =	shalt  }
0x47: {  	_ =	shalt  }
0x48: {  	_ =	shalt  }
0x49: {  	_ =	shalt  }
0x4a: {  	_ =	shalt  }
0x4b: {  	_ =	shalt  }
0x4c: {  	_ =	shalt  }
0x4d: {  	_ =	shalt  }
0x4e: {  	_ =	shalt  }
0x4f: {  	_ =	shalt  }
0x50: {  	_ =	shalt  }
0x51: {  	_ =	shalt  }
0x52: {  	_ =	shalt  }
0x53: {  	_ =	shalt  }
0x54: {  	_ =	shalt  }
0x55: {  	_ =	shalt  }
0x56: {  	_ =	shalt  }
0x57: {  	_ =	shalt  }
0x58: {  	_ =	shalt  }
0x59: {  	_ =	shalt  }
0x5a: {  	_ =	shalt  }
0x5b: {  	_ =	shalt  }
0x5c: {  	_ =	shalt  }
0x5d: {  	_ =	shalt  }
0x5e: {  	_ =	shalt  }
0x5f: {  	_ =	shalt  }
0x60: {  	_ =	shalt  }
0x61: {  	_ =	shalt  }
0x62: {  	_ =	shalt  }
0x63: {  	_ =	shalt  }
0x64: {  	_ =	shalt  }
0x65: {  	_ =	shalt  }
0x66: {  	_ =	shalt  }
0x67: {  	_ =	shalt  }
0x68: {  	_ =	shalt  }
0x69: {  	_ =	shalt  }
0x6a: {  	_ =	shalt  }
0x6b: {  	_ =	shalt  }
0x6c: {  	_ =	shalt  }
0x6d: {  	_ =	shalt  }
0x6e: {  	_ =	shalt  }
0x6f: {  	_ =	shalt  }
0x70: {  	_ =	shalt  }
0x71: {  	_ =	shalt  }
0x72: {  	_ =	shalt  }
0x73: {  	_ =	shalt  }
0x74: {  	_ =	shalt  }
0x75: {  	_ =	shalt  }
0x76: {  	_ =	shalt  }
0x77: {  	_ =	shalt  }
0x78: {  	_ =	shalt  }
0x79: {  	_ =	shalt  }
0x7a: {  	_ =	shalt  }
0x7b: {  	_ =	shalt  }
0x7c: {  	_ =	shalt  }
0x7d: {  	_ =	shalt  }
0x7e: {  	_ =	shalt  }
0x7f: {  	_ =	shalt  }
0x80: {  	_ =	shalt  }
0x81: {  	_ =	shalt  }
0x82: {  	_ =	shalt  }
0x83: {  	_ =	shalt  }
0x84: {  	_ =	shalt  }
0x85: {  	_ =	shalt  }
0x86: {  	_ =	shalt  }
0x87: {  	_ =	shalt  }
.Lfunc_end0:
.L_simem_size_0:
called_computation_lowered:
.L_overlay_start_0:
0x88: {  	s2 =	sld [smem:$0x3FD9]  }
0x89: {  	s3 =	sld [smem:$0x3FFE];
	_ =	sdelay $0x1  }
0x8a: {  	s1 =	srdreg.scid  }
0x8b: {  	s0 =	sand.u32 $0x1, s1  }
0x8c: {  	s16 =	sshll.u32 s0, $0xA;
	s2 =	sadd.s32 s3, s2  }
0x8d: {  	s2 =	sadd.s32 s2, s16  }
0x8e: {  	[smem:$0x3FC7] =	sst s2  }
0x8f: {  	_ = 	snop  }
0x90: {  	(tm) =	ssettm $0x1  }
0x91: {  	s17 =	sld [smem:$0x3FFB];
	_ =	sdelay $0x3  }
0x92: {  	_ =	strace s17  }
0x93: {  	s2 =	sld [smem:$0x3FFC];
	_ =	sdelay $0x3  }
0x94: {  	_ =	strace s2  }
0x95: {  	s2 =	sld [smem:$0x3FFD];
	_ =	sdelay $0x3  }
0x96: {  	_ =	strace s2  }
0x97: {  	_ =	strace $0x8FFFFFFF  }
0x98: {  	s18 =	sld [smem:$0x3FDB];
	_ =	sdelay $0x1  }
0x99: {  	s19 =	simm.s32 $_scs_section_size  }
0x9a: {  	s4 =	simm.s32 $_size__tile_overlayer_lowered;
	s5 =	simm.s32 $_tile_overlayer_lowered  }
0x9b: {  	s22 =	simm.s32 $0x1BFF;
	s21 =	sshll.u32 s5, $0x1;
	s2 =	sadd.s32 s19, s18  }
0x9c: {  	s6 =	simm.s32 $0x0;
	s20 =	sshll.u32 s4, $0x1;
	s4 =	sadd.s32 s21, s2  }
0x9d: {  	[timem:s6], [sflag:s22] =	dma.local [hbm:s4], s20  }
0x9e: {  	_ =	swait.ge [sflag:s22], s20  }
0x9f: {  	s3 =	ssub.s32 $0x0, s20;
	[sflag:s22] =	ssyncset.done $0x0  }
0xa0: {  	[sflag:s22] =	ssyncadd.s32 s3;
	_ =	sdelay $0x1  }
0xa1: {  	s23 =	simm.s32 $0x1B8B  }
0xa2: {  	_ =	swait.ge [sflag:s23], $0x1  }
0xa3: {  	[sflag:s23] =	ssyncset.done $0x0  }
0xa4: {  	s25 =	simm.s32 $0x1B8E;
	s24 =	sld [smem:$0x3FFE];
	[sflag:s23] =	ssyncadd.s32 $0xFFFFFFFF  }
0xa5: {  	s26 =	simm.s32 $execute0_lowered;
	[smem:$0x3FD2] =	sst s25  }
0xa6: {  	s4 =	sshll.u32 s26, $0x1;
	_ =	strace $0x80000046;
	[dreg:$0x1] =	wrdreg $0xFFFFFFFF  }
0xa7: {  	s28 =	simm.s32 $_size_execute0_lowered;
	s2 =	sadd.s32 s2, s4;
	[dreg:$0x0] =	wrdreg $0x0  }
0xa8: {  	s4 =	sshll.u32 s28, $0x1;
	[dreg:$0x2] =	wrdreg s2  }
0xa9: {  	[dreg:$0x3] =	wrdreg s4  }
0xaa: {  	[dreg:$0x4] =	wrdreg $0xC0  }
0xab: {  	_ =	task [dreg:s6], $0x5FFFF  }
0xac: {  	[dreg:$0x1] =	wrdreg $0xFFFFFFFF  }
0xad: {  	[dreg:$0x0] =	wrdreg $0x60  }
0xae: {  	[dreg:$0x2] =	wrdreg s24  }
0xaf: {  	[dreg:$0x3] =	wrdreg $0x9  }
0xb0: {  	_ =	task.clear_ibuf [dreg:s6], $0x4FFFF;
	_ =	strace $0x90000046  }
0xb1: {  	s29 =	simm.s32 $0x9;
	_ =	strace $0x80000048  }
0xb2: {  	_ =	swait.ge [sflag:s29], $0x1  }
0xb3: {  	[sflag:s29] =	ssyncadd.s32 $0xFFFFFFFF  }
0xb4: {  	_ =	strace $0x90000048  }
0xb5: {  	_ =	sfence  }
0xb6: {  	s30 =	sld [smem:$0x0];
	_ =	sdelay $0x2  }
0xb7: {  	s31 =	sshll.u32 s1, $0xD;
	s1 =	sshrl.u32 s1, $0x2  }
0xb8: {  	s3 =	sand.u32 $0x4000, s31;
	s1 =	sadd.s32 s1, s30  }
0xb9: {  	s0 =	sor.u32 s3, s0;
	s1 =	sshll.u32 s1, $0x11  }
0xba: {  	s0 =	sor.u32 s1, s0  }
0xbb: {  	s0 =	sadd.s32 $0x8F2B, s0  }
0xbc: {  	[sflag:s0] =	ssyncadd.remote.s32 $0x1  }
0xbd: {  	_ =	sfence.sel $0xFFFF  }
0xbe: {  	[dreg:$0x0] =	wrdreg $0xFFFFFFFF;
	(pc) =	sbr.abs _section_cstart, $3  }
0xbf: {  	[dreg:$0x1] =	wrdreg $0xFFFFFFFF  }
0xc0: {  	_ =	task.clear_ibuf [dreg:s6], $0x2FFFF;
	_ =	strace $0x9FFFFFFF  }
0xc1: {  	(tm) =	ssettm $0x7FFFFFFF  }
tec
execute0_lowered:
.L_overlay_start_1:
0x0: {  	(tag) =	ssettag $0x1  }
0x1: {  	s4 =	rddreg [dreg:$0x0]  }
0x2: {  	s0 =	rddreg [dreg:$0x1];
	s1 =	simm.s32 $0x0;
	s2 =	srdreg.scid  }
0x3: {  	s9 =	simm.s32 $0x9000;
	s10 =	simm.s32 $0x1;
	s11 =	simm.s32 $0x12000  }
0x4: {  	s12 =	simm.s32 $0x2;
	s13 =	simm.s32 $0x3;
	s14 =	simm.s32 $0x0  }
.Ltmp0:
0x5: {  	[smem:$0x7FF] =	sst s1;
	s5 =	sand.u32 $0x1, s2;
	(pc) =	sbr.rel .LBB2_1-.Ltmp0, $4  }
0x6: {  	s2 =	stileid.u32;
	s3 =	sadd.s32 $0x400, s4;
	s6 =	ssub.s32 $0x2, s5  }
0x7: {  	s4 =	sadd.s32 $0x510400, s4;
	s8 =	sshll.u32 s2, $0x1;
	s7 =	sshrl.u32 s6, $0x1  }
0x8: {  	v1 =	vlaneseq.u32;
	_ =	strace $0x80000047;
	s5 =	sor.u32 s5, s8;
	s6 =	ssub.s32 s6, s7  }
0x9: {  	v0 =	vmul.u32 $0x600, v1;
	v1 =	vmul.u32 $0xC00, v1;
	s8 =	simm.s32 $0xC00;
	s7 =	simm.s32 $0x80;
	s6 =	smax.u32 s6, $0x1  }
.LBB2_45:
0xa: {  	s14 =	sadd.s32 $0x1, s14  }
0xb: {  	p0 =	sne.s32 s14, s6  }
.Ltmp1:
0xc: {  	_ = 	snop;
	(pc) =	sbr.rel @!p0 .LBB2_46-.Ltmp1, $1  }
0xd: {  	_ =	sdelay $0x3  }
.LBB2_1:
.Ltmp2:
0xe: {  	(pc) =	sbr.rel .LBB2_2-.Ltmp2, $2  }
0xf: {  	_ =	sdelay $0x2  }
0x10: {  	s15 =	smov.u32 s5;
	s16 =	smov.u32 s5;
	s17 =	simm.s32 $0x0  }
.LBB2_16:
0x11: {  	s17 =	sadd.s32 $0x1, s17  }
0x12: {  	p0 =	sne.s32 s17, $0xC  }
.Ltmp3:
0x13: {  	_ = 	snop;
	(pc) =	sbr.rel @!p0 .LBB2_17-.Ltmp3, $2  }
0x14: {  	_ =	sdelay $0x2  }
0x15: {  	s16 =	sadd.s32 $0x20, s16;
	s15 =	sadd.s32 $0x20, s15  }
.LBB2_2:
0x16: {  	s18 =	sshll.u32 s17, $0x5  }
0x17: {  	s19 =	sor.u32 s5, s18  }
0x18: {  	p0 =	sgt.u32 s19, $0x167  }
.Ltmp4:
0x19: {  	_ = 	snop;
	(pc) =	sbr.rel @p0 .LBB2_16-.Ltmp4, $1  }
0x1a: {  	_ =	sdelay $0x3  }
0x1b: {  	s18 =	smul.u32 $0x2D83, s19  }
0x1c: {  	s20 =	sand.u32 $0xFFFF, s15  }
0x1d: {  	s20 =	smul.u32 $0x2D83, s20;
	s18 =	sshrl.u32 s18, $0x13  }
0x1e: {  	s21 =	smul.u32 $0x2D, s18  }
0x1f: {  	s20 =	sshrl.u32 s20, $0x13  }
0x20: {  	s20 =	smul.u32 $0x2D, s20;
	s21 =	ssub.s32 s19, s21  }
0x21: {  	s19 =	sand.u32 $0xFFFF, s21  }
0x22: {  	s22 =	ssub.s32 s16, s20;
	s19 =	smul.u32 $0x34, s19  }
0x23: {  	s23 =	smul.u32 $0x510000, s18;
	s22 =	sand.u32 $0xFF, s22  }
0x24: {  	s22 =	smul.u32 $0xCD, s22;
	s24 =	sand.u32 $0xF00, s19  }
0x25: {  	s24 =	sor.u32 s23, s24  }
0x26: {  	s22 =	sshrl.u32 s22, $0xA;
	s25 =	sshrl.u32 s24, $0x3;
	s24 =	sand.u32 $0xC00, s19  }
0x27: {  	s22 =	smul.u32 $0x5, s22;
	s26 =	sadd.s32 s3, s25;
	s25 =	simm.s32 $0x0  }
0x28: {  	[tilespmem:s25], [sflag:$0x1] =	stream.strided.gather [hbm4b:s26+s7], $0x9000, s8, s7, $0x38;
	[tilespmem:$0x1E000] =	vst v63  }
0x29: {  	s28 =	sor.u32 s24, s23;
	s26 =	sand.u32 $0x300, s19  }
0x2a: {  	s22 =	ssub.s32 s16, s22;
	s28 =	sor.u32 s26, s28  }
0x2b: {  	s20 =	ssub.s32 s22, s20;
	s28 =	sadd.s32 $0xD8000, s28  }
0x2c: {  	s19 =	sshrl.u32 s19, $0x8;
	s20 =	sand.u32 $0xFF, s20;
	s30 =	sshrl.u32 s28, $0x3  }
0x2d: {  	s28 =	smul.u32 $0x5, s19;
	s31 =	sshll.u32 s20, $0x4;
	s22 =	sadd.s32 s3, s30  }
0x2e: {  	[tilespmem:s9], [sflag:$0x2] =	stream.strided.gather [hbm4b:s22+s7], $0x9000, s8, s7, $0x38;
	[tilespmem:$0x1E000] =	vst v63  }
0x2f: {  	s20 =	sadd.s32 $0x300, s31;
	_ =	swait.ge [sflag:s10], $0x9000  }
0x30: {  	s21 =	ssub.s32 s21, s28;
	s22 =	sadd.s32 $0x9300, s31;
	[sflag:s10] =	ssyncset.done $0x0  }
0x31: {  	s28 =	smov.u32 s20;
	s21 =	sand.u32 $0xFF, s21;
	[sflag:s10] =	ssyncadd.s32 $0xFFFF7000  }
.LBB2_4:
0x32: {  	v2 =	vmov s25  }
0x33: {  	v3 =	vimm.s32 $0x0;
	v2 =	vshll.u32 v2, $0x7  }
0x34: {  	v4 =	vand.u32 $0xFFFFFF80, v3;
	v2 =	vor.u32 v0, v2  }
0x35: {  	v5 =	vand.u32 $0x7C, v3;
	v4 =	vadd.s32 v2, v4  }
0x36: {  	v6 =	vld [tilespmem:s28+$0xFFFFFD00];
	v4 =	vor.u32 v5, v4;
	_ =	sdelay $0x4  }
0x37: {  	[tilespmem:v4+s11+$0x0] =	vst.idx.msk $0xffff, v6  }
0x38: {  	v6 =	vor.u32 $0x1, v4;
	v5 =	vld [tilespmem:s28+$0xFFFFFD80];
	_ =	sdelay $0x4  }
0x39: {  	[tilespmem:v6+s11+$0x0] =	vst.idx.msk $0xffff, v5  }
0x3a: {  	v6 =	vor.u32 $0x2, v4;
	v5 =	vld [tilespmem:s28+$0xFFFFFE00];
	_ =	sdelay $0x4  }
0x3b: {  	[tilespmem:v6+s11+$0x0] =	vst.idx.msk $0xffff, v5  }
0x3c: {  	v4 =	vor.u32 $0x3, v4;
	v5 =	vld [tilespmem:s28+$0xFFFFFE80];
	_ =	sdelay $0x2  }
0x3d: {  	v6 =	vadd.s32 $0x4, v3  }
0x3e: {  	v7 =	vand.u32 $0xFFFFFF80, v6  }
0x3f: {  	[tilespmem:v4+s11+$0x0] =	vst.idx.msk $0xffff, v5;
	v4 =	vand.u32 $0x7C, v6;
	v5 =	vadd.s32 v2, v7  }
0x40: {  	v6 =	vld [tilespmem:s28+$0xFFFFFF00];
	v4 =	vor.u32 v4, v5;
	_ =	sdelay $0x2  }
0x41: {  	v5 =	vadd.s32 $0x5, v3  }
0x42: {  	v7 =	vand.u32 $0xFFFFFF80, v5  }
0x43: {  	[tilespmem:v4+s11+$0x0] =	vst.idx.msk $0xffff, v6;
	v4 =	vand.u32 $0x7D, v5;
	v5 =	vadd.s32 v2, v7  }
0x44: {  	v6 =	vld [tilespmem:s28+$0xFFFFFF80];
	v4 =	vor.u32 v4, v5;
	_ =	sdelay $0x2  }
0x45: {  	v5 =	vadd.s32 $0x6, v3  }
0x46: {  	v7 =	vand.u32 $0xFFFFFF80, v5  }
0x47: {  	[tilespmem:v4+s11+$0x0] =	vst.idx.msk $0xffff, v6;
	v4 =	vand.u32 $0x7E, v5;
	v5 =	vadd.s32 v2, v7  }
0x48: {  	v6 =	vld [tilespmem:s28+$0x0];
	v4 =	vor.u32 v4, v5;
	_ =	sdelay $0x2  }
0x49: {  	v5 =	vadd.s32 $0x7, v3  }
0x4a: {  	v7 =	vand.u32 $0xFFFFFF80, v5  }
0x4b: {  	[tilespmem:v4+s11+$0x0] =	vst.idx.msk $0xffff, v6;
	v4 =	vand.u32 $0x7F, v5;
	v5 =	vadd.s32 v2, v7  }
0x4c: {  	v6 =	vld [tilespmem:s28+$0x80];
	v4 =	vor.u32 v4, v5;
	_ =	sdelay $0x2  }
0x4d: {  	v5 =	vadd.s32 $0x8, v3  }
0x4e: {  	v7 =	vand.u32 $0xFFFFFF80, v5  }
0x4f: {  	[tilespmem:v4+s11+$0x0] =	vst.idx.msk $0xffff, v6;
	v4 =	vand.u32 $0x7C, v5;
	v5 =	vadd.s32 v2, v7  }
0x50: {  	v6 =	vld [tilespmem:s28+$0x100];
	v4 =	vor.u32 v4, v5;
	_ =	sdelay $0x2  }
0x51: {  	v5 =	vadd.s32 $0x9, v3  }
0x52: {  	v7 =	vand.u32 $0xFFFFFF80, v5  }
0x53: {  	[tilespmem:v4+s11+$0x0] =	vst.idx.msk $0xffff, v6;
	v4 =	vand.u32 $0x7D, v5;
	v5 =	vadd.s32 v2, v7  }
0x54: {  	v6 =	vld [tilespmem:s28+$0x180];
	v4 =	vor.u32 v4, v5;
	_ =	sdelay $0x2  }
0x55: {  	v5 =	vadd.s32 $0xA, v3  }
0x56: {  	v7 =	vand.u32 $0xFFFFFF80, v5  }
0x57: {  	[tilespmem:v4+s11+$0x0] =	vst.idx.msk $0xffff, v6;
	v4 =	vand.u32 $0x7E, v5;
	v5 =	vadd.s32 v2, v7  }
0x58: {  	v6 =	vld [tilespmem:s28+$0x200];
	v4 =	vor.u32 v4, v5;
	_ =	sdelay $0x2  }
0x59: {  	v5 =	vadd.s32 $0xB, v3  }
0x5a: {  	v7 =	vand.u32 $0xFFFFFF80, v5  }
0x5b: {  	v5 =	vand.u32 $0x7F, v5;
	[tilespmem:v4+s11+$0x0] =	vst.idx.msk $0xffff, v6;
	v6 =	vadd.s32 v2, v7  }
0x5c: {  	v4 =	vld [tilespmem:s28+$0x280];
	v5 =	vor.u32 v5, v6;
	_ =	sdelay $0x2  }
0x5d: {  	s29 =	simm.s32 $0x0;
	s30 =	smov.u32 s28;
	v3 =	vadd.s32 $0xC, v3  }
.LBB2_5:
0x5e: {  	v6 =	vand.u32 $0xFFFFFF80, v3;
	s29 =	sadd.s32 $0xC, s29  }
0x5f: {  	v7 =	vand.u32 $0x7C, v3;
	s30 =	sadd.s32 $0x600, s30;
	v6 =	vadd.s32 v2, v6;
	p0 =	slt.u32 s29, $0x3C;
	[tilespmem:v5+s11+$0x0] =	vst.idx.msk $0xffff, v4  }
0x60: {  	v4 =	vld [tilespmem:s30+$0xFFFFFD00];
	v5 =	vor.u32 v7, v6;
	_ =	sdelay $0x4  }
0x61: {  	[tilespmem:v5+s11+$0x0] =	vst.idx.msk $0xffff, v4  }
0x62: {  	v6 =	vor.u32 $0x1, v5;
	v4 =	vld [tilespmem:s30+$0xFFFFFD80];
	_ =	sdelay $0x4  }
0x63: {  	[tilespmem:v6+s11+$0x0] =	vst.idx.msk $0xffff, v4  }
0x64: {  	v6 =	vor.u32 $0x2, v5;
	v4 =	vld [tilespmem:s30+$0xFFFFFE00];
	_ =	sdelay $0x4  }
0x65: {  	[tilespmem:v6+s11+$0x0] =	vst.idx.msk $0xffff, v4  }
0x66: {  	v5 =	vor.u32 $0x3, v5;
	v4 =	vld [tilespmem:s30+$0xFFFFFE80];
	_ =	sdelay $0x2  }
0x67: {  	v6 =	vadd.s32 $0x4, v3  }
0x68: {  	v7 =	vand.u32 $0xFFFFFF80, v6  }
0x69: {  	[tilespmem:v5+s11+$0x0] =	vst.idx.msk $0xffff, v4;
	v4 =	vand.u32 $0x7C, v6;
	v5 =	vadd.s32 v2, v7  }
0x6a: {  	v6 =	vld [tilespmem:s30+$0xFFFFFF00];
	v4 =	vor.u32 v4, v5;
	_ =	sdelay $0x2  }
0x6b: {  	v5 =	vadd.s32 $0x5, v3  }
0x6c: {  	v7 =	vand.u32 $0xFFFFFF80, v5  }
0x6d: {  	[tilespmem:v4+s11+$0x0] =	vst.idx.msk $0xffff, v6;
	v4 =	vand.u32 $0x7D, v5;
	v5 =	vadd.s32 v2, v7  }
0x6e: {  	v6 =	vld [tilespmem:s30+$0xFFFFFF80];
	v4 =	vor.u32 v4, v5;
	_ =	sdelay $0x2  }
0x6f: {  	v5 =	vadd.s32 $0x6, v3  }
0x70: {  	v7 =	vand.u32 $0xFFFFFF80, v5  }
0x71: {  	[tilespmem:v4+s11+$0x0] =	vst.idx.msk $0xffff, v6;
	v4 =	vand.u32 $0x7E, v5;
	v5 =	vadd.s32 v2, v7  }
0x72: {  	v6 =	vld [tilespmem:s30+$0x0];
	v4 =	vor.u32 v4, v5;
	_ =	sdelay $0x2  }
0x73: {  	v5 =	vadd.s32 $0x7, v3  }
0x74: {  	v7 =	vand.u32 $0xFFFFFF80, v5  }
0x75: {  	[tilespmem:v4+s11+$0x0] =	vst.idx.msk $0xffff, v6;
	v4 =	vand.u32 $0x7F, v5;
	v5 =	vadd.s32 v2, v7  }
0x76: {  	v6 =	vld [tilespmem:s30+$0x80];
	v4 =	vor.u32 v4, v5;
	_ =	sdelay $0x2  }
0x77: {  	v5 =	vadd.s32 $0x8, v3  }
0x78: {  	v7 =	vand.u32 $0xFFFFFF80, v5  }
0x79: {  	[tilespmem:v4+s11+$0x0] =	vst.idx.msk $0xffff, v6;
	v4 =	vand.u32 $0x7C, v5;
	v5 =	vadd.s32 v2, v7  }
0x7a: {  	v6 =	vld [tilespmem:s30+$0x100];
	v4 =	vor.u32 v4, v5;
	_ =	sdelay $0x2  }
0x7b: {  	v5 =	vadd.s32 $0x9, v3  }
0x7c: {  	v7 =	vand.u32 $0xFFFFFF80, v5  }
0x7d: {  	[tilespmem:v4+s11+$0x0] =	vst.idx.msk $0xffff, v6;
	v4 =	vand.u32 $0x7D, v5;
	v5 =	vadd.s32 v2, v7  }
0x7e: {  	v6 =	vld [tilespmem:s30+$0x180];
	v4 =	vor.u32 v4, v5;
	_ =	sdelay $0x2  }
0x7f: {  	v5 =	vadd.s32 $0xA, v3  }
0x80: {  	v7 =	vand.u32 $0xFFFFFF80, v5  }
0x81: {  	[tilespmem:v4+s11+$0x0] =	vst.idx.msk $0xffff, v6;
	v4 =	vand.u32 $0x7E, v5;
	v5 =	vadd.s32 v2, v7  }
0x82: {  	v6 =	vld [tilespmem:s30+$0x200];
	v4 =	vor.u32 v4, v5;
	_ =	sdelay $0x2  }
0x83: {  	v5 =	vadd.s32 $0xB, v3  }
0x84: {  	v7 =	vand.u32 $0xFFFFFF80, v5  }
.Ltmp5:
0x85: {  	v5 =	vand.u32 $0x7F, v5;
	[tilespmem:v4+s11+$0x0] =	vst.idx.msk $0xffff, v6;
	v6 =	vadd.s32 v2, v7;
	(pc) =	sbr.rel @p0 .LBB2_5-.Ltmp5, $2  }
0x86: {  	v4 =	vld [tilespmem:s30+$0x280];
	v5 =	vor.u32 v5, v6;
	_ =	sdelay $0x2  }
0x87: {  	v3 =	vadd.s32 $0xC, v3  }
0x88: {  	s25 =	sadd.s32 $0x1, s25  }
0x89: {  	p0 =	sne.s32 s25, $0x4  }
.Ltmp6:
0x8a: {  	_ = 	snop;
	(pc) =	sbr.rel @p0 .LBB2_4-.Ltmp6, $2  }
0x8b: {  	_ =	sdelay $0x2  }
0x8c: {  	s28 =	sadd.s32 $0x2400, s28;
	[tilespmem:v5+s11+$0x0] =	vst.idx.msk $0xffff, v4  }
0x8d: {  	s23 =	sadd.s32 s24, s23  }
0x8e: {  	s23 =	sadd.s32 s26, s23  }
0x8f: {  	s23 =	sadd.s32 $0x1B0000, s23  }
0x90: {  	s23 =	sshrl.u32 s23, $0x3  }
0x91: {  	s31 =	sadd.s32 s3, s23;
	s23 =	simm.s32 $0x0  }
0x92: {  	[tilespmem:s23], [sflag:$0x1] =	stream.strided.gather [hbm4b:s31+s7], $0x9000, s8, s7, $0x38;
	[tilespmem:$0x1E000] =	vst v63  }
0x93: {  	_ =	swait.ge [sflag:s12], $0x9000  }
0x94: {  	[sflag:s12] =	ssyncset.done $0x0  }
0x95: {  	[sflag:s12] =	ssyncadd.s32 $0xFFFF7000  }
.LBB2_8:
0x96: {  	s24 =	sor.u32 $0x4, s23  }
0x97: {  	v2 =	vmov s24  }
0x98: {  	v3 =	vimm.s32 $0x0;
	v2 =	vshll.u32 v2, $0x7  }
0x99: {  	v4 =	vand.u32 $0xFFFFFF80, v3;
	v2 =	vadd.s32 v0, v2  }
0x9a: {  	v5 =	vand.u32 $0x7C, v3;
	v4 =	vadd.s32 v2, v4  }
0x9b: {  	v6 =	vld [tilespmem:s22+$0xFFFFFD00];
	v4 =	vor.u32 v5, v4;
	_ =	sdelay $0x4  }
0x9c: {  	[tilespmem:v4+s11+$0x0] =	vst.idx.msk $0xffff, v6  }
0x9d: {  	v6 =	vor.u32 $0x1, v4;
	v5 =	vld [tilespmem:s22+$0xFFFFFD80];
	_ =	sdelay $0x4  }
0x9e: {  	[tilespmem:v6+s11+$0x0] =	vst.idx.msk $0xffff, v5  }
0x9f: {  	v6 =	vor.u32 $0x2, v4;
	v5 =	vld [tilespmem:s22+$0xFFFFFE00];
	_ =	sdelay $0x4  }
0xa0: {  	[tilespmem:v6+s11+$0x0] =	vst.idx.msk $0xffff, v5  }
0xa1: {  	v4 =	vor.u32 $0x3, v4;
	v5 =	vld [tilespmem:s22+$0xFFFFFE80];
	_ =	sdelay $0x2  }
0xa2: {  	v6 =	vadd.s32 $0x4, v3  }
0xa3: {  	v7 =	vand.u32 $0xFFFFFF80, v6  }
0xa4: {  	[tilespmem:v4+s11+$0x0] =	vst.idx.msk $0xffff, v5;
	v4 =	vand.u32 $0x7C, v6;
	v5 =	vadd.s32 v2, v7  }
0xa5: {  	v6 =	vld [tilespmem:s22+$0xFFFFFF00];
	v4 =	vor.u32 v4, v5;
	_ =	sdelay $0x2  }
0xa6: {  	v5 =	vadd.s32 $0x5, v3  }
0xa7: {  	v7 =	vand.u32 $0xFFFFFF80, v5  }
0xa8: {  	[tilespmem:v4+s11+$0x0] =	vst.idx.msk $0xffff, v6;
	v4 =	vand.u32 $0x7D, v5;
	v5 =	vadd.s32 v2, v7  }
0xa9: {  	v6 =	vld [tilespmem:s22+$0xFFFFFF80];
	v4 =	vor.u32 v4, v5;
	_ =	sdelay $0x2  }
0xaa: {  	v5 =	vadd.s32 $0x6, v3  }
0xab: {  	v7 =	vand.u32 $0xFFFFFF80, v5  }
0xac: {  	[tilespmem:v4+s11+$0x0] =	vst.idx.msk $0xffff, v6;
	v4 =	vand.u32 $0x7E, v5;
	v5 =	vadd.s32 v2, v7  }
0xad: {  	v6 =	vld [tilespmem:s22+$0x0];
	v4 =	vor.u32 v4, v5;
	_ =	sdelay $0x2  }
0xae: {  	v5 =	vadd.s32 $0x7, v3  }
0xaf: {  	v7 =	vand.u32 $0xFFFFFF80, v5  }
0xb0: {  	[tilespmem:v4+s11+$0x0] =	vst.idx.msk $0xffff, v6;
	v4 =	vand.u32 $0x7F, v5;
	v5 =	vadd.s32 v2, v7  }
0xb1: {  	v6 =	vld [tilespmem:s22+$0x80];
	v4 =	vor.u32 v4, v5;
	_ =	sdelay $0x2  }
0xb2: {  	v5 =	vadd.s32 $0x8, v3  }
0xb3: {  	v7 =	vand.u32 $0xFFFFFF80, v5  }
0xb4: {  	[tilespmem:v4+s11+$0x0] =	vst.idx.msk $0xffff, v6;
	v4 =	vand.u32 $0x7C, v5;
	v5 =	vadd.s32 v2, v7  }
0xb5: {  	v6 =	vld [tilespmem:s22+$0x100];
	v4 =	vor.u32 v4, v5;
	_ =	sdelay $0x2  }
0xb6: {  	v5 =	vadd.s32 $0x9, v3  }
0xb7: {  	v7 =	vand.u32 $0xFFFFFF80, v5  }
0xb8: {  	[tilespmem:v4+s11+$0x0] =	vst.idx.msk $0xffff, v6;
	v4 =	vand.u32 $0x7D, v5;
	v5 =	vadd.s32 v2, v7  }
0xb9: {  	v6 =	vld [tilespmem:s22+$0x180];
	v4 =	vor.u32 v4, v5;
	_ =	sdelay $0x2  }
0xba: {  	v5 =	vadd.s32 $0xA, v3  }
0xbb: {  	v7 =	vand.u32 $0xFFFFFF80, v5  }
0xbc: {  	[tilespmem:v4+s11+$0x0] =	vst.idx.msk $0xffff, v6;
	v4 =	vand.u32 $0x7E, v5;
	v5 =	vadd.s32 v2, v7  }
0xbd: {  	v6 =	vld [tilespmem:s22+$0x200];
	v4 =	vor.u32 v4, v5;
	_ =	sdelay $0x2  }
0xbe: {  	v5 =	vadd.s32 $0xB, v3  }
0xbf: {  	v7 =	vand.u32 $0xFFFFFF80, v5  }
0xc0: {  	v5 =	vand.u32 $0x7F, v5;
	[tilespmem:v4+s11+$0x0] =	vst.idx.msk $0xffff, v6;
	v6 =	vadd.s32 v2, v7  }
0xc1: {  	v4 =	vld [tilespmem:s22+$0x280];
	v5 =	vor.u32 v5, v6;
	_ =	sdelay $0x2  }
0xc2: {  	s25 =	smov.u32 s22;
	s24 =	simm.s32 $0x0;
	v3 =	vadd.s32 $0xC, v3  }
.LBB2_9:
0xc3: {  	v6 =	vand.u32 $0xFFFFFF80, v3;
	s24 =	sadd.s32 $0xC, s24  }
0xc4: {  	v7 =	vand.u32 $0x7C, v3;
	s25 =	sadd.s32 $0x600, s25;
	v6 =	vadd.s32 v2, v6;
	p0 =	slt.u32 s24, $0x3C;
	[tilespmem:v5+s11+$0x0] =	vst.idx.msk $0xffff, v4  }
0xc5: {  	v4 =	vld [tilespmem:s25+$0xFFFFFD00];
	v5 =	vor.u32 v7, v6;
	_ =	sdelay $0x4  }
0xc6: {  	[tilespmem:v5+s11+$0x0] =	vst.idx.msk $0xffff, v4  }
0xc7: {  	v6 =	vor.u32 $0x1, v5;
	v4 =	vld [tilespmem:s25+$0xFFFFFD80];
	_ =	sdelay $0x4  }
0xc8: {  	[tilespmem:v6+s11+$0x0] =	vst.idx.msk $0xffff, v4  }
0xc9: {  	v6 =	vor.u32 $0x2, v5;
	v4 =	vld [tilespmem:s25+$0xFFFFFE00];
	_ =	sdelay $0x4  }
0xca: {  	[tilespmem:v6+s11+$0x0] =	vst.idx.msk $0xffff, v4  }
0xcb: {  	v5 =	vor.u32 $0x3, v5;
	v4 =	vld [tilespmem:s25+$0xFFFFFE80];
	_ =	sdelay $0x2  }
0xcc: {  	v6 =	vadd.s32 $0x4, v3  }
0xcd: {  	v7 =	vand.u32 $0xFFFFFF80, v6  }
0xce: {  	[tilespmem:v5+s11+$0x0] =	vst.idx.msk $0xffff, v4;
	v4 =	vand.u32 $0x7C, v6;
	v5 =	vadd.s32 v2, v7  }
0xcf: {  	v6 =	vld [tilespmem:s25+$0xFFFFFF00];
	v4 =	vor.u32 v4, v5;
	_ =	sdelay $0x2  }
0xd0: {  	v5 =	vadd.s32 $0x5, v3  }
0xd1: {  	v7 =	vand.u32 $0xFFFFFF80, v5  }
0xd2: {  	[tilespmem:v4+s11+$0x0] =	vst.idx.msk $0xffff, v6;
	v4 =	vand.u32 $0x7D, v5;
	v5 =	vadd.s32 v2, v7  }
0xd3: {  	v6 =	vld [tilespmem:s25+$0xFFFFFF80];
	v4 =	vor.u32 v4, v5;
	_ =	sdelay $0x2  }
0xd4: {  	v5 =	vadd.s32 $0x6, v3  }
0xd5: {  	v7 =	vand.u32 $0xFFFFFF80, v5  }
0xd6: {  	[tilespmem:v4+s11+$0x0] =	vst.idx.msk $0xffff, v6;
	v4 =	vand.u32 $0x7E, v5;
	v5 =	vadd.s32 v2, v7  }
0xd7: {  	v6 =	vld [tilespmem:s25+$0x0];
	v4 =	vor.u32 v4, v5;
	_ =	sdelay $0x2  }
0xd8: {  	v5 =	vadd.s32 $0x7, v3  }
0xd9: {  	v7 =	vand.u32 $0xFFFFFF80, v5  }
0xda: {  	[tilespmem:v4+s11+$0x0] =	vst.idx.msk $0xffff, v6;
	v4 =	vand.u32 $0x7F, v5;
	v5 =	vadd.s32 v2, v7  }
0xdb: {  	v6 =	vld [tilespmem:s25+$0x80];
	v4 =	vor.u32 v4, v5;
	_ =	sdelay $0x2  }
0xdc: {  	v5 =	vadd.s32 $0x8, v3  }
0xdd: {  	v7 =	vand.u32 $0xFFFFFF80, v5  }
0xde: {  	[tilespmem:v4+s11+$0x0] =	vst.idx.msk $0xffff, v6;
	v4 =	vand.u32 $0x7C, v5;
	v5 =	vadd.s32 v2, v7  }
0xdf: {  	v6 =	vld [tilespmem:s25+$0x100];
	v4 =	vor.u32 v4, v5;
	_ =	sdelay $0x2  }
0xe0: {  	v5 =	vadd.s32 $0x9, v3  }
0xe1: {  	v7 =	vand.u32 $0xFFFFFF80, v5  }
0xe2: {  	[tilespmem:v4+s11+$0x0] =	vst.idx.msk $0xffff, v6;
	v4 =	vand.u32 $0x7D, v5;
	v5 =	vadd.s32 v2, v7  }
0xe3: {  	v6 =	vld [tilespmem:s25+$0x180];
	v4 =	vor.u32 v4, v5;
	_ =	sdelay $0x2  }
0xe4: {  	v5 =	vadd.s32 $0xA, v3  }
0xe5: {  	v7 =	vand.u32 $0xFFFFFF80, v5  }
0xe6: {  	[tilespmem:v4+s11+$0x0] =	vst.idx.msk $0xffff, v6;
	v4 =	vand.u32 $0x7E, v5;
	v5 =	vadd.s32 v2, v7  }
0xe7: {  	v6 =	vld [tilespmem:s25+$0x200];
	v4 =	vor.u32 v4, v5;
	_ =	sdelay $0x2  }
0xe8: {  	v5 =	vadd.s32 $0xB, v3  }
0xe9: {  	v7 =	vand.u32 $0xFFFFFF80, v5  }
.Ltmp7:
0xea: {  	v5 =	vand.u32 $0x7F, v5;
	[tilespmem:v4+s11+$0x0] =	vst.idx.msk $0xffff, v6;
	v6 =	vadd.s32 v2, v7;
	(pc) =	sbr.rel @p0 .LBB2_9-.Ltmp7, $2  }
0xeb: {  	v4 =	vld [tilespmem:s25+$0x280];
	v5 =	vor.u32 v5, v6;
	_ =	sdelay $0x2  }
0xec: {  	v3 =	vadd.s32 $0xC, v3  }
0xed: {  	s23 =	sadd.s32 $0x1, s23  }
0xee: {  	p0 =	sne.s32 s23, $0x4  }
.Ltmp8:
0xef: {  	_ = 	snop;
	(pc) =	sbr.rel @p0 .LBB2_8-.Ltmp8, $2  }
0xf0: {  	_ =	sdelay $0x2  }
0xf1: {  	s22 =	sadd.s32 $0x2400, s22;
	[tilespmem:v5+s11+$0x0] =	vst.idx.msk $0xffff, v4  }
0xf2: {  	_ =	swait.ge [sflag:s10], $0x9000  }
0xf3: {  	[sflag:s10] =	ssyncset.done $0x0  }
0xf4: {  	s22 =	simm.s32 $0x0;
	[sflag:s10] =	ssyncadd.s32 $0xFFFF7000  }
.LBB2_12:
0xf5: {  	s23 =	sor.u32 $0x8, s22  }
0xf6: {  	v2 =	vmov s23  }
0xf7: {  	v3 =	vimm.s32 $0x0;
	v2 =	vshll.u32 v2, $0x7  }
0xf8: {  	v4 =	vand.u32 $0xFFFFFF80, v3;
	v2 =	vadd.s32 v0, v2  }
0xf9: {  	v5 =	vand.u32 $0x7C, v3;
	v4 =	vadd.s32 v2, v4  }
0xfa: {  	v6 =	vld [tilespmem:s20+$0xFFFFFD00];
	v4 =	vor.u32 v5, v4;
	_ =	sdelay $0x4  }
0xfb: {  	[tilespmem:v4+s11+$0x0] =	vst.idx.msk $0xffff, v6  }
0xfc: {  	v6 =	vor.u32 $0x1, v4;
	v5 =	vld [tilespmem:s20+$0xFFFFFD80];
	_ =	sdelay $0x4  }
0xfd: {  	[tilespmem:v6+s11+$0x0] =	vst.idx.msk $0xffff, v5  }
0xfe: {  	v6 =	vor.u32 $0x2, v4;
	v5 =	vld [tilespmem:s20+$0xFFFFFE00];
	_ =	sdelay $0x4  }
0xff: {  	[tilespmem:v6+s11+$0x0] =	vst.idx.msk $0xffff, v5  }
0x100: {  	v4 =	vor.u32 $0x3, v4;
	v5 =	vld [tilespmem:s20+$0xFFFFFE80];
	_ =	sdelay $0x2  }
0x101: {  	v6 =	vadd.s32 $0x4, v3  }
0x102: {  	v7 =	vand.u32 $0xFFFFFF80, v6  }
0x103: {  	[tilespmem:v4+s11+$0x0] =	vst.idx.msk $0xffff, v5;
	v4 =	vand.u32 $0x7C, v6;
	v5 =	vadd.s32 v2, v7  }
0x104: {  	v6 =	vld [tilespmem:s20+$0xFFFFFF00];
	v4 =	vor.u32 v4, v5;
	_ =	sdelay $0x2  }
0x105: {  	v5 =	vadd.s32 $0x5, v3  }
0x106: {  	v7 =	vand.u32 $0xFFFFFF80, v5  }
0x107: {  	[tilespmem:v4+s11+$0x0] =	vst.idx.msk $0xffff, v6;
	v4 =	vand.u32 $0x7D, v5;
	v5 =	vadd.s32 v2, v7  }
0x108: {  	v6 =	vld [tilespmem:s20+$0xFFFFFF80];
	v4 =	vor.u32 v4, v5;
	_ =	sdelay $0x2  }
0x109: {  	v5 =	vadd.s32 $0x6, v3  }
0x10a: {  	v7 =	vand.u32 $0xFFFFFF80, v5  }
0x10b: {  	[tilespmem:v4+s11+$0x0] =	vst.idx.msk $0xffff, v6;
	v4 =	vand.u32 $0x7E, v5;
	v5 =	vadd.s32 v2, v7  }
0x10c: {  	v6 =	vld [tilespmem:s20+$0x0];
	v4 =	vor.u32 v4, v5;
	_ =	sdelay $0x2  }
0x10d: {  	v5 =	vadd.s32 $0x7, v3  }
0x10e: {  	v7 =	vand.u32 $0xFFFFFF80, v5  }
0x10f: {  	[tilespmem:v4+s11+$0x0] =	vst.idx.msk $0xffff, v6;
	v4 =	vand.u32 $0x7F, v5;
	v5 =	vadd.s32 v2, v7  }
0x110: {  	v6 =	vld [tilespmem:s20+$0x80];
	v4 =	vor.u32 v4, v5;
	_ =	sdelay $0x2  }
0x111: {  	v5 =	vadd.s32 $0x8, v3  }
0x112: {  	v7 =	vand.u32 $0xFFFFFF80, v5  }
0x113: {  	[tilespmem:v4+s11+$0x0] =	vst.idx.msk $0xffff, v6;
	v4 =	vand.u32 $0x7C, v5;
	v5 =	vadd.s32 v2, v7  }
0x114: {  	v6 =	vld [tilespmem:s20+$0x100];
	v4 =	vor.u32 v4, v5;
	_ =	sdelay $0x2  }
0x115: {  	v5 =	vadd.s32 $0x9, v3  }
0x116: {  	v7 =	vand.u32 $0xFFFFFF80, v5  }
0x117: {  	[tilespmem:v4+s11+$0x0] =	vst.idx.msk $0xffff, v6;
	v4 =	vand.u32 $0x7D, v5;
	v5 =	vadd.s32 v2, v7  }
0x118: {  	v6 =	vld [tilespmem:s20+$0x180];
	v4 =	vor.u32 v4, v5;
	_ =	sdelay $0x2  }
0x119: {  	v5 =	vadd.s32 $0xA, v3  }
0x11a: {  	v7 =	vand.u32 $0xFFFFFF80, v5  }
0x11b: {  	[tilespmem:v4+s11+$0x0] =	vst.idx.msk $0xffff, v6;
	v4 =	vand.u32 $0x7E, v5;
	v5 =	vadd.s32 v2, v7  }
0x11c: {  	v6 =	vld [tilespmem:s20+$0x200];
	v4 =	vor.u32 v4, v5;
	_ =	sdelay $0x2  }
0x11d: {  	v5 =	vadd.s32 $0xB, v3  }
0x11e: {  	v7 =	vand.u32 $0xFFFFFF80, v5  }
0x11f: {  	v5 =	vand.u32 $0x7F, v5;
	[tilespmem:v4+s11+$0x0] =	vst.idx.msk $0xffff, v6;
	v6 =	vadd.s32 v2, v7  }
0x120: {  	v4 =	vld [tilespmem:s20+$0x280];
	v5 =	vor.u32 v5, v6;
	_ =	sdelay $0x2  }
0x121: {  	s24 =	smov.u32 s20;
	s23 =	simm.s32 $0x0;
	v3 =	vadd.s32 $0xC, v3  }
.LBB2_13:
0x122: {  	v6 =	vand.u32 $0xFFFFFF80, v3;
	s23 =	sadd.s32 $0xC, s23  }
0x123: {  	v7 =	vand.u32 $0x7C, v3;
	s24 =	sadd.s32 $0x600, s24;
	v6 =	vadd.s32 v2, v6;
	p0 =	slt.u32 s23, $0x3C;
	[tilespmem:v5+s11+$0x0] =	vst.idx.msk $0xffff, v4  }
0x124: {  	v4 =	vld [tilespmem:s24+$0xFFFFFD00];
	v5 =	vor.u32 v7, v6;
	_ =	sdelay $0x4  }
0x125: {  	[tilespmem:v5+s11+$0x0] =	vst.idx.msk $0xffff, v4  }
0x126: {  	v6 =	vor.u32 $0x1, v5;
	v4 =	vld [tilespmem:s24+$0xFFFFFD80];
	_ =	sdelay $0x4  }
0x127: {  	[tilespmem:v6+s11+$0x0] =	vst.idx.msk $0xffff, v4  }
0x128: {  	v6 =	vor.u32 $0x2, v5;
	v4 =	vld [tilespmem:s24+$0xFFFFFE00];
	_ =	sdelay $0x4  }
0x129: {  	[tilespmem:v6+s11+$0x0] =	vst.idx.msk $0xffff, v4  }
0x12a: {  	v5 =	vor.u32 $0x3, v5;
	v4 =	vld [tilespmem:s24+$0xFFFFFE80];
	_ =	sdelay $0x2  }
0x12b: {  	v6 =	vadd.s32 $0x4, v3  }
0x12c: {  	v7 =	vand.u32 $0xFFFFFF80, v6  }
0x12d: {  	[tilespmem:v5+s11+$0x0] =	vst.idx.msk $0xffff, v4;
	v4 =	vand.u32 $0x7C, v6;
	v5 =	vadd.s32 v2, v7  }
0x12e: {  	v6 =	vld [tilespmem:s24+$0xFFFFFF00];
	v4 =	vor.u32 v4, v5;
	_ =	sdelay $0x2  }
0x12f: {  	v5 =	vadd.s32 $0x5, v3  }
0x130: {  	v7 =	vand.u32 $0xFFFFFF80, v5  }
0x131: {  	[tilespmem:v4+s11+$0x0] =	vst.idx.msk $0xffff, v6;
	v4 =	vand.u32 $0x7D, v5;
	v5 =	vadd.s32 v2, v7  }
0x132: {  	v6 =	vld [tilespmem:s24+$0xFFFFFF80];
	v4 =	vor.u32 v4, v5;
	_ =	sdelay $0x2  }
0x133: {  	v5 =	vadd.s32 $0x6, v3  }
0x134: {  	v7 =	vand.u32 $0xFFFFFF80, v5  }
0x135: {  	[tilespmem:v4+s11+$0x0] =	vst.idx.msk $0xffff, v6;
	v4 =	vand.u32 $0x7E, v5;
	v5 =	vadd.s32 v2, v7  }
0x136: {  	v6 =	vld [tilespmem:s24+$0x0];
	v4 =	vor.u32 v4, v5;
	_ =	sdelay $0x2  }
0x137: {  	v5 =	vadd.s32 $0x7, v3  }
0x138: {  	v7 =	vand.u32 $0xFFFFFF80, v5  }
0x139: {  	[tilespmem:v4+s11+$0x0] =	vst.idx.msk $0xffff, v6;
	v4 =	vand.u32 $0x7F, v5;
	v5 =	vadd.s32 v2, v7  }
0x13a: {  	v6 =	vld [tilespmem:s24+$0x80];
	v4 =	vor.u32 v4, v5;
	_ =	sdelay $0x2  }
0x13b: {  	v5 =	vadd.s32 $0x8, v3  }
0x13c: {  	v7 =	vand.u32 $0xFFFFFF80, v5  }
0x13d: {  	[tilespmem:v4+s11+$0x0] =	vst.idx.msk $0xffff, v6;
	v4 =	vand.u32 $0x7C, v5;
	v5 =	vadd.s32 v2, v7  }
0x13e: {  	v6 =	vld [tilespmem:s24+$0x100];
	v4 =	vor.u32 v4, v5;
	_ =	sdelay $0x2  }
0x13f: {  	v5 =	vadd.s32 $0x9, v3  }
0x140: {  	v7 =	vand.u32 $0xFFFFFF80, v5  }
0x141: {  	[tilespmem:v4+s11+$0x0] =	vst.idx.msk $0xffff, v6;
	v4 =	vand.u32 $0x7D, v5;
	v5 =	vadd.s32 v2, v7  }
0x142: {  	v6 =	vld [tilespmem:s24+$0x180];
	v4 =	vor.u32 v4, v5;
	_ =	sdelay $0x2  }
0x143: {  	v5 =	vadd.s32 $0xA, v3  }
0x144: {  	v7 =	vand.u32 $0xFFFFFF80, v5  }
0x145: {  	[tilespmem:v4+s11+$0x0] =	vst.idx.msk $0xffff, v6;
	v4 =	vand.u32 $0x7E, v5;
	v5 =	vadd.s32 v2, v7  }
0x146: {  	v6 =	vld [tilespmem:s24+$0x200];
	v4 =	vor.u32 v4, v5;
	_ =	sdelay $0x2  }
0x147: {  	v5 =	vadd.s32 $0xB, v3  }
0x148: {  	v7 =	vand.u32 $0xFFFFFF80, v5  }
.Ltmp9:
0x149: {  	v5 =	vand.u32 $0x7F, v5;
	[tilespmem:v4+s11+$0x0] =	vst.idx.msk $0xffff, v6;
	v6 =	vadd.s32 v2, v7;
	(pc) =	sbr.rel @p0 .LBB2_13-.Ltmp9, $2  }
0x14a: {  	v4 =	vld [tilespmem:s24+$0x280];
	v5 =	vor.u32 v5, v6;
	_ =	sdelay $0x2  }
0x14b: {  	v3 =	vadd.s32 $0xC, v3  }
0x14c: {  	s22 =	sadd.s32 $0x1, s22  }
0x14d: {  	p0 =	sne.s32 s22, $0x4  }
.Ltmp10:
0x14e: {  	_ = 	snop;
	(pc) =	sbr.rel @p0 .LBB2_12-.Ltmp10, $2  }
0x14f: {  	_ =	sdelay $0x2  }
0x150: {  	s20 =	sadd.s32 $0x2400, s20;
	[tilespmem:v5+s11+$0x0] =	vst.idx.msk $0xffff, v4  }
0x151: {  	s19 =	smul.u32 $0x5A000, s19  }
0x152: {  	s20 =	smul.u32 $0x6000, s21  }
0x153: {  	s18 =	smul.u32 $0x32A000, s18  }
0x154: {  	s19 =	sadd.s32 s20, s19  }
0x155: {  	s18 =	sadd.s32 s18, s19  }
0x156: {  	s18 =	sshrl.u32 s18, $0x3  }
.Ltmp11:
0x157: {  	s18 =	sadd.s32 s4, s18;
	(pc) =	sbr.rel .LBB2_16-.Ltmp11, $4  }
0x158: {  	[hbm4b:s18+s1] =	stream.linear.scatter [tilespmem:s11], [sflag:$0x3], $0x6000, $0x38;
	[tilespmem:$0x1E000] =	vst v63  }
0x159: {  	_ =	swait.ge [sflag:s13], $0x6000  }
0x15a: {  	[sflag:s13] =	ssyncset.done $0x0  }
0x15b: {  	[sflag:s13] =	ssyncadd.s32 $0xFFFFA000  }
.LBB2_17:
.Ltmp12:
0x15c: {  	(pc) =	sbr.rel .LBB2_18-.Ltmp12, $2  }
0x15d: {  	_ =	sdelay $0x2  }
0x15e: {  	s15 =	simm.s32 $0x0;
	s16 =	smov.u32 s5;
	s17 =	smov.u32 s5  }
.LBB2_44:
0x15f: {  	s15 =	sadd.s32 $0x1, s15  }
0x160: {  	p0 =	sne.s32 s15, $0xC  }
.Ltmp13:
0x161: {  	_ = 	snop;
	(pc) =	sbr.rel @!p0 .LBB2_45-.Ltmp13, $2  }
0x162: {  	_ =	sdelay $0x2  }
0x163: {  	s17 =	sadd.s32 $0x20, s17;
	s16 =	sadd.s32 $0x20, s16  }
.LBB2_18:
0x164: {  	s18 =	sshll.u32 s15, $0x5  }
0x165: {  	s19 =	sor.u32 s5, s18  }
0x166: {  	p0 =	sgt.u32 s19, $0x167  }
.Ltmp14:
0x167: {  	_ = 	snop;
	(pc) =	sbr.rel @p0 .LBB2_44-.Ltmp14, $1  }
0x168: {  	_ =	sdelay $0x3  }
0x169: {  	s18 =	smul.u32 $0x2D83, s19  }
0x16a: {  	s20 =	sand.u32 $0xFFFF, s16  }
0x16b: {  	s20 =	smul.u32 $0x2D83, s20;
	s18 =	sshrl.u32 s18, $0x13  }
0x16c: {  	s21 =	smul.u32 $0x2D, s18;
	_ =	sdelay $0x1  }
0x16d: {  	s20 =	sshrl.u32 s20, $0x13;
	s21 =	ssub.s32 s19, s21  }
0x16e: {  	s31 =	smul.u32 $0x2D, s20;
	s29 =	sand.u32 $0xFFFF, s21  }
0x16f: {  	s20 =	smul.u32 $0x34, s29;
	_ =	sdelay $0x1  }
0x170: {  	s24 =	smul.u32 $0x510000, s18;
	s22 =	ssub.s32 s17, s31;
	s23 =	sand.u32 $0x300, s20  }
0x171: {  	s22 =	sand.u32 $0xFF, s22;
	s25 =	sand.u32 $0xC00, s20;
	s23 =	sor.u32 $0x80, s23  }
0x172: {  	s22 =	smul.u32 $0xCD, s22;
	s26 =	sor.u32 s25, s23  }
0x173: {  	s26 =	sor.u32 s24, s26  }
0x174: {  	s22 =	sshrl.u32 s22, $0xA;
	s26 =	sshrl.u32 s26, $0x3  }
0x175: {  	s22 =	smul.u32 $0x5, s22;
	s28 =	sadd.s32 s3, s26;
	s26 =	simm.s32 $0x0  }
0x176: {  	[tilespmem:s26], [sflag:$0x1] =	stream.strided.gather [hbm4b:s28+s7], $0x9000, s8, s7, $0x38;
	[tilespmem:$0x1E000] =	vst v63  }
0x177: {  	s28 =	sor.u32 s25, s24  }
0x178: {  	s22 =	ssub.s32 s17, s22;
	s28 =	sor.u32 s23, s28  }
0x179: {  	s22 =	ssub.s32 s22, s31;
	s28 =	sadd.s32 $0xD8000, s28  }
0x17a: {  	s19 =	sshrl.u32 s20, $0x8;
	s22 =	sand.u32 $0xFF, s22;
	s30 =	sshrl.u32 s28, $0x3  }
0x17b: {  	s31 =	sshll.u32 s22, $0x4;
	s28 =	smul.u32 $0x5, s19;
	s20 =	sadd.s32 s3, s30  }
0x17c: {  	[tilespmem:s9], [sflag:$0x2] =	stream.strided.gather [hbm4b:s20+s7], $0x9000, s8, s7, $0x38;
	[tilespmem:$0x1E000] =	vst v63  }
0x17d: {  	s22 =	sadd.s32 $0x300, s31;
	_ =	swait.ge [sflag:s10], $0x9000  }
0x17e: {  	s28 =	ssub.s32 s21, s28;
	s21 =	sadd.s32 $0x9300, s31;
	[sflag:s10] =	ssyncset.done $0x0  }
0x17f: {  	s20 =	sand.u32 $0xFF, s28;
	s28 =	smov.u32 s22;
	[sflag:s10] =	ssyncadd.s32 $0xFFFF7000  }
.LBB2_20:
0x180: {  	v2 =	vmov s26  }
0x181: {  	v3 =	vimm.s32 $0x0;
	v2 =	vshll.u32 v2, $0x7  }
0x182: {  	v4 =	vand.u32 $0xFFFFFF80, v3;
	v2 =	vor.u32 v1, v2  }
0x183: {  	v5 =	vand.u32 $0x7C, v3;
	v4 =	vadd.s32 v2, v4  }
0x184: {  	v6 =	vld [tilespmem:s28+$0xFFFFFD00];
	v4 =	vor.u32 v5, v4;
	_ =	sdelay $0x4  }
0x185: {  	[tilespmem:v4+s11+$0x0] =	vst.idx.msk $0xffff, v6  }
0x186: {  	v6 =	vor.u32 $0x1, v4;
	v5 =	vld [tilespmem:s28+$0xFFFFFD80];
	_ =	sdelay $0x4  }
0x187: {  	[tilespmem:v6+s11+$0x0] =	vst.idx.msk $0xffff, v5  }
0x188: {  	v6 =	vor.u32 $0x2, v4;
	v5 =	vld [tilespmem:s28+$0xFFFFFE00];
	_ =	sdelay $0x4  }
0x189: {  	[tilespmem:v6+s11+$0x0] =	vst.idx.msk $0xffff, v5  }
0x18a: {  	v4 =	vor.u32 $0x3, v4;
	v5 =	vld [tilespmem:s28+$0xFFFFFE80];
	_ =	sdelay $0x2  }
0x18b: {  	v6 =	vadd.s32 $0x4, v3  }
0x18c: {  	v7 =	vand.u32 $0xFFFFFF80, v6  }
0x18d: {  	[tilespmem:v4+s11+$0x0] =	vst.idx.msk $0xffff, v5;
	v4 =	vand.u32 $0x7C, v6;
	v5 =	vadd.s32 v2, v7  }
0x18e: {  	v6 =	vld [tilespmem:s28+$0xFFFFFF00];
	v4 =	vor.u32 v4, v5;
	_ =	sdelay $0x2  }
0x18f: {  	v5 =	vadd.s32 $0x5, v3  }
0x190: {  	v7 =	vand.u32 $0xFFFFFF80, v5  }
0x191: {  	[tilespmem:v4+s11+$0x0] =	vst.idx.msk $0xffff, v6;
	v4 =	vand.u32 $0x7D, v5;
	v5 =	vadd.s32 v2, v7  }
0x192: {  	v6 =	vld [tilespmem:s28+$0xFFFFFF80];
	v4 =	vor.u32 v4, v5;
	_ =	sdelay $0x2  }
0x193: {  	v5 =	vadd.s32 $0x6, v3  }
0x194: {  	v7 =	vand.u32 $0xFFFFFF80, v5  }
0x195: {  	[tilespmem:v4+s11+$0x0] =	vst.idx.msk $0xffff, v6;
	v4 =	vand.u32 $0x7E, v5;
	v5 =	vadd.s32 v2, v7  }
0x196: {  	v6 =	vld [tilespmem:s28+$0x0];
	v4 =	vor.u32 v4, v5;
	_ =	sdelay $0x2  }
0x197: {  	v5 =	vadd.s32 $0x7, v3  }
0x198: {  	v7 =	vand.u32 $0xFFFFFF80, v5  }
0x199: {  	[tilespmem:v4+s11+$0x0] =	vst.idx.msk $0xffff, v6;
	v4 =	vand.u32 $0x7F, v5;
	v5 =	vadd.s32 v2, v7  }
0x19a: {  	v6 =	vld [tilespmem:s28+$0x80];
	v4 =	vor.u32 v4, v5;
	_ =	sdelay $0x2  }
0x19b: {  	v5 =	vadd.s32 $0x8, v3  }
0x19c: {  	v7 =	vand.u32 $0xFFFFFF80, v5  }
0x19d: {  	[tilespmem:v4+s11+$0x0] =	vst.idx.msk $0xffff, v6;
	v4 =	vand.u32 $0x7C, v5;
	v5 =	vadd.s32 v2, v7  }
0x19e: {  	v6 =	vld [tilespmem:s28+$0x100];
	v4 =	vor.u32 v4, v5;
	_ =	sdelay $0x2  }
0x19f: {  	v5 =	vadd.s32 $0x9, v3  }
0x1a0: {  	v7 =	vand.u32 $0xFFFFFF80, v5  }
0x1a1: {  	[tilespmem:v4+s11+$0x0] =	vst.idx.msk $0xffff, v6;
	v4 =	vand.u32 $0x7D, v5;
	v5 =	vadd.s32 v2, v7  }
0x1a2: {  	v6 =	vld [tilespmem:s28+$0x180];
	v4 =	vor.u32 v4, v5;
	_ =	sdelay $0x2  }
0x1a3: {  	v5 =	vadd.s32 $0xA, v3  }
0x1a4: {  	v7 =	vand.u32 $0xFFFFFF80, v5  }
0x1a5: {  	[tilespmem:v4+s11+$0x0] =	vst.idx.msk $0xffff, v6;
	v4 =	vand.u32 $0x7E, v5;
	v5 =	vadd.s32 v2, v7  }
0x1a6: {  	v6 =	vld [tilespmem:s28+$0x200];
	v4 =	vor.u32 v4, v5;
	_ =	sdelay $0x2  }
0x1a7: {  	v5 =	vadd.s32 $0xB, v3  }
0x1a8: {  	v7 =	vand.u32 $0xFFFFFF80, v5  }
0x1a9: {  	v5 =	vand.u32 $0x7F, v5;
	[tilespmem:v4+s11+$0x0] =	vst.idx.msk $0xffff, v6;
	v6 =	vadd.s32 v2, v7  }
0x1aa: {  	v4 =	vld [tilespmem:s28+$0x280];
	v5 =	vor.u32 v5, v6;
	_ =	sdelay $0x2  }
0x1ab: {  	s29 =	simm.s32 $0x0;
	s30 =	smov.u32 s28;
	v3 =	vadd.s32 $0xC, v3  }
.LBB2_21:
0x1ac: {  	v6 =	vand.u32 $0xFFFFFF80, v3;
	s29 =	sadd.s32 $0xC, s29  }
0x1ad: {  	v7 =	vand.u32 $0x7C, v3;
	s30 =	sadd.s32 $0x600, s30;
	v6 =	vadd.s32 v2, v6;
	p0 =	slt.u32 s29, $0x3C;
	[tilespmem:v5+s11+$0x0] =	vst.idx.msk $0xffff, v4  }
0x1ae: {  	v4 =	vld [tilespmem:s30+$0xFFFFFD00];
	v5 =	vor.u32 v7, v6;
	_ =	sdelay $0x4  }
0x1af: {  	[tilespmem:v5+s11+$0x0] =	vst.idx.msk $0xffff, v4  }
0x1b0: {  	v6 =	vor.u32 $0x1, v5;
	v4 =	vld [tilespmem:s30+$0xFFFFFD80];
	_ =	sdelay $0x4  }
0x1b1: {  	[tilespmem:v6+s11+$0x0] =	vst.idx.msk $0xffff, v4  }
0x1b2: {  	v6 =	vor.u32 $0x2, v5;
	v4 =	vld [tilespmem:s30+$0xFFFFFE00];
	_ =	sdelay $0x4  }
0x1b3: {  	[tilespmem:v6+s11+$0x0] =	vst.idx.msk $0xffff, v4  }
0x1b4: {  	v5 =	vor.u32 $0x3, v5;
	v4 =	vld [tilespmem:s30+$0xFFFFFE80];
	_ =	sdelay $0x2  }
0x1b5: {  	v6 =	vadd.s32 $0x4, v3  }
0x1b6: {  	v7 =	vand.u32 $0xFFFFFF80, v6  }
0x1b7: {  	[tilespmem:v5+s11+$0x0] =	vst.idx.msk $0xffff, v4;
	v4 =	vand.u32 $0x7C, v6;
	v5 =	vadd.s32 v2, v7  }
0x1b8: {  	v6 =	vld [tilespmem:s30+$0xFFFFFF00];
	v4 =	vor.u32 v4, v5;
	_ =	sdelay $0x2  }
0x1b9: {  	v5 =	vadd.s32 $0x5, v3  }
0x1ba: {  	v7 =	vand.u32 $0xFFFFFF80, v5  }
0x1bb: {  	[tilespmem:v4+s11+$0x0] =	vst.idx.msk $0xffff, v6;
	v4 =	vand.u32 $0x7D, v5;
	v5 =	vadd.s32 v2, v7  }
0x1bc: {  	v6 =	vld [tilespmem:s30+$0xFFFFFF80];
	v4 =	vor.u32 v4, v5;
	_ =	sdelay $0x2  }
0x1bd: {  	v5 =	vadd.s32 $0x6, v3  }
0x1be: {  	v7 =	vand.u32 $0xFFFFFF80, v5  }
0x1bf: {  	[tilespmem:v4+s11+$0x0] =	vst.idx.msk $0xffff, v6;
	v4 =	vand.u32 $0x7E, v5;
	v5 =	vadd.s32 v2, v7  }
0x1c0: {  	v6 =	vld [tilespmem:s30+$0x0];
	v4 =	vor.u32 v4, v5;
	_ =	sdelay $0x2  }
0x1c1: {  	v5 =	vadd.s32 $0x7, v3  }
0x1c2: {  	v7 =	vand.u32 $0xFFFFFF80, v5  }
0x1c3: {  	[tilespmem:v4+s11+$0x0] =	vst.idx.msk $0xffff, v6;
	v4 =	vand.u32 $0x7F, v5;
	v5 =	vadd.s32 v2, v7  }
0x1c4: {  	v6 =	vld [tilespmem:s30+$0x80];
	v4 =	vor.u32 v4, v5;
	_ =	sdelay $0x2  }
0x1c5: {  	v5 =	vadd.s32 $0x8, v3  }
0x1c6: {  	v7 =	vand.u32 $0xFFFFFF80, v5  }
0x1c7: {  	[tilespmem:v4+s11+$0x0] =	vst.idx.msk $0xffff, v6;
	v4 =	vand.u32 $0x7C, v5;
	v5 =	vadd.s32 v2, v7  }
0x1c8: {  	v6 =	vld [tilespmem:s30+$0x100];
	v4 =	vor.u32 v4, v5;
	_ =	sdelay $0x2  }
0x1c9: {  	v5 =	vadd.s32 $0x9, v3  }
0x1ca: {  	v7 =	vand.u32 $0xFFFFFF80, v5  }
0x1cb: {  	[tilespmem:v4+s11+$0x0] =	vst.idx.msk $0xffff, v6;
	v4 =	vand.u32 $0x7D, v5;
	v5 =	vadd.s32 v2, v7  }
0x1cc: {  	v6 =	vld [tilespmem:s30+$0x180];
	v4 =	vor.u32 v4, v5;
	_ =	sdelay $0x2  }
0x1cd: {  	v5 =	vadd.s32 $0xA, v3  }
0x1ce: {  	v7 =	vand.u32 $0xFFFFFF80, v5  }
0x1cf: {  	[tilespmem:v4+s11+$0x0] =	vst.idx.msk $0xffff, v6;
	v4 =	vand.u32 $0x7E, v5;
	v5 =	vadd.s32 v2, v7  }
0x1d0: {  	v6 =	vld [tilespmem:s30+$0x200];
	v4 =	vor.u32 v4, v5;
	_ =	sdelay $0x2  }
0x1d1: {  	v5 =	vadd.s32 $0xB, v3  }
0x1d2: {  	v7 =	vand.u32 $0xFFFFFF80, v5  }
.Ltmp15:
0x1d3: {  	v5 =	vand.u32 $0x7F, v5;
	[tilespmem:v4+s11+$0x0] =	vst.idx.msk $0xffff, v6;
	v6 =	vadd.s32 v2, v7;
	(pc) =	sbr.rel @p0 .LBB2_21-.Ltmp15, $2  }
0x1d4: {  	v4 =	vld [tilespmem:s30+$0x280];
	v5 =	vor.u32 v5, v6;
	_ =	sdelay $0x2  }
0x1d5: {  	v3 =	vadd.s32 $0xC, v3  }
0x1d6: {  	s26 =	sadd.s32 $0x1, s26  }
0x1d7: {  	p0 =	sne.s32 s26, $0x4  }
.Ltmp16:
0x1d8: {  	_ = 	snop;
	(pc) =	sbr.rel @p0 .LBB2_20-.Ltmp16, $2  }
0x1d9: {  	_ =	sdelay $0x2  }
0x1da: {  	s28 =	sadd.s32 $0x2400, s28;
	[tilespmem:v5+s11+$0x0] =	vst.idx.msk $0xffff, v4  }
0x1db: {  	s24 =	sadd.s32 s25, s24  }
0x1dc: {  	s23 =	sadd.s32 s23, s24  }
0x1dd: {  	s24 =	sadd.s32 $0x1B0000, s23  }
0x1de: {  	s24 =	sshrl.u32 s24, $0x3  }
0x1df: {  	s31 =	sadd.s32 s3, s24;
	s24 =	simm.s32 $0x0  }
0x1e0: {  	[tilespmem:s24], [sflag:$0x1] =	stream.strided.gather [hbm4b:s31+s7], $0x9000, s8, s7, $0x38;
	[tilespmem:$0x1E000] =	vst v63  }
0x1e1: {  	_ =	swait.ge [sflag:s12], $0x9000  }
0x1e2: {  	[sflag:s12] =	ssyncset.done $0x0  }
0x1e3: {  	s25 =	smov.u32 s21;
	[sflag:s12] =	ssyncadd.s32 $0xFFFF7000  }
.LBB2_24:
0x1e4: {  	s26 =	sor.u32 $0x4, s24  }
0x1e5: {  	v2 =	vmov s26  }
0x1e6: {  	v3 =	vimm.s32 $0x0;
	v2 =	vshll.u32 v2, $0x7  }
0x1e7: {  	v4 =	vand.u32 $0xFFFFFF80, v3;
	v2 =	vor.u32 v1, v2  }
0x1e8: {  	v5 =	vand.u32 $0x7C, v3;
	v4 =	vadd.s32 v2, v4  }
0x1e9: {  	v6 =	vld [tilespmem:s25+$0xFFFFFD00];
	v4 =	vor.u32 v5, v4;
	_ =	sdelay $0x4  }
0x1ea: {  	[tilespmem:v4+s11+$0x0] =	vst.idx.msk $0xffff, v6  }
0x1eb: {  	v6 =	vor.u32 $0x1, v4;
	v5 =	vld [tilespmem:s25+$0xFFFFFD80];
	_ =	sdelay $0x4  }
0x1ec: {  	[tilespmem:v6+s11+$0x0] =	vst.idx.msk $0xffff, v5  }
0x1ed: {  	v6 =	vor.u32 $0x2, v4;
	v5 =	vld [tilespmem:s25+$0xFFFFFE00];
	_ =	sdelay $0x4  }
0x1ee: {  	[tilespmem:v6+s11+$0x0] =	vst.idx.msk $0xffff, v5  }
0x1ef: {  	v4 =	vor.u32 $0x3, v4;
	v5 =	vld [tilespmem:s25+$0xFFFFFE80];
	_ =	sdelay $0x2  }
0x1f0: {  	v6 =	vadd.s32 $0x4, v3  }
0x1f1: {  	v7 =	vand.u32 $0xFFFFFF80, v6  }
0x1f2: {  	[tilespmem:v4+s11+$0x0] =	vst.idx.msk $0xffff, v5;
	v4 =	vand.u32 $0x7C, v6;
	v5 =	vadd.s32 v2, v7  }
0x1f3: {  	v6 =	vld [tilespmem:s25+$0xFFFFFF00];
	v4 =	vor.u32 v4, v5;
	_ =	sdelay $0x2  }
0x1f4: {  	v5 =	vadd.s32 $0x5, v3  }
0x1f5: {  	v7 =	vand.u32 $0xFFFFFF80, v5  }
0x1f6: {  	[tilespmem:v4+s11+$0x0] =	vst.idx.msk $0xffff, v6;
	v4 =	vand.u32 $0x7D, v5;
	v5 =	vadd.s32 v2, v7  }
0x1f7: {  	v6 =	vld [tilespmem:s25+$0xFFFFFF80];
	v4 =	vor.u32 v4, v5;
	_ =	sdelay $0x2  }
0x1f8: {  	v5 =	vadd.s32 $0x6, v3  }
0x1f9: {  	v7 =	vand.u32 $0xFFFFFF80, v5  }
0x1fa: {  	[tilespmem:v4+s11+$0x0] =	vst.idx.msk $0xffff, v6;
	v4 =	vand.u32 $0x7E, v5;
	v5 =	vadd.s32 v2, v7  }
0x1fb: {  	v6 =	vld [tilespmem:s25+$0x0];
	v4 =	vor.u32 v4, v5;
	_ =	sdelay $0x2  }
0x1fc: {  	v5 =	vadd.s32 $0x7, v3  }
0x1fd: {  	v7 =	vand.u32 $0xFFFFFF80, v5  }
0x1fe: {  	[tilespmem:v4+s11+$0x0] =	vst.idx.msk $0xffff, v6;
	v4 =	vand.u32 $0x7F, v5;
	v5 =	vadd.s32 v2, v7  }
0x1ff: {  	v6 =	vld [tilespmem:s25+$0x80];
	v4 =	vor.u32 v4, v5;
	_ =	sdelay $0x2  }
0x200: {  	v5 =	vadd.s32 $0x8, v3  }
0x201: {  	v7 =	vand.u32 $0xFFFFFF80, v5  }
0x202: {  	[tilespmem:v4+s11+$0x0] =	vst.idx.msk $0xffff, v6;
	v4 =	vand.u32 $0x7C, v5;
	v5 =	vadd.s32 v2, v7  }
0x203: {  	v6 =	vld [tilespmem:s25+$0x100];
	v4 =	vor.u32 v4, v5;
	_ =	sdelay $0x2  }
0x204: {  	v5 =	vadd.s32 $0x9, v3  }
0x205: {  	v7 =	vand.u32 $0xFFFFFF80, v5  }
0x206: {  	[tilespmem:v4+s11+$0x0] =	vst.idx.msk $0xffff, v6;
	v4 =	vand.u32 $0x7D, v5;
	v5 =	vadd.s32 v2, v7  }
0x207: {  	v6 =	vld [tilespmem:s25+$0x180];
	v4 =	vor.u32 v4, v5;
	_ =	sdelay $0x2  }
0x208: {  	v5 =	vadd.s32 $0xA, v3  }
0x209: {  	v7 =	vand.u32 $0xFFFFFF80, v5  }
0x20a: {  	[tilespmem:v4+s11+$0x0] =	vst.idx.msk $0xffff, v6;
	v4 =	vand.u32 $0x7E, v5;
	v5 =	vadd.s32 v2, v7  }
0x20b: {  	v6 =	vld [tilespmem:s25+$0x200];
	v4 =	vor.u32 v4, v5;
	_ =	sdelay $0x2  }
0x20c: {  	v5 =	vadd.s32 $0xB, v3  }
0x20d: {  	v7 =	vand.u32 $0xFFFFFF80, v5  }
0x20e: {  	v5 =	vand.u32 $0x7F, v5;
	[tilespmem:v4+s11+$0x0] =	vst.idx.msk $0xffff, v6;
	v6 =	vadd.s32 v2, v7  }
0x20f: {  	v4 =	vld [tilespmem:s25+$0x280];
	v5 =	vor.u32 v5, v6;
	_ =	sdelay $0x2  }
0x210: {  	s28 =	smov.u32 s25;
	s26 =	simm.s32 $0x0;
	v3 =	vadd.s32 $0xC, v3  }
.LBB2_25:
0x211: {  	v6 =	vand.u32 $0xFFFFFF80, v3;
	s26 =	sadd.s32 $0xC, s26  }
0x212: {  	v7 =	vand.u32 $0x7C, v3;
	s28 =	sadd.s32 $0x600, s28;
	v6 =	vadd.s32 v2, v6;
	p0 =	slt.u32 s26, $0x3C;
	[tilespmem:v5+s11+$0x0] =	vst.idx.msk $0xffff, v4  }
0x213: {  	v4 =	vld [tilespmem:s28+$0xFFFFFD00];
	v5 =	vor.u32 v7, v6;
	_ =	sdelay $0x4  }
0x214: {  	[tilespmem:v5+s11+$0x0] =	vst.idx.msk $0xffff, v4  }
0x215: {  	v6 =	vor.u32 $0x1, v5;
	v4 =	vld [tilespmem:s28+$0xFFFFFD80];
	_ =	sdelay $0x4  }
0x216: {  	[tilespmem:v6+s11+$0x0] =	vst.idx.msk $0xffff, v4  }
0x217: {  	v6 =	vor.u32 $0x2, v5;
	v4 =	vld [tilespmem:s28+$0xFFFFFE00];
	_ =	sdelay $0x4  }
0x218: {  	[tilespmem:v6+s11+$0x0] =	vst.idx.msk $0xffff, v4  }
0x219: {  	v5 =	vor.u32 $0x3, v5;
	v4 =	vld [tilespmem:s28+$0xFFFFFE80];
	_ =	sdelay $0x2  }
0x21a: {  	v6 =	vadd.s32 $0x4, v3  }
0x21b: {  	v7 =	vand.u32 $0xFFFFFF80, v6  }
0x21c: {  	[tilespmem:v5+s11+$0x0] =	vst.idx.msk $0xffff, v4;
	v4 =	vand.u32 $0x7C, v6;
	v5 =	vadd.s32 v2, v7  }
0x21d: {  	v6 =	vld [tilespmem:s28+$0xFFFFFF00];
	v4 =	vor.u32 v4, v5;
	_ =	sdelay $0x2  }
0x21e: {  	v5 =	vadd.s32 $0x5, v3  }
0x21f: {  	v7 =	vand.u32 $0xFFFFFF80, v5  }
0x220: {  	[tilespmem:v4+s11+$0x0] =	vst.idx.msk $0xffff, v6;
	v4 =	vand.u32 $0x7D, v5;
	v5 =	vadd.s32 v2, v7  }
0x221: {  	v6 =	vld [tilespmem:s28+$0xFFFFFF80];
	v4 =	vor.u32 v4, v5;
	_ =	sdelay $0x2  }
0x222: {  	v5 =	vadd.s32 $0x6, v3  }
0x223: {  	v7 =	vand.u32 $0xFFFFFF80, v5  }
0x224: {  	[tilespmem:v4+s11+$0x0] =	vst.idx.msk $0xffff, v6;
	v4 =	vand.u32 $0x7E, v5;
	v5 =	vadd.s32 v2, v7  }
0x225: {  	v6 =	vld [tilespmem:s28+$0x0];
	v4 =	vor.u32 v4, v5;
	_ =	sdelay $0x2  }
0x226: {  	v5 =	vadd.s32 $0x7, v3  }
0x227: {  	v7 =	vand.u32 $0xFFFFFF80, v5  }
0x228: {  	[tilespmem:v4+s11+$0x0] =	vst.idx.msk $0xffff, v6;
	v4 =	vand.u32 $0x7F, v5;
	v5 =	vadd.s32 v2, v7  }
0x229: {  	v6 =	vld [tilespmem:s28+$0x80];
	v4 =	vor.u32 v4, v5;
	_ =	sdelay $0x2  }
0x22a: {  	v5 =	vadd.s32 $0x8, v3  }
0x22b: {  	v7 =	vand.u32 $0xFFFFFF80, v5  }
0x22c: {  	[tilespmem:v4+s11+$0x0] =	vst.idx.msk $0xffff, v6;
	v4 =	vand.u32 $0x7C, v5;
	v5 =	vadd.s32 v2, v7  }
0x22d: {  	v6 =	vld [tilespmem:s28+$0x100];
	v4 =	vor.u32 v4, v5;
	_ =	sdelay $0x2  }
0x22e: {  	v5 =	vadd.s32 $0x9, v3  }
0x22f: {  	v7 =	vand.u32 $0xFFFFFF80, v5  }
0x230: {  	[tilespmem:v4+s11+$0x0] =	vst.idx.msk $0xffff, v6;
	v4 =	vand.u32 $0x7D, v5;
	v5 =	vadd.s32 v2, v7  }
0x231: {  	v6 =	vld [tilespmem:s28+$0x180];
	v4 =	vor.u32 v4, v5;
	_ =	sdelay $0x2  }
0x232: {  	v5 =	vadd.s32 $0xA, v3  }
0x233: {  	v7 =	vand.u32 $0xFFFFFF80, v5  }
0x234: {  	[tilespmem:v4+s11+$0x0] =	vst.idx.msk $0xffff, v6;
	v4 =	vand.u32 $0x7E, v5;
	v5 =	vadd.s32 v2, v7  }
0x235: {  	v6 =	vld [tilespmem:s28+$0x200];
	v4 =	vor.u32 v4, v5;
	_ =	sdelay $0x2  }
0x236: {  	v5 =	vadd.s32 $0xB, v3  }
0x237: {  	v7 =	vand.u32 $0xFFFFFF80, v5  }
.Ltmp17:
0x238: {  	v5 =	vand.u32 $0x7F, v5;
	[tilespmem:v4+s11+$0x0] =	vst.idx.msk $0xffff, v6;
	v6 =	vadd.s32 v2, v7;
	(pc) =	sbr.rel @p0 .LBB2_25-.Ltmp17, $2  }
0x239: {  	v4 =	vld [tilespmem:s28+$0x280];
	v5 =	vor.u32 v5, v6;
	_ =	sdelay $0x2  }
0x23a: {  	v3 =	vadd.s32 $0xC, v3  }
0x23b: {  	s24 =	sadd.s32 $0x1, s24  }
0x23c: {  	p0 =	sne.s32 s24, $0x4  }
.Ltmp18:
0x23d: {  	_ = 	snop;
	(pc) =	sbr.rel @p0 .LBB2_24-.Ltmp18, $2  }
0x23e: {  	_ =	sdelay $0x2  }
0x23f: {  	s25 =	sadd.s32 $0x2400, s25;
	[tilespmem:v5+s11+$0x0] =	vst.idx.msk $0xffff, v4  }
0x240: {  	s24 =	sadd.s32 $0x288000, s23  }
0x241: {  	s24 =	sshrl.u32 s24, $0x3  }
0x242: {  	s24 =	sadd.s32 s3, s24  }
0x243: {  	[tilespmem:s9], [sflag:$0x2] =	stream.strided.gather [hbm4b:s24+s7], $0x9000, s8, s7, $0x38;
	[tilespmem:$0x1E000] =	vst v63  }
0x244: {  	_ =	swait.ge [sflag:s10], $0x9000  }
0x245: {  	[sflag:s10] =	ssyncset.done $0x0  }
0x246: {  	s25 =	smov.u32 s22;
	s24 =	simm.s32 $0x0;
	[sflag:s10] =	ssyncadd.s32 $0xFFFF7000  }
.LBB2_28:
0x247: {  	s26 =	sor.u32 $0x8, s24  }
0x248: {  	v2 =	vmov s26  }
0x249: {  	v3 =	vimm.s32 $0x0;
	v2 =	vshll.u32 v2, $0x7  }
0x24a: {  	v4 =	vand.u32 $0xFFFFFF80, v3;
	v2 =	vadd.s32 v1, v2  }
0x24b: {  	v5 =	vand.u32 $0x7C, v3;
	v4 =	vadd.s32 v2, v4  }
0x24c: {  	v6 =	vld [tilespmem:s25+$0xFFFFFD00];
	v4 =	vor.u32 v5, v4;
	_ =	sdelay $0x4  }
0x24d: {  	[tilespmem:v4+s11+$0x0] =	vst.idx.msk $0xffff, v6  }
0x24e: {  	v6 =	vor.u32 $0x1, v4;
	v5 =	vld [tilespmem:s25+$0xFFFFFD80];
	_ =	sdelay $0x4  }
0x24f: {  	[tilespmem:v6+s11+$0x0] =	vst.idx.msk $0xffff, v5  }
0x250: {  	v6 =	vor.u32 $0x2, v4;
	v5 =	vld [tilespmem:s25+$0xFFFFFE00];
	_ =	sdelay $0x4  }
0x251: {  	[tilespmem:v6+s11+$0x0] =	vst.idx.msk $0xffff, v5  }
0x252: {  	v4 =	vor.u32 $0x3, v4;
	v5 =	vld [tilespmem:s25+$0xFFFFFE80];
	_ =	sdelay $0x2  }
0x253: {  	v6 =	vadd.s32 $0x4, v3  }
0x254: {  	v7 =	vand.u32 $0xFFFFFF80, v6  }
0x255: {  	[tilespmem:v4+s11+$0x0] =	vst.idx.msk $0xffff, v5;
	v4 =	vand.u32 $0x7C, v6;
	v5 =	vadd.s32 v2, v7  }
0x256: {  	v6 =	vld [tilespmem:s25+$0xFFFFFF00];
	v4 =	vor.u32 v4, v5;
	_ =	sdelay $0x2  }
0x257: {  	v5 =	vadd.s32 $0x5, v3  }
0x258: {  	v7 =	vand.u32 $0xFFFFFF80, v5  }
0x259: {  	[tilespmem:v4+s11+$0x0] =	vst.idx.msk $0xffff, v6;
	v4 =	vand.u32 $0x7D, v5;
	v5 =	vadd.s32 v2, v7  }
0x25a: {  	v6 =	vld [tilespmem:s25+$0xFFFFFF80];
	v4 =	vor.u32 v4, v5;
	_ =	sdelay $0x2  }
0x25b: {  	v5 =	vadd.s32 $0x6, v3  }
0x25c: {  	v7 =	vand.u32 $0xFFFFFF80, v5  }
0x25d: {  	[tilespmem:v4+s11+$0x0] =	vst.idx.msk $0xffff, v6;
	v4 =	vand.u32 $0x7E, v5;
	v5 =	vadd.s32 v2, v7  }
0x25e: {  	v6 =	vld [tilespmem:s25+$0x0];
	v4 =	vor.u32 v4, v5;
	_ =	sdelay $0x2  }
0x25f: {  	v5 =	vadd.s32 $0x7, v3  }
0x260: {  	v7 =	vand.u32 $0xFFFFFF80, v5  }
0x261: {  	[tilespmem:v4+s11+$0x0] =	vst.idx.msk $0xffff, v6;
	v4 =	vand.u32 $0x7F, v5;
	v5 =	vadd.s32 v2, v7  }
0x262: {  	v6 =	vld [tilespmem:s25+$0x80];
	v4 =	vor.u32 v4, v5;
	_ =	sdelay $0x2  }
0x263: {  	v5 =	vadd.s32 $0x8, v3  }
0x264: {  	v7 =	vand.u32 $0xFFFFFF80, v5  }
0x265: {  	[tilespmem:v4+s11+$0x0] =	vst.idx.msk $0xffff, v6;
	v4 =	vand.u32 $0x7C, v5;
	v5 =	vadd.s32 v2, v7  }
0x266: {  	v6 =	vld [tilespmem:s25+$0x100];
	v4 =	vor.u32 v4, v5;
	_ =	sdelay $0x2  }
0x267: {  	v5 =	vadd.s32 $0x9, v3  }
0x268: {  	v7 =	vand.u32 $0xFFFFFF80, v5  }
0x269: {  	[tilespmem:v4+s11+$0x0] =	vst.idx.msk $0xffff, v6;
	v4 =	vand.u32 $0x7D, v5;
	v5 =	vadd.s32 v2, v7  }
0x26a: {  	v6 =	vld [tilespmem:s25+$0x180];
	v4 =	vor.u32 v4, v5;
	_ =	sdelay $0x2  }
0x26b: {  	v5 =	vadd.s32 $0xA, v3  }
0x26c: {  	v7 =	vand.u32 $0xFFFFFF80, v5  }
0x26d: {  	[tilespmem:v4+s11+$0x0] =	vst.idx.msk $0xffff, v6;
	v4 =	vand.u32 $0x7E, v5;
	v5 =	vadd.s32 v2, v7  }
0x26e: {  	v6 =	vld [tilespmem:s25+$0x200];
	v4 =	vor.u32 v4, v5;
	_ =	sdelay $0x2  }
0x26f: {  	v5 =	vadd.s32 $0xB, v3  }
0x270: {  	v7 =	vand.u32 $0xFFFFFF80, v5  }
0x271: {  	v5 =	vand.u32 $0x7F, v5;
	[tilespmem:v4+s11+$0x0] =	vst.idx.msk $0xffff, v6;
	v6 =	vadd.s32 v2, v7  }
0x272: {  	v4 =	vld [tilespmem:s25+$0x280];
	v5 =	vor.u32 v5, v6;
	_ =	sdelay $0x2  }
0x273: {  	s28 =	smov.u32 s25;
	s26 =	simm.s32 $0x0;
	v3 =	vadd.s32 $0xC, v3  }
.LBB2_29:
0x274: {  	v6 =	vand.u32 $0xFFFFFF80, v3;
	s26 =	sadd.s32 $0xC, s26  }
0x275: {  	v7 =	vand.u32 $0x7C, v3;
	s28 =	sadd.s32 $0x600, s28;
	v6 =	vadd.s32 v2, v6;
	p0 =	slt.u32 s26, $0x3C;
	[tilespmem:v5+s11+$0x0] =	vst.idx.msk $0xffff, v4  }
0x276: {  	v4 =	vld [tilespmem:s28+$0xFFFFFD00];
	v5 =	vor.u32 v7, v6;
	_ =	sdelay $0x4  }
0x277: {  	[tilespmem:v5+s11+$0x0] =	vst.idx.msk $0xffff, v4  }
0x278: {  	v6 =	vor.u32 $0x1, v5;
	v4 =	vld [tilespmem:s28+$0xFFFFFD80];
	_ =	sdelay $0x4  }
0x279: {  	[tilespmem:v6+s11+$0x0] =	vst.idx.msk $0xffff, v4  }
0x27a: {  	v6 =	vor.u32 $0x2, v5;
	v4 =	vld [tilespmem:s28+$0xFFFFFE00];
	_ =	sdelay $0x4  }
0x27b: {  	[tilespmem:v6+s11+$0x0] =	vst.idx.msk $0xffff, v4  }
0x27c: {  	v5 =	vor.u32 $0x3, v5;
	v4 =	vld [tilespmem:s28+$0xFFFFFE80];
	_ =	sdelay $0x2  }
0x27d: {  	v6 =	vadd.s32 $0x4, v3  }
0x27e: {  	v7 =	vand.u32 $0xFFFFFF80, v6  }
0x27f: {  	[tilespmem:v5+s11+$0x0] =	vst.idx.msk $0xffff, v4;
	v4 =	vand.u32 $0x7C, v6;
	v5 =	vadd.s32 v2, v7  }
0x280: {  	v6 =	vld [tilespmem:s28+$0xFFFFFF00];
	v4 =	vor.u32 v4, v5;
	_ =	sdelay $0x2  }
0x281: {  	v5 =	vadd.s32 $0x5, v3  }
0x282: {  	v7 =	vand.u32 $0xFFFFFF80, v5  }
0x283: {  	[tilespmem:v4+s11+$0x0] =	vst.idx.msk $0xffff, v6;
	v4 =	vand.u32 $0x7D, v5;
	v5 =	vadd.s32 v2, v7  }
0x284: {  	v6 =	vld [tilespmem:s28+$0xFFFFFF80];
	v4 =	vor.u32 v4, v5;
	_ =	sdelay $0x2  }
0x285: {  	v5 =	vadd.s32 $0x6, v3  }
0x286: {  	v7 =	vand.u32 $0xFFFFFF80, v5  }
0x287: {  	[tilespmem:v4+s11+$0x0] =	vst.idx.msk $0xffff, v6;
	v4 =	vand.u32 $0x7E, v5;
	v5 =	vadd.s32 v2, v7  }
0x288: {  	v6 =	vld [tilespmem:s28+$0x0];
	v4 =	vor.u32 v4, v5;
	_ =	sdelay $0x2  }
0x289: {  	v5 =	vadd.s32 $0x7, v3  }
0x28a: {  	v7 =	vand.u32 $0xFFFFFF80, v5  }
0x28b: {  	[tilespmem:v4+s11+$0x0] =	vst.idx.msk $0xffff, v6;
	v4 =	vand.u32 $0x7F, v5;
	v5 =	vadd.s32 v2, v7  }
0x28c: {  	v6 =	vld [tilespmem:s28+$0x80];
	v4 =	vor.u32 v4, v5;
	_ =	sdelay $0x2  }
0x28d: {  	v5 =	vadd.s32 $0x8, v3  }
0x28e: {  	v7 =	vand.u32 $0xFFFFFF80, v5  }
0x28f: {  	[tilespmem:v4+s11+$0x0] =	vst.idx.msk $0xffff, v6;
	v4 =	vand.u32 $0x7C, v5;
	v5 =	vadd.s32 v2, v7  }
0x290: {  	v6 =	vld [tilespmem:s28+$0x100];
	v4 =	vor.u32 v4, v5;
	_ =	sdelay $0x2  }
0x291: {  	v5 =	vadd.s32 $0x9, v3  }
0x292: {  	v7 =	vand.u32 $0xFFFFFF80, v5  }
0x293: {  	[tilespmem:v4+s11+$0x0] =	vst.idx.msk $0xffff, v6;
	v4 =	vand.u32 $0x7D, v5;
	v5 =	vadd.s32 v2, v7  }
0x294: {  	v6 =	vld [tilespmem:s28+$0x180];
	v4 =	vor.u32 v4, v5;
	_ =	sdelay $0x2  }
0x295: {  	v5 =	vadd.s32 $0xA, v3  }
0x296: {  	v7 =	vand.u32 $0xFFFFFF80, v5  }
0x297: {  	[tilespmem:v4+s11+$0x0] =	vst.idx.msk $0xffff, v6;
	v4 =	vand.u32 $0x7E, v5;
	v5 =	vadd.s32 v2, v7  }
0x298: {  	v6 =	vld [tilespmem:s28+$0x200];
	v4 =	vor.u32 v4, v5;
	_ =	sdelay $0x2  }
0x299: {  	v5 =	vadd.s32 $0xB, v3  }
0x29a: {  	v7 =	vand.u32 $0xFFFFFF80, v5  }
.Ltmp19:
0x29b: {  	v5 =	vand.u32 $0x7F, v5;
	[tilespmem:v4+s11+$0x0] =	vst.idx.msk $0xffff, v6;
	v6 =	vadd.s32 v2, v7;
	(pc) =	sbr.rel @p0 .LBB2_29-.Ltmp19, $2  }
0x29c: {  	v4 =	vld [tilespmem:s28+$0x280];
	v5 =	vor.u32 v5, v6;
	_ =	sdelay $0x2  }
0x29d: {  	v3 =	vadd.s32 $0xC, v3  }
0x29e: {  	s24 =	sadd.s32 $0x1, s24  }
0x29f: {  	p0 =	sne.s32 s24, $0x4  }
.Ltmp20:
0x2a0: {  	_ = 	snop;
	(pc) =	sbr.rel @p0 .LBB2_28-.Ltmp20, $2  }
0x2a1: {  	_ =	sdelay $0x2  }
0x2a2: {  	s25 =	sadd.s32 $0x2400, s25;
	[tilespmem:v5+s11+$0x0] =	vst.idx.msk $0xffff, v4  }
0x2a3: {  	s24 =	sadd.s32 $0x360000, s23  }
0x2a4: {  	s24 =	sshrl.u32 s24, $0x3  }
0x2a5: {  	s25 =	sadd.s32 s3, s24;
	s24 =	simm.s32 $0x0  }
0x2a6: {  	[tilespmem:s24], [sflag:$0x1] =	stream.strided.gather [hbm4b:s25+s7], $0x9000, s8, s7, $0x38;
	[tilespmem:$0x1E000] =	vst v63  }
0x2a7: {  	_ =	swait.ge [sflag:s12], $0x9000  }
0x2a8: {  	[sflag:s12] =	ssyncset.done $0x0  }
0x2a9: {  	s25 =	smov.u32 s21;
	[sflag:s12] =	ssyncadd.s32 $0xFFFF7000  }
.LBB2_32:
0x2aa: {  	s26 =	sor.u32 $0xC, s24  }
0x2ab: {  	v2 =	vmov s26  }
0x2ac: {  	v3 =	vimm.s32 $0x0;
	v2 =	vshll.u32 v2, $0x7  }
0x2ad: {  	v4 =	vand.u32 $0xFFFFFF80, v3;
	v2 =	vadd.s32 v1, v2  }
0x2ae: {  	v5 =	vand.u32 $0x7C, v3;
	v4 =	vadd.s32 v2, v4  }
0x2af: {  	v6 =	vld [tilespmem:s25+$0xFFFFFD00];
	v4 =	vor.u32 v5, v4;
	_ =	sdelay $0x4  }
0x2b0: {  	[tilespmem:v4+s11+$0x0] =	vst.idx.msk $0xffff, v6  }
0x2b1: {  	v6 =	vor.u32 $0x1, v4;
	v5 =	vld [tilespmem:s25+$0xFFFFFD80];
	_ =	sdelay $0x4  }
0x2b2: {  	[tilespmem:v6+s11+$0x0] =	vst.idx.msk $0xffff, v5  }
0x2b3: {  	v6 =	vor.u32 $0x2, v4;
	v5 =	vld [tilespmem:s25+$0xFFFFFE00];
	_ =	sdelay $0x4  }
0x2b4: {  	[tilespmem:v6+s11+$0x0] =	vst.idx.msk $0xffff, v5  }
0x2b5: {  	v4 =	vor.u32 $0x3, v4;
	v5 =	vld [tilespmem:s25+$0xFFFFFE80];
	_ =	sdelay $0x2  }
0x2b6: {  	v6 =	vadd.s32 $0x4, v3  }
0x2b7: {  	v7 =	vand.u32 $0xFFFFFF80, v6  }
0x2b8: {  	[tilespmem:v4+s11+$0x0] =	vst.idx.msk $0xffff, v5;
	v4 =	vand.u32 $0x7C, v6;
	v5 =	vadd.s32 v2, v7  }
0x2b9: {  	v6 =	vld [tilespmem:s25+$0xFFFFFF00];
	v4 =	vor.u32 v4, v5;
	_ =	sdelay $0x2  }
0x2ba: {  	v5 =	vadd.s32 $0x5, v3  }
0x2bb: {  	v7 =	vand.u32 $0xFFFFFF80, v5  }
0x2bc: {  	[tilespmem:v4+s11+$0x0] =	vst.idx.msk $0xffff, v6;
	v4 =	vand.u32 $0x7D, v5;
	v5 =	vadd.s32 v2, v7  }
0x2bd: {  	v6 =	vld [tilespmem:s25+$0xFFFFFF80];
	v4 =	vor.u32 v4, v5;
	_ =	sdelay $0x2  }
0x2be: {  	v5 =	vadd.s32 $0x6, v3  }
0x2bf: {  	v7 =	vand.u32 $0xFFFFFF80, v5  }
0x2c0: {  	[tilespmem:v4+s11+$0x0] =	vst.idx.msk $0xffff, v6;
	v4 =	vand.u32 $0x7E, v5;
	v5 =	vadd.s32 v2, v7  }
0x2c1: {  	v6 =	vld [tilespmem:s25+$0x0];
	v4 =	vor.u32 v4, v5;
	_ =	sdelay $0x2  }
0x2c2: {  	v5 =	vadd.s32 $0x7, v3  }
0x2c3: {  	v7 =	vand.u32 $0xFFFFFF80, v5  }
0x2c4: {  	[tilespmem:v4+s11+$0x0] =	vst.idx.msk $0xffff, v6;
	v4 =	vand.u32 $0x7F, v5;
	v5 =	vadd.s32 v2, v7  }
0x2c5: {  	v6 =	vld [tilespmem:s25+$0x80];
	v4 =	vor.u32 v4, v5;
	_ =	sdelay $0x2  }
0x2c6: {  	v5 =	vadd.s32 $0x8, v3  }
0x2c7: {  	v7 =	vand.u32 $0xFFFFFF80, v5  }
0x2c8: {  	[tilespmem:v4+s11+$0x0] =	vst.idx.msk $0xffff, v6;
	v4 =	vand.u32 $0x7C, v5;
	v5 =	vadd.s32 v2, v7  }
0x2c9: {  	v6 =	vld [tilespmem:s25+$0x100];
	v4 =	vor.u32 v4, v5;
	_ =	sdelay $0x2  }
0x2ca: {  	v5 =	vadd.s32 $0x9, v3  }
0x2cb: {  	v7 =	vand.u32 $0xFFFFFF80, v5  }
0x2cc: {  	[tilespmem:v4+s11+$0x0] =	vst.idx.msk $0xffff, v6;
	v4 =	vand.u32 $0x7D, v5;
	v5 =	vadd.s32 v2, v7  }
0x2cd: {  	v6 =	vld [tilespmem:s25+$0x180];
	v4 =	vor.u32 v4, v5;
	_ =	sdelay $0x2  }
0x2ce: {  	v5 =	vadd.s32 $0xA, v3  }
0x2cf: {  	v7 =	vand.u32 $0xFFFFFF80, v5  }
0x2d0: {  	[tilespmem:v4+s11+$0x0] =	vst.idx.msk $0xffff, v6;
	v4 =	vand.u32 $0x7E, v5;
	v5 =	vadd.s32 v2, v7  }
0x2d1: {  	v6 =	vld [tilespmem:s25+$0x200];
	v4 =	vor.u32 v4, v5;
	_ =	sdelay $0x2  }
0x2d2: {  	v5 =	vadd.s32 $0xB, v3  }
0x2d3: {  	v7 =	vand.u32 $0xFFFFFF80, v5  }
0x2d4: {  	v5 =	vand.u32 $0x7F, v5;
	[tilespmem:v4+s11+$0x0] =	vst.idx.msk $0xffff, v6;
	v6 =	vadd.s32 v2, v7  }
0x2d5: {  	v4 =	vld [tilespmem:s25+$0x280];
	v5 =	vor.u32 v5, v6;
	_ =	sdelay $0x2  }
0x2d6: {  	s28 =	smov.u32 s25;
	s26 =	simm.s32 $0x0;
	v3 =	vadd.s32 $0xC, v3  }
.LBB2_33:
0x2d7: {  	v6 =	vand.u32 $0xFFFFFF80, v3;
	s26 =	sadd.s32 $0xC, s26  }
0x2d8: {  	v7 =	vand.u32 $0x7C, v3;
	s28 =	sadd.s32 $0x600, s28;
	v6 =	vadd.s32 v2, v6;
	p0 =	slt.u32 s26, $0x3C;
	[tilespmem:v5+s11+$0x0] =	vst.idx.msk $0xffff, v4  }
0x2d9: {  	v4 =	vld [tilespmem:s28+$0xFFFFFD00];
	v5 =	vor.u32 v7, v6;
	_ =	sdelay $0x4  }
0x2da: {  	[tilespmem:v5+s11+$0x0] =	vst.idx.msk $0xffff, v4  }
0x2db: {  	v6 =	vor.u32 $0x1, v5;
	v4 =	vld [tilespmem:s28+$0xFFFFFD80];
	_ =	sdelay $0x4  }
0x2dc: {  	[tilespmem:v6+s11+$0x0] =	vst.idx.msk $0xffff, v4  }
0x2dd: {  	v6 =	vor.u32 $0x2, v5;
	v4 =	vld [tilespmem:s28+$0xFFFFFE00];
	_ =	sdelay $0x4  }
0x2de: {  	[tilespmem:v6+s11+$0x0] =	vst.idx.msk $0xffff, v4  }
0x2df: {  	v5 =	vor.u32 $0x3, v5;
	v4 =	vld [tilespmem:s28+$0xFFFFFE80];
	_ =	sdelay $0x2  }
0x2e0: {  	v6 =	vadd.s32 $0x4, v3  }
0x2e1: {  	v7 =	vand.u32 $0xFFFFFF80, v6  }
0x2e2: {  	[tilespmem:v5+s11+$0x0] =	vst.idx.msk $0xffff, v4;
	v4 =	vand.u32 $0x7C, v6;
	v5 =	vadd.s32 v2, v7  }
0x2e3: {  	v6 =	vld [tilespmem:s28+$0xFFFFFF00];
	v4 =	vor.u32 v4, v5;
	_ =	sdelay $0x2  }
0x2e4: {  	v5 =	vadd.s32 $0x5, v3  }
0x2e5: {  	v7 =	vand.u32 $0xFFFFFF80, v5  }
0x2e6: {  	[tilespmem:v4+s11+$0x0] =	vst.idx.msk $0xffff, v6;
	v4 =	vand.u32 $0x7D, v5;
	v5 =	vadd.s32 v2, v7  }
0x2e7: {  	v6 =	vld [tilespmem:s28+$0xFFFFFF80];
	v4 =	vor.u32 v4, v5;
	_ =	sdelay $0x2  }
0x2e8: {  	v5 =	vadd.s32 $0x6, v3  }
0x2e9: {  	v7 =	vand.u32 $0xFFFFFF80, v5  }
0x2ea: {  	[tilespmem:v4+s11+$0x0] =	vst.idx.msk $0xffff, v6;
	v4 =	vand.u32 $0x7E, v5;
	v5 =	vadd.s32 v2, v7  }
0x2eb: {  	v6 =	vld [tilespmem:s28+$0x0];
	v4 =	vor.u32 v4, v5;
	_ =	sdelay $0x2  }
0x2ec: {  	v5 =	vadd.s32 $0x7, v3  }
0x2ed: {  	v7 =	vand.u32 $0xFFFFFF80, v5  }
0x2ee: {  	[tilespmem:v4+s11+$0x0] =	vst.idx.msk $0xffff, v6;
	v4 =	vand.u32 $0x7F, v5;
	v5 =	vadd.s32 v2, v7  }
0x2ef: {  	v6 =	vld [tilespmem:s28+$0x80];
	v4 =	vor.u32 v4, v5;
	_ =	sdelay $0x2  }
0x2f0: {  	v5 =	vadd.s32 $0x8, v3  }
0x2f1: {  	v7 =	vand.u32 $0xFFFFFF80, v5  }
0x2f2: {  	[tilespmem:v4+s11+$0x0] =	vst.idx.msk $0xffff, v6;
	v4 =	vand.u32 $0x7C, v5;
	v5 =	vadd.s32 v2, v7  }
0x2f3: {  	v6 =	vld [tilespmem:s28+$0x100];
	v4 =	vor.u32 v4, v5;
	_ =	sdelay $0x2  }
0x2f4: {  	v5 =	vadd.s32 $0x9, v3  }
0x2f5: {  	v7 =	vand.u32 $0xFFFFFF80, v5  }
0x2f6: {  	[tilespmem:v4+s11+$0x0] =	vst.idx.msk $0xffff, v6;
	v4 =	vand.u32 $0x7D, v5;
	v5 =	vadd.s32 v2, v7  }
0x2f7: {  	v6 =	vld [tilespmem:s28+$0x180];
	v4 =	vor.u32 v4, v5;
	_ =	sdelay $0x2  }
0x2f8: {  	v5 =	vadd.s32 $0xA, v3  }
0x2f9: {  	v7 =	vand.u32 $0xFFFFFF80, v5  }
0x2fa: {  	[tilespmem:v4+s11+$0x0] =	vst.idx.msk $0xffff, v6;
	v4 =	vand.u32 $0x7E, v5;
	v5 =	vadd.s32 v2, v7  }
0x2fb: {  	v6 =	vld [tilespmem:s28+$0x200];
	v4 =	vor.u32 v4, v5;
	_ =	sdelay $0x2  }
0x2fc: {  	v5 =	vadd.s32 $0xB, v3  }
0x2fd: {  	v7 =	vand.u32 $0xFFFFFF80, v5  }
.Ltmp21:
0x2fe: {  	v5 =	vand.u32 $0x7F, v5;
	[tilespmem:v4+s11+$0x0] =	vst.idx.msk $0xffff, v6;
	v6 =	vadd.s32 v2, v7;
	(pc) =	sbr.rel @p0 .LBB2_33-.Ltmp21, $2  }
0x2ff: {  	v4 =	vld [tilespmem:s28+$0x280];
	v5 =	vor.u32 v5, v6;
	_ =	sdelay $0x2  }
0x300: {  	v3 =	vadd.s32 $0xC, v3  }
0x301: {  	s24 =	sadd.s32 $0x1, s24  }
0x302: {  	p0 =	sne.s32 s24, $0x4  }
.Ltmp22:
0x303: {  	_ = 	snop;
	(pc) =	sbr.rel @p0 .LBB2_32-.Ltmp22, $2  }
0x304: {  	_ =	sdelay $0x2  }
0x305: {  	s25 =	sadd.s32 $0x2400, s25;
	[tilespmem:v5+s11+$0x0] =	vst.idx.msk $0xffff, v4  }
0x306: {  	s23 =	sadd.s32 $0x438000, s23  }
0x307: {  	s23 =	sshrl.u32 s23, $0x3  }
0x308: {  	s23 =	sadd.s32 s3, s23  }
0x309: {  	[tilespmem:s9], [sflag:$0x2] =	stream.strided.gather [hbm4b:s23+s7], $0x9000, s8, s7, $0x38;
	[tilespmem:$0x1E000] =	vst v63  }
0x30a: {  	_ =	swait.ge [sflag:s10], $0x9000  }
0x30b: {  	[sflag:s10] =	ssyncset.done $0x0  }
0x30c: {  	s23 =	simm.s32 $0x0;
	[sflag:s10] =	ssyncadd.s32 $0xFFFF7000  }
.LBB2_36:
0x30d: {  	s24 =	sor.u32 $0x10, s23  }
0x30e: {  	v2 =	vmov s24  }
0x30f: {  	v3 =	vimm.s32 $0x0;
	v2 =	vshll.u32 v2, $0x7  }
0x310: {  	v4 =	vand.u32 $0xFFFFFF80, v3;
	v2 =	vadd.s32 v1, v2  }
0x311: {  	v5 =	vand.u32 $0x7C, v3;
	v4 =	vadd.s32 v2, v4  }
0x312: {  	v6 =	vld [tilespmem:s22+$0xFFFFFD00];
	v4 =	vor.u32 v5, v4;
	_ =	sdelay $0x4  }
0x313: {  	[tilespmem:v4+s11+$0x0] =	vst.idx.msk $0xffff, v6  }
0x314: {  	v6 =	vor.u32 $0x1, v4;
	v5 =	vld [tilespmem:s22+$0xFFFFFD80];
	_ =	sdelay $0x4  }
0x315: {  	[tilespmem:v6+s11+$0x0] =	vst.idx.msk $0xffff, v5  }
0x316: {  	v6 =	vor.u32 $0x2, v4;
	v5 =	vld [tilespmem:s22+$0xFFFFFE00];
	_ =	sdelay $0x4  }
0x317: {  	[tilespmem:v6+s11+$0x0] =	vst.idx.msk $0xffff, v5  }
0x318: {  	v4 =	vor.u32 $0x3, v4;
	v5 =	vld [tilespmem:s22+$0xFFFFFE80];
	_ =	sdelay $0x2  }
0x319: {  	v6 =	vadd.s32 $0x4, v3  }
0x31a: {  	v7 =	vand.u32 $0xFFFFFF80, v6  }
0x31b: {  	[tilespmem:v4+s11+$0x0] =	vst.idx.msk $0xffff, v5;
	v4 =	vand.u32 $0x7C, v6;
	v5 =	vadd.s32 v2, v7  }
0x31c: {  	v6 =	vld [tilespmem:s22+$0xFFFFFF00];
	v4 =	vor.u32 v4, v5;
	_ =	sdelay $0x2  }
0x31d: {  	v5 =	vadd.s32 $0x5, v3  }
0x31e: {  	v7 =	vand.u32 $0xFFFFFF80, v5  }
0x31f: {  	[tilespmem:v4+s11+$0x0] =	vst.idx.msk $0xffff, v6;
	v4 =	vand.u32 $0x7D, v5;
	v5 =	vadd.s32 v2, v7  }
0x320: {  	v6 =	vld [tilespmem:s22+$0xFFFFFF80];
	v4 =	vor.u32 v4, v5;
	_ =	sdelay $0x2  }
0x321: {  	v5 =	vadd.s32 $0x6, v3  }
0x322: {  	v7 =	vand.u32 $0xFFFFFF80, v5  }
0x323: {  	[tilespmem:v4+s11+$0x0] =	vst.idx.msk $0xffff, v6;
	v4 =	vand.u32 $0x7E, v5;
	v5 =	vadd.s32 v2, v7  }
0x324: {  	v6 =	vld [tilespmem:s22+$0x0];
	v4 =	vor.u32 v4, v5;
	_ =	sdelay $0x2  }
0x325: {  	v5 =	vadd.s32 $0x7, v3  }
0x326: {  	v7 =	vand.u32 $0xFFFFFF80, v5  }
0x327: {  	[tilespmem:v4+s11+$0x0] =	vst.idx.msk $0xffff, v6;
	v4 =	vand.u32 $0x7F, v5;
	v5 =	vadd.s32 v2, v7  }
0x328: {  	v6 =	vld [tilespmem:s22+$0x80];
	v4 =	vor.u32 v4, v5;
	_ =	sdelay $0x2  }
0x329: {  	v5 =	vadd.s32 $0x8, v3  }
0x32a: {  	v7 =	vand.u32 $0xFFFFFF80, v5  }
0x32b: {  	[tilespmem:v4+s11+$0x0] =	vst.idx.msk $0xffff, v6;
	v4 =	vand.u32 $0x7C, v5;
	v5 =	vadd.s32 v2, v7  }
0x32c: {  	v6 =	vld [tilespmem:s22+$0x100];
	v4 =	vor.u32 v4, v5;
	_ =	sdelay $0x2  }
0x32d: {  	v5 =	vadd.s32 $0x9, v3  }
0x32e: {  	v7 =	vand.u32 $0xFFFFFF80, v5  }
0x32f: {  	[tilespmem:v4+s11+$0x0] =	vst.idx.msk $0xffff, v6;
	v4 =	vand.u32 $0x7D, v5;
	v5 =	vadd.s32 v2, v7  }
0x330: {  	v6 =	vld [tilespmem:s22+$0x180];
	v4 =	vor.u32 v4, v5;
	_ =	sdelay $0x2  }
0x331: {  	v5 =	vadd.s32 $0xA, v3  }
0x332: {  	v7 =	vand.u32 $0xFFFFFF80, v5  }
0x333: {  	[tilespmem:v4+s11+$0x0] =	vst.idx.msk $0xffff, v6;
	v4 =	vand.u32 $0x7E, v5;
	v5 =	vadd.s32 v2, v7  }
0x334: {  	v6 =	vld [tilespmem:s22+$0x200];
	v4 =	vor.u32 v4, v5;
	_ =	sdelay $0x2  }
0x335: {  	v5 =	vadd.s32 $0xB, v3  }
0x336: {  	v7 =	vand.u32 $0xFFFFFF80, v5  }
0x337: {  	v5 =	vand.u32 $0x7F, v5;
	[tilespmem:v4+s11+$0x0] =	vst.idx.msk $0xffff, v6;
	v6 =	vadd.s32 v2, v7  }
0x338: {  	v4 =	vld [tilespmem:s22+$0x280];
	v5 =	vor.u32 v5, v6;
	_ =	sdelay $0x2  }
0x339: {  	s25 =	smov.u32 s22;
	s24 =	simm.s32 $0x0;
	v3 =	vadd.s32 $0xC, v3  }
.LBB2_37:
0x33a: {  	v6 =	vand.u32 $0xFFFFFF80, v3;
	s24 =	sadd.s32 $0xC, s24  }
0x33b: {  	v7 =	vand.u32 $0x7C, v3;
	s25 =	sadd.s32 $0x600, s25;
	v6 =	vadd.s32 v2, v6;
	p0 =	slt.u32 s24, $0x3C;
	[tilespmem:v5+s11+$0x0] =	vst.idx.msk $0xffff, v4  }
0x33c: {  	v4 =	vld [tilespmem:s25+$0xFFFFFD00];
	v5 =	vor.u32 v7, v6;
	_ =	sdelay $0x4  }
0x33d: {  	[tilespmem:v5+s11+$0x0] =	vst.idx.msk $0xffff, v4  }
0x33e: {  	v6 =	vor.u32 $0x1, v5;
	v4 =	vld [tilespmem:s25+$0xFFFFFD80];
	_ =	sdelay $0x4  }
0x33f: {  	[tilespmem:v6+s11+$0x0] =	vst.idx.msk $0xffff, v4  }
0x340: {  	v6 =	vor.u32 $0x2, v5;
	v4 =	vld [tilespmem:s25+$0xFFFFFE00];
	_ =	sdelay $0x4  }
0x341: {  	[tilespmem:v6+s11+$0x0] =	vst.idx.msk $0xffff, v4  }
0x342: {  	v5 =	vor.u32 $0x3, v5;
	v4 =	vld [tilespmem:s25+$0xFFFFFE80];
	_ =	sdelay $0x2  }
0x343: {  	v6 =	vadd.s32 $0x4, v3  }
0x344: {  	v7 =	vand.u32 $0xFFFFFF80, v6  }
0x345: {  	[tilespmem:v5+s11+$0x0] =	vst.idx.msk $0xffff, v4;
	v4 =	vand.u32 $0x7C, v6;
	v5 =	vadd.s32 v2, v7  }
0x346: {  	v6 =	vld [tilespmem:s25+$0xFFFFFF00];
	v4 =	vor.u32 v4, v5;
	_ =	sdelay $0x2  }
0x347: {  	v5 =	vadd.s32 $0x5, v3  }
0x348: {  	v7 =	vand.u32 $0xFFFFFF80, v5  }
0x349: {  	[tilespmem:v4+s11+$0x0] =	vst.idx.msk $0xffff, v6;
	v4 =	vand.u32 $0x7D, v5;
	v5 =	vadd.s32 v2, v7  }
0x34a: {  	v6 =	vld [tilespmem:s25+$0xFFFFFF80];
	v4 =	vor.u32 v4, v5;
	_ =	sdelay $0x2  }
0x34b: {  	v5 =	vadd.s32 $0x6, v3  }
0x34c: {  	v7 =	vand.u32 $0xFFFFFF80, v5  }
0x34d: {  	[tilespmem:v4+s11+$0x0] =	vst.idx.msk $0xffff, v6;
	v4 =	vand.u32 $0x7E, v5;
	v5 =	vadd.s32 v2, v7  }
0x34e: {  	v6 =	vld [tilespmem:s25+$0x0];
	v4 =	vor.u32 v4, v5;
	_ =	sdelay $0x2  }
0x34f: {  	v5 =	vadd.s32 $0x7, v3  }
0x350: {  	v7 =	vand.u32 $0xFFFFFF80, v5  }
0x351: {  	[tilespmem:v4+s11+$0x0] =	vst.idx.msk $0xffff, v6;
	v4 =	vand.u32 $0x7F, v5;
	v5 =	vadd.s32 v2, v7  }
0x352: {  	v6 =	vld [tilespmem:s25+$0x80];
	v4 =	vor.u32 v4, v5;
	_ =	sdelay $0x2  }
0x353: {  	v5 =	vadd.s32 $0x8, v3  }
0x354: {  	v7 =	vand.u32 $0xFFFFFF80, v5  }
0x355: {  	[tilespmem:v4+s11+$0x0] =	vst.idx.msk $0xffff, v6;
	v4 =	vand.u32 $0x7C, v5;
	v5 =	vadd.s32 v2, v7  }
0x356: {  	v6 =	vld [tilespmem:s25+$0x100];
	v4 =	vor.u32 v4, v5;
	_ =	sdelay $0x2  }
0x357: {  	v5 =	vadd.s32 $0x9, v3  }
0x358: {  	v7 =	vand.u32 $0xFFFFFF80, v5  }
0x359: {  	[tilespmem:v4+s11+$0x0] =	vst.idx.msk $0xffff, v6;
	v4 =	vand.u32 $0x7D, v5;
	v5 =	vadd.s32 v2, v7  }
0x35a: {  	v6 =	vld [tilespmem:s25+$0x180];
	v4 =	vor.u32 v4, v5;
	_ =	sdelay $0x2  }
0x35b: {  	v5 =	vadd.s32 $0xA, v3  }
0x35c: {  	v7 =	vand.u32 $0xFFFFFF80, v5  }
0x35d: {  	[tilespmem:v4+s11+$0x0] =	vst.idx.msk $0xffff, v6;
	v4 =	vand.u32 $0x7E, v5;
	v5 =	vadd.s32 v2, v7  }
0x35e: {  	v6 =	vld [tilespmem:s25+$0x200];
	v4 =	vor.u32 v4, v5;
	_ =	sdelay $0x2  }
0x35f: {  	v5 =	vadd.s32 $0xB, v3  }
0x360: {  	v7 =	vand.u32 $0xFFFFFF80, v5  }
.Ltmp23:
0x361: {  	v5 =	vand.u32 $0x7F, v5;
	[tilespmem:v4+s11+$0x0] =	vst.idx.msk $0xffff, v6;
	v6 =	vadd.s32 v2, v7;
	(pc) =	sbr.rel @p0 .LBB2_37-.Ltmp23, $2  }
0x362: {  	v4 =	vld [tilespmem:s25+$0x280];
	v5 =	vor.u32 v5, v6;
	_ =	sdelay $0x2  }
0x363: {  	v3 =	vadd.s32 $0xC, v3  }
0x364: {  	s23 =	sadd.s32 $0x1, s23  }
0x365: {  	p0 =	sne.s32 s23, $0x4  }
.Ltmp24:
0x366: {  	_ = 	snop;
	(pc) =	sbr.rel @p0 .LBB2_36-.Ltmp24, $2  }
0x367: {  	_ =	sdelay $0x2  }
0x368: {  	s22 =	sadd.s32 $0x2400, s22;
	[tilespmem:v5+s11+$0x0] =	vst.idx.msk $0xffff, v4  }
0x369: {  	_ =	swait.ge [sflag:s12], $0x9000  }
0x36a: {  	[sflag:s12] =	ssyncset.done $0x0  }
0x36b: {  	s22 =	simm.s32 $0x0;
	[sflag:s12] =	ssyncadd.s32 $0xFFFF7000  }
.LBB2_40:
0x36c: {  	s23 =	sor.u32 $0x14, s22  }
0x36d: {  	v2 =	vmov s23  }
0x36e: {  	v3 =	vimm.s32 $0x0;
	v2 =	vshll.u32 v2, $0x7  }
0x36f: {  	v4 =	vand.u32 $0xFFFFFF80, v3;
	v2 =	vadd.s32 v1, v2  }
0x370: {  	v5 =	vand.u32 $0x7C, v3;
	v4 =	vadd.s32 v2, v4  }
0x371: {  	v6 =	vld [tilespmem:s21+$0xFFFFFD00];
	v4 =	vor.u32 v5, v4;
	_ =	sdelay $0x4  }
0x372: {  	[tilespmem:v4+s11+$0x0] =	vst.idx.msk $0xffff, v6  }
0x373: {  	v6 =	vor.u32 $0x1, v4;
	v5 =	vld [tilespmem:s21+$0xFFFFFD80];
	_ =	sdelay $0x4  }
0x374: {  	[tilespmem:v6+s11+$0x0] =	vst.idx.msk $0xffff, v5  }
0x375: {  	v6 =	vor.u32 $0x2, v4;
	v5 =	vld [tilespmem:s21+$0xFFFFFE00];
	_ =	sdelay $0x4  }
0x376: {  	[tilespmem:v6+s11+$0x0] =	vst.idx.msk $0xffff, v5  }
0x377: {  	v4 =	vor.u32 $0x3, v4;
	v5 =	vld [tilespmem:s21+$0xFFFFFE80];
	_ =	sdelay $0x2  }
0x378: {  	v6 =	vadd.s32 $0x4, v3  }
0x379: {  	v7 =	vand.u32 $0xFFFFFF80, v6  }
0x37a: {  	[tilespmem:v4+s11+$0x0] =	vst.idx.msk $0xffff, v5;
	v4 =	vand.u32 $0x7C, v6;
	v5 =	vadd.s32 v2, v7  }
0x37b: {  	v6 =	vld [tilespmem:s21+$0xFFFFFF00];
	v4 =	vor.u32 v4, v5;
	_ =	sdelay $0x2  }
0x37c: {  	v5 =	vadd.s32 $0x5, v3  }
0x37d: {  	v7 =	vand.u32 $0xFFFFFF80, v5  }
0x37e: {  	[tilespmem:v4+s11+$0x0] =	vst.idx.msk $0xffff, v6;
	v4 =	vand.u32 $0x7D, v5;
	v5 =	vadd.s32 v2, v7  }
0x37f: {  	v6 =	vld [tilespmem:s21+$0xFFFFFF80];
	v4 =	vor.u32 v4, v5;
	_ =	sdelay $0x2  }
0x380: {  	v5 =	vadd.s32 $0x6, v3  }
0x381: {  	v7 =	vand.u32 $0xFFFFFF80, v5  }
0x382: {  	[tilespmem:v4+s11+$0x0] =	vst.idx.msk $0xffff, v6;
	v4 =	vand.u32 $0x7E, v5;
	v5 =	vadd.s32 v2, v7  }
0x383: {  	v6 =	vld [tilespmem:s21+$0x0];
	v4 =	vor.u32 v4, v5;
	_ =	sdelay $0x2  }
0x384: {  	v5 =	vadd.s32 $0x7, v3  }
0x385: {  	v7 =	vand.u32 $0xFFFFFF80, v5  }
0x386: {  	[tilespmem:v4+s11+$0x0] =	vst.idx.msk $0xffff, v6;
	v4 =	vand.u32 $0x7F, v5;
	v5 =	vadd.s32 v2, v7  }
0x387: {  	v6 =	vld [tilespmem:s21+$0x80];
	v4 =	vor.u32 v4, v5;
	_ =	sdelay $0x2  }
0x388: {  	v5 =	vadd.s32 $0x8, v3  }
0x389: {  	v7 =	vand.u32 $0xFFFFFF80, v5  }
0x38a: {  	[tilespmem:v4+s11+$0x0] =	vst.idx.msk $0xffff, v6;
	v4 =	vand.u32 $0x7C, v5;
	v5 =	vadd.s32 v2, v7  }
0x38b: {  	v6 =	vld [tilespmem:s21+$0x100];
	v4 =	vor.u32 v4, v5;
	_ =	sdelay $0x2  }
0x38c: {  	v5 =	vadd.s32 $0x9, v3  }
0x38d: {  	v7 =	vand.u32 $0xFFFFFF80, v5  }
0x38e: {  	[tilespmem:v4+s11+$0x0] =	vst.idx.msk $0xffff, v6;
	v4 =	vand.u32 $0x7D, v5;
	v5 =	vadd.s32 v2, v7  }
0x38f: {  	v6 =	vld [tilespmem:s21+$0x180];
	v4 =	vor.u32 v4, v5;
	_ =	sdelay $0x2  }
0x390: {  	v5 =	vadd.s32 $0xA, v3  }
0x391: {  	v7 =	vand.u32 $0xFFFFFF80, v5  }
0x392: {  	[tilespmem:v4+s11+$0x0] =	vst.idx.msk $0xffff, v6;
	v4 =	vand.u32 $0x7E, v5;
	v5 =	vadd.s32 v2, v7  }
0x393: {  	v6 =	vld [tilespmem:s21+$0x200];
	v4 =	vor.u32 v4, v5;
	_ =	sdelay $0x2  }
0x394: {  	v5 =	vadd.s32 $0xB, v3  }
0x395: {  	v7 =	vand.u32 $0xFFFFFF80, v5  }
0x396: {  	v5 =	vand.u32 $0x7F, v5;
	[tilespmem:v4+s11+$0x0] =	vst.idx.msk $0xffff, v6;
	v6 =	vadd.s32 v2, v7  }
0x397: {  	v4 =	vld [tilespmem:s21+$0x280];
	v5 =	vor.u32 v5, v6;
	_ =	sdelay $0x2  }
0x398: {  	s24 =	smov.u32 s21;
	s23 =	simm.s32 $0x0;
	v3 =	vadd.s32 $0xC, v3  }
.LBB2_41:
0x399: {  	v6 =	vand.u32 $0xFFFFFF80, v3;
	s23 =	sadd.s32 $0xC, s23  }
0x39a: {  	v7 =	vand.u32 $0x7C, v3;
	s24 =	sadd.s32 $0x600, s24;
	v6 =	vadd.s32 v2, v6;
	p0 =	slt.u32 s23, $0x3C;
	[tilespmem:v5+s11+$0x0] =	vst.idx.msk $0xffff, v4  }
0x39b: {  	v4 =	vld [tilespmem:s24+$0xFFFFFD00];
	v5 =	vor.u32 v7, v6;
	_ =	sdelay $0x4  }
0x39c: {  	[tilespmem:v5+s11+$0x0] =	vst.idx.msk $0xffff, v4  }
0x39d: {  	v6 =	vor.u32 $0x1, v5;
	v4 =	vld [tilespmem:s24+$0xFFFFFD80];
	_ =	sdelay $0x4  }
0x39e: {  	[tilespmem:v6+s11+$0x0] =	vst.idx.msk $0xffff, v4  }
0x39f: {  	v6 =	vor.u32 $0x2, v5;
	v4 =	vld [tilespmem:s24+$0xFFFFFE00];
	_ =	sdelay $0x4  }
0x3a0: {  	[tilespmem:v6+s11+$0x0] =	vst.idx.msk $0xffff, v4  }
0x3a1: {  	v5 =	vor.u32 $0x3, v5;
	v4 =	vld [tilespmem:s24+$0xFFFFFE80];
	_ =	sdelay $0x2  }
0x3a2: {  	v6 =	vadd.s32 $0x4, v3  }
0x3a3: {  	v7 =	vand.u32 $0xFFFFFF80, v6  }
0x3a4: {  	[tilespmem:v5+s11+$0x0] =	vst.idx.msk $0xffff, v4;
	v4 =	vand.u32 $0x7C, v6;
	v5 =	vadd.s32 v2, v7  }
0x3a5: {  	v6 =	vld [tilespmem:s24+$0xFFFFFF00];
	v4 =	vor.u32 v4, v5;
	_ =	sdelay $0x2  }
0x3a6: {  	v5 =	vadd.s32 $0x5, v3  }
0x3a7: {  	v7 =	vand.u32 $0xFFFFFF80, v5  }
0x3a8: {  	[tilespmem:v4+s11+$0x0] =	vst.idx.msk $0xffff, v6;
	v4 =	vand.u32 $0x7D, v5;
	v5 =	vadd.s32 v2, v7  }
0x3a9: {  	v6 =	vld [tilespmem:s24+$0xFFFFFF80];
	v4 =	vor.u32 v4, v5;
	_ =	sdelay $0x2  }
0x3aa: {  	v5 =	vadd.s32 $0x6, v3  }
0x3ab: {  	v7 =	vand.u32 $0xFFFFFF80, v5  }
0x3ac: {  	[tilespmem:v4+s11+$0x0] =	vst.idx.msk $0xffff, v6;
	v4 =	vand.u32 $0x7E, v5;
	v5 =	vadd.s32 v2, v7  }
0x3ad: {  	v6 =	vld [tilespmem:s24+$0x0];
	v4 =	vor.u32 v4, v5;
	_ =	sdelay $0x2  }
0x3ae: {  	v5 =	vadd.s32 $0x7, v3  }
0x3af: {  	v7 =	vand.u32 $0xFFFFFF80, v5  }
0x3b0: {  	[tilespmem:v4+s11+$0x0] =	vst.idx.msk $0xffff, v6;
	v4 =	vand.u32 $0x7F, v5;
	v5 =	vadd.s32 v2, v7  }
0x3b1: {  	v6 =	vld [tilespmem:s24+$0x80];
	v4 =	vor.u32 v4, v5;
	_ =	sdelay $0x2  }
0x3b2: {  	v5 =	vadd.s32 $0x8, v3  }
0x3b3: {  	v7 =	vand.u32 $0xFFFFFF80, v5  }
0x3b4: {  	[tilespmem:v4+s11+$0x0] =	vst.idx.msk $0xffff, v6;
	v4 =	vand.u32 $0x7C, v5;
	v5 =	vadd.s32 v2, v7  }
0x3b5: {  	v6 =	vld [tilespmem:s24+$0x100];
	v4 =	vor.u32 v4, v5;
	_ =	sdelay $0x2  }
0x3b6: {  	v5 =	vadd.s32 $0x9, v3  }
0x3b7: {  	v7 =	vand.u32 $0xFFFFFF80, v5  }
0x3b8: {  	[tilespmem:v4+s11+$0x0] =	vst.idx.msk $0xffff, v6;
	v4 =	vand.u32 $0x7D, v5;
	v5 =	vadd.s32 v2, v7  }
0x3b9: {  	v6 =	vld [tilespmem:s24+$0x180];
	v4 =	vor.u32 v4, v5;
	_ =	sdelay $0x2  }
0x3ba: {  	v5 =	vadd.s32 $0xA, v3  }
0x3bb: {  	v7 =	vand.u32 $0xFFFFFF80, v5  }
0x3bc: {  	[tilespmem:v4+s11+$0x0] =	vst.idx.msk $0xffff, v6;
	v4 =	vand.u32 $0x7E, v5;
	v5 =	vadd.s32 v2, v7  }
0x3bd: {  	v6 =	vld [tilespmem:s24+$0x200];
	v4 =	vor.u32 v4, v5;
	_ =	sdelay $0x2  }
0x3be: {  	v5 =	vadd.s32 $0xB, v3  }
0x3bf: {  	v7 =	vand.u32 $0xFFFFFF80, v5  }
.Ltmp25:
0x3c0: {  	v5 =	vand.u32 $0x7F, v5;
	[tilespmem:v4+s11+$0x0] =	vst.idx.msk $0xffff, v6;
	v6 =	vadd.s32 v2, v7;
	(pc) =	sbr.rel @p0 .LBB2_41-.Ltmp25, $2  }
0x3c1: {  	v4 =	vld [tilespmem:s24+$0x280];
	v5 =	vor.u32 v5, v6;
	_ =	sdelay $0x2  }
0x3c2: {  	v3 =	vadd.s32 $0xC, v3  }
0x3c3: {  	s22 =	sadd.s32 $0x1, s22  }
0x3c4: {  	p0 =	sne.s32 s22, $0x4  }
.Ltmp26:
0x3c5: {  	_ = 	snop;
	(pc) =	sbr.rel @p0 .LBB2_40-.Ltmp26, $2  }
0x3c6: {  	_ =	sdelay $0x2  }
0x3c7: {  	s21 =	sadd.s32 $0x2400, s21;
	[tilespmem:v5+s11+$0x0] =	vst.idx.msk $0xffff, v4  }
0x3c8: {  	s19 =	smul.u32 $0xB40, s19  }
0x3c9: {  	s20 =	smul.u32 $0x180, s20;
	_ =	sdelay $0x1  }
0x3ca: {  	s18 =	smul.u32 $0x32A000, s18;
	s19 =	sadd.s32 s20, s19  }
0x3cb: {  	s19 =	sshll.u32 s19, $0x7  }
0x3cc: {  	s18 =	sadd.s32 s18, s19  }
0x3cd: {  	s18 =	sadd.s32 $0x1E000, s18  }
0x3ce: {  	s18 =	sshrl.u32 s18, $0x3  }
.Ltmp27:
0x3cf: {  	s18 =	sadd.s32 s4, s18;
	(pc) =	sbr.rel .LBB2_44-.Ltmp27, $4  }
0x3d0: {  	[hbm4b:s18+s1] =	stream.linear.scatter [tilespmem:s11], [sflag:$0x3], $0xC000, $0x38;
	[tilespmem:$0x1E000] =	vst v63  }
0x3d1: {  	_ =	swait.ge [sflag:s13], $0xC000  }
0x3d2: {  	[sflag:s13] =	ssyncset.done $0x0  }
0x3d3: {  	[sflag:s13] =	ssyncadd.s32 $0xFFFF4000  }
.LBB2_46:
0x3d4: {  	_ =	sfence.sel $0x180000  }
0x3d5: {  	[bflag:$0x0] =	sbarrier.arrive $0xFFFF  }
0x3d6: {  	p0 =	sne.s32 s2, $0x0;
	_ =	strace $0x90000047  }
0x3d7: {  	s0 =	sadd.s32 @!p0 $0x100000, s0;
	[bflag:$0x2] =	sbarrier.arrive $0xFFFF  }
0x3d8: {  	[sflag:s0] =	ssyncadd.tile.s32 @!p0 $0x1;
	_ =	shalt  }
.Lfunc_end2:
_tile_overlayer_lowered:
.L_overlay_start_2:
0x3d9: {  	(tag) =	ssettag $0x2  }
0x3da: {  	s0 =	rddreg [dreg:$0x0];
	s2 =	stileid.u32  }
0x3db: {  	s1 =	rddreg [dreg:$0x1];
	p0 =	sne.s32 s2, $0x0  }
0x3dc: {  	s3 =	rddreg [dreg:$0x2];
	[bflag:$0x3] =	sbarrier.arrive $0xFFFF;
	s2 =	simm.s32 @!p0 $0x1C03  }
0x3dd: {  	[timem:s3], [sflag:s2] =	dma.local @!p0 [hbm:s0], s1  }
0x3de: {  	s0 =	simm.s32 @!p0 $0x3  }
0x3df: {  	_ =	swait.ge @!p0 [sflag:s0], s1  }
0x3e0: {  	s1 =	ssub.s32 @!p0 $0x0, s1;
	[sflag:s0] =	ssyncset.done @!p0 $0x0  }
0x3e1: {  	[sflag:s0] =	ssyncadd.s32 @!p0 s1  }
0x3e2: {  	[bflag:$0x3] =	sbarrier.arrive $0xFFFF  }
0x3e3: {  	_ =	shalt  }

</sc_bundles>
